<compile_context>
chip_gen: v7x
topology: tpu7x:2x2x1
jax: 0.10.2.dev20260603
libtpu: 0.0.44.dev20260713+nightly
codegen_flags: <defaults>
</compile_context>

<pallas_src>
import functools

import jax
import jax.numpy as jnp
from jax import lax
from jax.experimental import pallas as pl
from jax.experimental.pallas import tpu as pltpu
from jax.experimental.pallas import tpu_sc as plsc

B = 4096
C = 20
N_NEGS = 20
D = 32
NUM_WORKERS = 32
EPW = B // NUM_WORKERS
NROW = C + C * N_NEGS
ROWS = 432
NBLK = ROWS // 16
NBUF = 4


def _sc_scores(iv_all, idx_flat, w_o):
  mesh = plsc.VectorSubcoreMesh(core_axis_name="c", subcore_axis_name="s")

  @functools.partial(
      pl.kernel,
      out_type=jax.ShapeDtypeStruct((B * ROWS,), jnp.float32),
      mesh=mesh,
      compiler_params=pltpu.CompilerParams(
          needs_layout_passes=False, use_tc_tiling_on_sc=False),
      scratch_types=[
          pltpu.VMEM((EPW, D), jnp.float32),
          pltpu.VMEM((EPW * ROWS,), jnp.int32),
          *([pltpu.VMEM((ROWS, D), jnp.float32)] * NBUF),
          *([pltpu.VMEM((ROWS,), jnp.float32)] * NBUF),
          *([pltpu.SemaphoreType.DMA] * NBUF),
          *([pltpu.SemaphoreType.DMA] * NBUF),
      ],
  )
  def kern(iv_hbm, idx_hbm, wo_hbm, out_hbm, iv_v, idx_v,
           rb0, rb1, rb2, rb3, sc0, sc1, sc2, sc3,
           g0, g1, g2, g3, o0, o1, o2, o3):
    rbs = (rb0, rb1, rb2, rb3)
    scs = (sc0, sc1, sc2, sc3)
    gsems = (g0, g1, g2, g3)
    osems = (o0, o1, o2, o3)
    cid = lax.axis_index("c")
    sid = lax.axis_index("s")
    wid = sid * 2 + cid
    base = wid * EPW

    pltpu.sync_copy(iv_hbm.at[pl.ds(base, EPW)], iv_v)
    pltpu.sync_copy(idx_hbm.at[pl.ds(base * ROWS, EPW * ROWS)], idx_v)

    lane = lax.iota(jnp.int32, 16)

    chunks = ((0, 128), (128, 128), (256, 128), (384, NROW - 384))

    def fire(e, rb, sem):
      off = e * ROWS
      for (o, n) in chunks:
        pltpu.async_copy(wo_hbm.at[idx_v.at[pl.ds(off + o, n)]],
                         rb.at[pl.ds(o, n)], sem)

    def drain_gather(rb, sem):
      pltpu.make_async_copy(
          wo_hbm.at[pl.ds(0, NROW)], rb.at[pl.ds(0, NROW)], sem).wait()

    def drain_score(sc, sem):
      pltpu.make_async_copy(sc, out_hbm.at[pl.ds(0, ROWS)], sem).wait()

    def compute(e, rb, sc):
      iv0 = iv_v[e, 0:16]
      iv1 = iv_v[e, 16:32]

      def blk_body(blk, carry):
        sv = jnp.zeros((16,), jnp.float32)
        for j in range(16):
          r0 = rb[blk * 16 + j, 0:16]
          r1 = rb[blk * 16 + j, 16:32]
          s = jnp.sum(r0 * iv0 + r1 * iv1)
          sv = jnp.where(lane == j, s, sv)
        sc[pl.ds(blk * 16, 16)] = sv
        return carry

      lax.fori_loop(0, NBLK, blk_body, 0)

    for k in range(NBUF):
      fire(k, rbs[k], gsems[k])

    def loop_body(i, carry):
      e0 = i * NBUF
      for k in range(NBUF):
        e = e0 + k
        drain_gather(rbs[k], gsems[k])

        @pl.when(i >= 1)
        def _():
          drain_score(scs[k], osems[k])

        compute(e, rbs[k], scs[k])

        @pl.when(e + NBUF < EPW)
        def _():
          fire(e + NBUF, rbs[k], gsems[k])

        pltpu.async_copy(scs[k], out_hbm.at[pl.ds((base + e) * ROWS, ROWS)],
                         osems[k])
      return carry

    lax.fori_loop(0, EPW // NBUF, loop_body, 0)
    for k in range(NBUF):
      drain_score(scs[k], osems[k])

  return kern(iv_all, idx_flat, w_o)


def _tc_loss(scores_flat):
  rows = (B * ROWS) // 128

  def kern(s_ref, o_ref):
    s = s_ref[...]
    p = (lax.broadcasted_iota(jnp.int32, (rows, 128), 0) * 128
         + lax.broadcasted_iota(jnp.int32, (rows, 128), 1))
    col = lax.rem(p, ROWS)
    x = jnp.where(col < C, -s, s)
    sp = jnp.maximum(x, 0.0) + jnp.log(1.0 + jnp.exp(-jnp.abs(x)))
    term = jnp.where(col < NROW, sp, 0.0)
    o_ref[0, 0] = jnp.sum(term) * (1.0 / (B * C))

  out = pl.pallas_call(
      kern,
      out_shape=jax.ShapeDtypeStruct((1, 1), jnp.float32),
      in_specs=[pl.BlockSpec(memory_space=pltpu.VMEM)],
      out_specs=pl.BlockSpec(memory_space=pltpu.SMEM),
  )(scores_flat.reshape(rows, 128))
  return out[0, 0]


def kernel(iword, owords, W_i, W_o):
  batch_size = iword.shape[0]
  context_size = owords.shape[1]
  vocab = W_o.shape[0]
  nwords = jax.random.randint(
      jax.random.key(42), (batch_size, context_size * N_NEGS), 0, vocab - 1)
  pad = jnp.zeros((batch_size, ROWS - NROW), jnp.int32)
  idx = jnp.concatenate(
      [owords.astype(jnp.int32), nwords.astype(jnp.int32), pad], axis=1)
  iv_all = jnp.take(W_i.astype(jnp.float32), iword, axis=0)
  scores = _sc_scores(iv_all, idx.reshape(-1), W_o.astype(jnp.float32))
  return _tc_loss(scores)

# --- scband reference (transcript-rebuilt; emitter-appended) ---
"""Pipeline reference for scband-sgns-50122268345038 (READ-ONLY COPY).

The authoritative reference and input builder live on the scoring server;
editing this copy changes nothing except your own understanding.
"""

import jax, jax.numpy as jnp
import numpy as np

VOCAB = 1000000
DIM = 32
B = 4096
C = 20
N_NEGS = 20

def setup_inputs(seed: int = 0) -> dict:
    key = jax.random.key(seed)
    k1, k2, k3, k4 = jax.random.split(key, 4)
    iword = jax.random.randint(k1, (B,), 0, VOCAB, dtype=jnp.int64) if jax.config.jax_enable_x64 else jax.random.randint(k1, (B,), 0, VOCAB, dtype=jnp.int32)
    owords = jax.random.randint(k2, (B, C), 0, VOCAB, dtype=iword.dtype)
    # learned parameters: input (center) and output (context) embedding tables
    W_i = jax.random.normal(k3, (VOCAB, DIM), dtype=jnp.float32) * 0.02
    W_o = jax.random.normal(k4, (VOCAB, DIM), dtype=jnp.float32) * 0.02
    return {"iword": iword, "owords": owords, "W_i": W_i, "W_o": W_o}

def reference(iword, owords, W_i, W_o):
    batch_size = iword.shape[0]
    context_size = owords.shape[1]
    # negatives drawn uniformly (weights=None path); fixed key for determinism
    nwords = jax.random.randint(jax.random.key(42), (batch_size, context_size * N_NEGS), 0, VOCAB - 1)
    ivectors = jnp.take(W_i, iword, axis=0)[:, :, None]          # [B, D, 1]
    ovectors = jnp.take(W_o, owords, axis=0)                      # [B, C, D]
    nvectors = -jnp.take(W_o, nwords, axis=0)                     # [B, C*N, D]
    oscore = jnp.squeeze(jnp.matmul(ovectors, ivectors), -1)      # [B, C]
    nscore = jnp.squeeze(jnp.matmul(nvectors, ivectors), -1)      # [B, C*N]
    oloss = jnp.log(jax.nn.sigmoid(oscore)).mean(axis=1)          # [B]
    nloss = jnp.log(jax.nn.sigmoid(nscore)).reshape(-1, context_size, N_NEGS).sum(axis=2).mean(axis=1)  # [B]
    return -(oloss + nloss).mean()

if __name__ == "__main__":
    import jax
    _d = setup_inputs()
    print(jax.jit(kernel)(*tuple(_d.values())))

</pallas_src>

<mosaic_0001>
#map = affine_map<(d0, d1) -> (0, 0)>
#map1 = affine_map<(d0, d1) -> (0)>
module attributes {stable_mosaic.version = 14 : i64} {
  func.func @kern(%arg0: i32, %arg1: i32, %arg2: memref<4096x32xf32, #tpu.memory_space<hbm>>, %arg3: memref<1769472xi32, #tpu.memory_space<hbm>>, %arg4: memref<1000000x32xf32, #tpu.memory_space<hbm>>, %arg5: memref<1769472xf32, #tpu.memory_space<hbm>>, %arg6: memref<128x32xf32, #tpu.memory_space<vmem>>, %arg7: memref<55296xi32, #tpu.memory_space<vmem>>, %arg8: memref<432x32xf32, #tpu.memory_space<vmem>>, %arg9: memref<432x32xf32, #tpu.memory_space<vmem>>, %arg10: memref<432x32xf32, #tpu.memory_space<vmem>>, %arg11: memref<432x32xf32, #tpu.memory_space<vmem>>, %arg12: memref<432xf32, #tpu.memory_space<vmem>>, %arg13: memref<432xf32, #tpu.memory_space<vmem>>, %arg14: memref<432xf32, #tpu.memory_space<vmem>>, %arg15: memref<432xf32, #tpu.memory_space<vmem>>, %arg16: memref<!tpu.dma_semaphore, #tpu.memory_space<semaphore_mem>>, %arg17: memref<!tpu.dma_semaphore, #tpu.memory_space<semaphore_mem>>, %arg18: memref<!tpu.dma_semaphore, #tpu.memory_space<semaphore_mem>>, %arg19: memref<!tpu.dma_semaphore, #tpu.memory_space<semaphore_mem>>, %arg20: memref<!tpu.dma_semaphore, #tpu.memory_space<semaphore_mem>>, %arg21: memref<!tpu.dma_semaphore, #tpu.memory_space<semaphore_mem>>, %arg22: memref<!tpu.dma_semaphore, #tpu.memory_space<semaphore_mem>>, %arg23: memref<!tpu.dma_semaphore, #tpu.memory_space<semaphore_mem>>) attributes {dimension_semantics = [#tpu.dimension_semantics<core_parallel>, #tpu.dimension_semantics<subcore_parallel>], iteration_bounds = array<i64: 2, 16>, scalar_prefetch = 0 : i64, scratch_operands = 18 : i64, tpu.core_type = #tpu.core_type<sc_vector_subcore>, window_params = [{transform_indices = #map}, {transform_indices = #map1}, {transform_indices = #map}, {transform_indices = #map1}]} {
    %mul3A = arith.constant 2 : i32
    %mul3A_0 = arith.muli %arg1, %mul3A : i32
    %add3A = arith.addi %mul3A_0, %arg0 : i32
    %mul3A_1 = arith.constant 128 : i32
    %mul3A_2 = arith.muli %add3A, %mul3A_1 : i32
    "tpu.region"() ({
      %run_scoped3A = tpu.sem_alloc : memref<!tpu.dma_semaphore, #tpu.memory_space<semaphore_mem>>
      %dma_start3A_152 = arith.constant 0 : i32
      %dma_start3A_153 = tpu.memref_slice %arg2[%mul3A_2, %dma_start3A_152] : memref<4096x32xf32, #tpu.memory_space<hbm>> -> memref<128x32xf32, #tpu.memory_space<hbm>>
      %dma_start3A_154 = arith.constant 0 : i32
      %dma_start3A_155 = tpu.memref_slice %arg2[%mul3A_2, %dma_start3A_154] : memref<4096x32xf32, #tpu.memory_space<hbm>> -> memref<128x32xf32, #tpu.memory_space<hbm>>
      tpu.enqueue_dma source(%dma_start3A_155 : memref<128x32xf32, #tpu.memory_space<hbm>>) target(%arg6 : memref<128x32xf32, #tpu.memory_space<vmem>>) target_semaphore(%run_scoped3A : memref<!tpu.dma_semaphore, #tpu.memory_space<semaphore_mem>>)
      %dma_wait3A_156 = arith.constant 0 : i32
      %dma_wait3A_157 = tpu.memref_slice %arg2[%mul3A_2, %dma_wait3A_156] : memref<4096x32xf32, #tpu.memory_space<hbm>> -> memref<128x32xf32, #tpu.memory_space<hbm>>
      %dma_wait3A_158 = arith.constant 0 : i32
      %dma_wait3A_159 = tpu.memref_slice %arg2[%mul3A_2, %dma_wait3A_158] : memref<4096x32xf32, #tpu.memory_space<hbm>> -> memref<128x32xf32, #tpu.memory_space<hbm>>
      tpu.wait_dma2 semaphore(%run_scoped3A : memref<!tpu.dma_semaphore, #tpu.memory_space<semaphore_mem>>) src(%dma_wait3A_159 : memref<128x32xf32, #tpu.memory_space<hbm>>) dst(%arg6 : memref<128x32xf32, #tpu.memory_space<vmem>>)
      tpu.yield
    }) : () -> ()
    %mul3A_3 = arith.constant 432 : i32
    %mul3A_4 = arith.muli %mul3A_2, %mul3A_3 : i32
    "tpu.region"() ({
      %run_scoped3A = tpu.sem_alloc : memref<!tpu.dma_semaphore, #tpu.memory_space<semaphore_mem>>
      %dma_start3A_152 = tpu.memref_slice %arg3[%mul3A_4] : memref<1769472xi32, #tpu.memory_space<hbm>> -> memref<55296xi32, #tpu.memory_space<hbm>>
      %dma_start3A_153 = tpu.memref_slice %arg3[%mul3A_4] : memref<1769472xi32, #tpu.memory_space<hbm>> -> memref<55296xi32, #tpu.memory_space<hbm>>
      tpu.enqueue_dma source(%dma_start3A_153 : memref<55296xi32, #tpu.memory_space<hbm>>) target(%arg7 : memref<55296xi32, #tpu.memory_space<vmem>>) target_semaphore(%run_scoped3A : memref<!tpu.dma_semaphore, #tpu.memory_space<semaphore_mem>>)
      %dma_wait3A_154 = tpu.memref_slice %arg3[%mul3A_4] : memref<1769472xi32, #tpu.memory_space<hbm>> -> memref<55296xi32, #tpu.memory_space<hbm>>
      %dma_wait3A_155 = tpu.memref_slice %arg3[%mul3A_4] : memref<1769472xi32, #tpu.memory_space<hbm>> -> memref<55296xi32, #tpu.memory_space<hbm>>
      tpu.wait_dma2 semaphore(%run_scoped3A : memref<!tpu.dma_semaphore, #tpu.memory_space<semaphore_mem>>) src(%dma_wait3A_155 : memref<55296xi32, #tpu.memory_space<hbm>>) dst(%arg7 : memref<55296xi32, #tpu.memory_space<vmem>>)
      tpu.yield
    }) : () -> ()
    %iota3A = tpu.iota {dimensions = array<i32: 0>} : vector<16xi32>
    %dma_start3A = arith.constant 0 : i32
    %dma_start3A_5 = arith.constant 0 : i32
    %dma_start3A_6 = tpu.memref_slice %arg8[%dma_start3A, %dma_start3A_5] : memref<432x32xf32, #tpu.memory_space<vmem>> -> memref<128x32xf32, #tpu.memory_space<vmem>>
    %dma_start3A_7 = arith.constant 0 : i32
    %dma_start3A_8 = tpu.memref_slice %arg7[%dma_start3A_7] : memref<55296xi32, #tpu.memory_space<vmem>> -> memref<128xi32, #tpu.memory_space<vmem>>
    %dma_start3A_9 = arith.constant 0 : i32
    %dma_start3A_10 = arith.constant 0 : i32
    %dma_start3A_11 = tpu.memref_slice %arg4[%dma_start3A_9, %dma_start3A_10] : memref<1000000x32xf32, #tpu.memory_space<hbm>> -> memref<1000000x32xf32, #tpu.memory_space<hbm>>
    tpu.enqueue_indirect_dma source(%dma_start3A_11 : memref<1000000x32xf32, #tpu.memory_space<hbm>>) target(%dma_start3A_6 : memref<128x32xf32, #tpu.memory_space<vmem>>) offsets(%dma_start3A_8 : memref<128xi32, #tpu.memory_space<vmem>>) semaphore(%arg16 : memref<!tpu.dma_semaphore, #tpu.memory_space<semaphore_mem>>)
    %dma_start3A_12 = arith.constant 128 : i32
    %dma_start3A_13 = arith.constant 0 : i32
    %dma_start3A_14 = tpu.memref_slice %arg8[%dma_start3A_12, %dma_start3A_13] : memref<432x32xf32, #tpu.memory_space<vmem>> -> memref<128x32xf32, #tpu.memory_space<vmem>>
    %dma_start3A_15 = arith.constant 128 : i32
    %dma_start3A_16 = tpu.memref_slice %arg7[%dma_start3A_15] : memref<55296xi32, #tpu.memory_space<vmem>> -> memref<128xi32, #tpu.memory_space<vmem>>
    %dma_start3A_17 = arith.constant 0 : i32
    %dma_start3A_18 = arith.constant 0 : i32
    %dma_start3A_19 = tpu.memref_slice %arg4[%dma_start3A_17, %dma_start3A_18] : memref<1000000x32xf32, #tpu.memory_space<hbm>> -> memref<1000000x32xf32, #tpu.memory_space<hbm>>
    tpu.enqueue_indirect_dma source(%dma_start3A_19 : memref<1000000x32xf32, #tpu.memory_space<hbm>>) target(%dma_start3A_14 : memref<128x32xf32, #tpu.memory_space<vmem>>) offsets(%dma_start3A_16 : memref<128xi32, #tpu.memory_space<vmem>>) semaphore(%arg16 : memref<!tpu.dma_semaphore, #tpu.memory_space<semaphore_mem>>)
    %dma_start3A_20 = arith.constant 256 : i32
    %dma_start3A_21 = arith.constant 0 : i32
    %dma_start3A_22 = tpu.memref_slice %arg8[%dma_start3A_20, %dma_start3A_21] : memref<432x32xf32, #tpu.memory_space<vmem>> -> memref<128x32xf32, #tpu.memory_space<vmem>>
    %dma_start3A_23 = arith.constant 256 : i32
    %dma_start3A_24 = tpu.memref_slice %arg7[%dma_start3A_23] : memref<55296xi32, #tpu.memory_space<vmem>> -> memref<128xi32, #tpu.memory_space<vmem>>
    %dma_start3A_25 = arith.constant 0 : i32
    %dma_start3A_26 = arith.constant 0 : i32
    %dma_start3A_27 = tpu.memref_slice %arg4[%dma_start3A_25, %dma_start3A_26] : memref<1000000x32xf32, #tpu.memory_space<hbm>> -> memref<1000000x32xf32, #tpu.memory_space<hbm>>
    tpu.enqueue_indirect_dma source(%dma_start3A_27 : memref<1000000x32xf32, #tpu.memory_space<hbm>>) target(%dma_start3A_22 : memref<128x32xf32, #tpu.memory_space<vmem>>) offsets(%dma_start3A_24 : memref<128xi32, #tpu.memory_space<vmem>>) semaphore(%arg16 : memref<!tpu.dma_semaphore, #tpu.memory_space<semaphore_mem>>)
    %dma_start3A_28 = arith.constant 384 : i32
    %dma_start3A_29 = arith.constant 0 : i32
    %dma_start3A_30 = tpu.memref_slice %arg8[%dma_start3A_28, %dma_start3A_29] : memref<432x32xf32, #tpu.memory_space<vmem>> -> memref<36x32xf32, #tpu.memory_space<vmem>>
    %dma_start3A_31 = arith.constant 384 : i32
    %dma_start3A_32 = tpu.memref_slice %arg7[%dma_start3A_31] : memref<55296xi32, #tpu.memory_space<vmem>> -> memref<36xi32, #tpu.memory_space<vmem>>
    %dma_start3A_33 = arith.constant 0 : i32
    %dma_start3A_34 = arith.constant 0 : i32
    %dma_start3A_35 = tpu.memref_slice %arg4[%dma_start3A_33, %dma_start3A_34] : memref<1000000x32xf32, #tpu.memory_space<hbm>> -> memref<1000000x32xf32, #tpu.memory_space<hbm>>
    tpu.enqueue_indirect_dma source(%dma_start3A_35 : memref<1000000x32xf32, #tpu.memory_space<hbm>>) target(%dma_start3A_30 : memref<36x32xf32, #tpu.memory_space<vmem>>) offsets(%dma_start3A_32 : memref<36xi32, #tpu.memory_space<vmem>>) semaphore(%arg16 : memref<!tpu.dma_semaphore, #tpu.memory_space<semaphore_mem>>)
    %dma_start3A_36 = arith.constant 0 : i32
    %dma_start3A_37 = arith.constant 0 : i32
    %dma_start3A_38 = tpu.memref_slice %arg9[%dma_start3A_36, %dma_start3A_37] : memref<432x32xf32, #tpu.memory_space<vmem>> -> memref<128x32xf32, #tpu.memory_space<vmem>>
    %dma_start3A_39 = arith.constant 432 : i32
    %dma_start3A_40 = tpu.memref_slice %arg7[%dma_start3A_39] : memref<55296xi32, #tpu.memory_space<vmem>> -> memref<128xi32, #tpu.memory_space<vmem>>
    %dma_start3A_41 = arith.constant 0 : i32
    %dma_start3A_42 = arith.constant 0 : i32
    %dma_start3A_43 = tpu.memref_slice %arg4[%dma_start3A_41, %dma_start3A_42] : memref<1000000x32xf32, #tpu.memory_space<hbm>> -> memref<1000000x32xf32, #tpu.memory_space<hbm>>
    tpu.enqueue_indirect_dma source(%dma_start3A_43 : memref<1000000x32xf32, #tpu.memory_space<hbm>>) target(%dma_start3A_38 : memref<128x32xf32, #tpu.memory_space<vmem>>) offsets(%dma_start3A_40 : memref<128xi32, #tpu.memory_space<vmem>>) semaphore(%arg17 : memref<!tpu.dma_semaphore, #tpu.memory_space<semaphore_mem>>)
    %dma_start3A_44 = arith.constant 128 : i32
    %dma_start3A_45 = arith.constant 0 : i32
    %dma_start3A_46 = tpu.memref_slice %arg9[%dma_start3A_44, %dma_start3A_45] : memref<432x32xf32, #tpu.memory_space<vmem>> -> memref<128x32xf32, #tpu.memory_space<vmem>>
    %dma_start3A_47 = arith.constant 560 : i32
    %dma_start3A_48 = tpu.memref_slice %arg7[%dma_start3A_47] : memref<55296xi32, #tpu.memory_space<vmem>> -> memref<128xi32, #tpu.memory_space<vmem>>
    %dma_start3A_49 = arith.constant 0 : i32
    %dma_start3A_50 = arith.constant 0 : i32
    %dma_start3A_51 = tpu.memref_slice %arg4[%dma_start3A_49, %dma_start3A_50] : memref<1000000x32xf32, #tpu.memory_space<hbm>> -> memref<1000000x32xf32, #tpu.memory_space<hbm>>
    tpu.enqueue_indirect_dma source(%dma_start3A_51 : memref<1000000x32xf32, #tpu.memory_space<hbm>>) target(%dma_start3A_46 : memref<128x32xf32, #tpu.memory_space<vmem>>) offsets(%dma_start3A_48 : memref<128xi32, #tpu.memory_space<vmem>>) semaphore(%arg17 : memref<!tpu.dma_semaphore, #tpu.memory_space<semaphore_mem>>)
    %dma_start3A_52 = arith.constant 256 : i32
    %dma_start3A_53 = arith.constant 0 : i32
    %dma_start3A_54 = tpu.memref_slice %arg9[%dma_start3A_52, %dma_start3A_53] : memref<432x32xf32, #tpu.memory_space<vmem>> -> memref<128x32xf32, #tpu.memory_space<vmem>>
    %dma_start3A_55 = arith.constant 688 : i32
    %dma_start3A_56 = tpu.memref_slice %arg7[%dma_start3A_55] : memref<55296xi32, #tpu.memory_space<vmem>> -> memref<128xi32, #tpu.memory_space<vmem>>
    %dma_start3A_57 = arith.constant 0 : i32
    %dma_start3A_58 = arith.constant 0 : i32
    %dma_start3A_59 = tpu.memref_slice %arg4[%dma_start3A_57, %dma_start3A_58] : memref<1000000x32xf32, #tpu.memory_space<hbm>> -> memref<1000000x32xf32, #tpu.memory_space<hbm>>
    tpu.enqueue_indirect_dma source(%dma_start3A_59 : memref<1000000x32xf32, #tpu.memory_space<hbm>>) target(%dma_start3A_54 : memref<128x32xf32, #tpu.memory_space<vmem>>) offsets(%dma_start3A_56 : memref<128xi32, #tpu.memory_space<vmem>>) semaphore(%arg17 : memref<!tpu.dma_semaphore, #tpu.memory_space<semaphore_mem>>)
    %dma_start3A_60 = arith.constant 384 : i32
    %dma_start3A_61 = arith.constant 0 : i32
    %dma_start3A_62 = tpu.memref_slice %arg9[%dma_start3A_60, %dma_start3A_61] : memref<432x32xf32, #tpu.memory_space<vmem>> -> memref<36x32xf32, #tpu.memory_space<vmem>>
    %dma_start3A_63 = arith.constant 816 : i32
    %dma_start3A_64 = tpu.memref_slice %arg7[%dma_start3A_63] : memref<55296xi32, #tpu.memory_space<vmem>> -> memref<36xi32, #tpu.memory_space<vmem>>
    %dma_start3A_65 = arith.constant 0 : i32
    %dma_start3A_66 = arith.constant 0 : i32
    %dma_start3A_67 = tpu.memref_slice %arg4[%dma_start3A_65, %dma_start3A_66] : memref<1000000x32xf32, #tpu.memory_space<hbm>> -> memref<1000000x32xf32, #tpu.memory_space<hbm>>
    tpu.enqueue_indirect_dma source(%dma_start3A_67 : memref<1000000x32xf32, #tpu.memory_space<hbm>>) target(%dma_start3A_62 : memref<36x32xf32, #tpu.memory_space<vmem>>) offsets(%dma_start3A_64 : memref<36xi32, #tpu.memory_space<vmem>>) semaphore(%arg17 : memref<!tpu.dma_semaphore, #tpu.memory_space<semaphore_mem>>)
    %dma_start3A_68 = arith.constant 0 : i32
    %dma_start3A_69 = arith.constant 0 : i32
    %dma_start3A_70 = tpu.memref_slice %arg10[%dma_start3A_68, %dma_start3A_69] : memref<432x32xf32, #tpu.memory_space<vmem>> -> memref<128x32xf32, #tpu.memory_space<vmem>>
    %dma_start3A_71 = arith.constant 864 : i32
    %dma_start3A_72 = tpu.memref_slice %arg7[%dma_start3A_71] : memref<55296xi32, #tpu.memory_space<vmem>> -> memref<128xi32, #tpu.memory_space<vmem>>
    %dma_start3A_73 = arith.constant 0 : i32
    %dma_start3A_74 = arith.constant 0 : i32
    %dma_start3A_75 = tpu.memref_slice %arg4[%dma_start3A_73, %dma_start3A_74] : memref<1000000x32xf32, #tpu.memory_space<hbm>> -> memref<1000000x32xf32, #tpu.memory_space<hbm>>
    tpu.enqueue_indirect_dma source(%dma_start3A_75 : memref<1000000x32xf32, #tpu.memory_space<hbm>>) target(%dma_start3A_70 : memref<128x32xf32, #tpu.memory_space<vmem>>) offsets(%dma_start3A_72 : memref<128xi32, #tpu.memory_space<vmem>>) semaphore(%arg18 : memref<!tpu.dma_semaphore, #tpu.memory_space<semaphore_mem>>)
    %dma_start3A_76 = arith.constant 128 : i32
    %dma_start3A_77 = arith.constant 0 : i32
    %dma_start3A_78 = tpu.memref_slice %arg10[%dma_start3A_76, %dma_start3A_77] : memref<432x32xf32, #tpu.memory_space<vmem>> -> memref<128x32xf32, #tpu.memory_space<vmem>>
    %dma_start3A_79 = arith.constant 992 : i32
    %dma_start3A_80 = tpu.memref_slice %arg7[%dma_start3A_79] : memref<55296xi32, #tpu.memory_space<vmem>> -> memref<128xi32, #tpu.memory_space<vmem>>
    %dma_start3A_81 = arith.constant 0 : i32
    %dma_start3A_82 = arith.constant 0 : i32
    %dma_start3A_83 = tpu.memref_slice %arg4[%dma_start3A_81, %dma_start3A_82] : memref<1000000x32xf32, #tpu.memory_space<hbm>> -> memref<1000000x32xf32, #tpu.memory_space<hbm>>
    tpu.enqueue_indirect_dma source(%dma_start3A_83 : memref<1000000x32xf32, #tpu.memory_space<hbm>>) target(%dma_start3A_78 : memref<128x32xf32, #tpu.memory_space<vmem>>) offsets(%dma_start3A_80 : memref<128xi32, #tpu.memory_space<vmem>>) semaphore(%arg18 : memref<!tpu.dma_semaphore, #tpu.memory_space<semaphore_mem>>)
    %dma_start3A_84 = arith.constant 256 : i32
    %dma_start3A_85 = arith.constant 0 : i32
    %dma_start3A_86 = tpu.memref_slice %arg10[%dma_start3A_84, %dma_start3A_85] : memref<432x32xf32, #tpu.memory_space<vmem>> -> memref<128x32xf32, #tpu.memory_space<vmem>>
    %dma_start3A_87 = arith.constant 1120 : i32
    %dma_start3A_88 = tpu.memref_slice %arg7[%dma_start3A_87] : memref<55296xi32, #tpu.memory_space<vmem>> -> memref<128xi32, #tpu.memory_space<vmem>>
    %dma_start3A_89 = arith.constant 0 : i32
    %dma_start3A_90 = arith.constant 0 : i32
    %dma_start3A_91 = tpu.memref_slice %arg4[%dma_start3A_89, %dma_start3A_90] : memref<1000000x32xf32, #tpu.memory_space<hbm>> -> memref<1000000x32xf32, #tpu.memory_space<hbm>>
    tpu.enqueue_indirect_dma source(%dma_start3A_91 : memref<1000000x32xf32, #tpu.memory_space<hbm>>) target(%dma_start3A_86 : memref<128x32xf32, #tpu.memory_space<vmem>>) offsets(%dma_start3A_88 : memref<128xi32, #tpu.memory_space<vmem>>) semaphore(%arg18 : memref<!tpu.dma_semaphore, #tpu.memory_space<semaphore_mem>>)
    %dma_start3A_92 = arith.constant 384 : i32
    %dma_start3A_93 = arith.constant 0 : i32
    %dma_start3A_94 = tpu.memref_slice %arg10[%dma_start3A_92, %dma_start3A_93] : memref<432x32xf32, #tpu.memory_space<vmem>> -> memref<36x32xf32, #tpu.memory_space<vmem>>
    %dma_start3A_95 = arith.constant 1248 : i32
    %dma_start3A_96 = tpu.memref_slice %arg7[%dma_start3A_95] : memref<55296xi32, #tpu.memory_space<vmem>> -> memref<36xi32, #tpu.memory_space<vmem>>
    %dma_start3A_97 = arith.constant 0 : i32
    %dma_start3A_98 = arith.constant 0 : i32
    %dma_start3A_99 = tpu.memref_slice %arg4[%dma_start3A_97, %dma_start3A_98] : memref<1000000x32xf32, #tpu.memory_space<hbm>> -> memref<1000000x32xf32, #tpu.memory_space<hbm>>
    tpu.enqueue_indirect_dma source(%dma_start3A_99 : memref<1000000x32xf32, #tpu.memory_space<hbm>>) target(%dma_start3A_94 : memref<36x32xf32, #tpu.memory_space<vmem>>) offsets(%dma_start3A_96 : memref<36xi32, #tpu.memory_space<vmem>>) semaphore(%arg18 : memref<!tpu.dma_semaphore, #tpu.memory_space<semaphore_mem>>)
    %dma_start3A_100 = arith.constant 0 : i32
    %dma_start3A_101 = arith.constant 0 : i32
    %dma_start3A_102 = tpu.memref_slice %arg11[%dma_start3A_100, %dma_start3A_101] : memref<432x32xf32, #tpu.memory_space<vmem>> -> memref<128x32xf32, #tpu.memory_space<vmem>>
    %dma_start3A_103 = arith.constant 1296 : i32
    %dma_start3A_104 = tpu.memref_slice %arg7[%dma_start3A_103] : memref<55296xi32, #tpu.memory_space<vmem>> -> memref<128xi32, #tpu.memory_space<vmem>>
    %dma_start3A_105 = arith.constant 0 : i32
    %dma_start3A_106 = arith.constant 0 : i32
    %dma_start3A_107 = tpu.memref_slice %arg4[%dma_start3A_105, %dma_start3A_106] : memref<1000000x32xf32, #tpu.memory_space<hbm>> -> memref<1000000x32xf32, #tpu.memory_space<hbm>>
    tpu.enqueue_indirect_dma source(%dma_start3A_107 : memref<1000000x32xf32, #tpu.memory_space<hbm>>) target(%dma_start3A_102 : memref<128x32xf32, #tpu.memory_space<vmem>>) offsets(%dma_start3A_104 : memref<128xi32, #tpu.memory_space<vmem>>) semaphore(%arg19 : memref<!tpu.dma_semaphore, #tpu.memory_space<semaphore_mem>>)
    %dma_start3A_108 = arith.constant 128 : i32
    %dma_start3A_109 = arith.constant 0 : i32
    %dma_start3A_110 = tpu.memref_slice %arg11[%dma_start3A_108, %dma_start3A_109] : memref<432x32xf32, #tpu.memory_space<vmem>> -> memref<128x32xf32, #tpu.memory_space<vmem>>
    %dma_start3A_111 = arith.constant 1424 : i32
    %dma_start3A_112 = tpu.memref_slice %arg7[%dma_start3A_111] : memref<55296xi32, #tpu.memory_space<vmem>> -> memref<128xi32, #tpu.memory_space<vmem>>
    %dma_start3A_113 = arith.constant 0 : i32
    %dma_start3A_114 = arith.constant 0 : i32
    %dma_start3A_115 = tpu.memref_slice %arg4[%dma_start3A_113, %dma_start3A_114] : memref<1000000x32xf32, #tpu.memory_space<hbm>> -> memref<1000000x32xf32, #tpu.memory_space<hbm>>
    tpu.enqueue_indirect_dma source(%dma_start3A_115 : memref<1000000x32xf32, #tpu.memory_space<hbm>>) target(%dma_start3A_110 : memref<128x32xf32, #tpu.memory_space<vmem>>) offsets(%dma_start3A_112 : memref<128xi32, #tpu.memory_space<vmem>>) semaphore(%arg19 : memref<!tpu.dma_semaphore, #tpu.memory_space<semaphore_mem>>)
    %dma_start3A_116 = arith.constant 256 : i32
    %dma_start3A_117 = arith.constant 0 : i32
    %dma_start3A_118 = tpu.memref_slice %arg11[%dma_start3A_116, %dma_start3A_117] : memref<432x32xf32, #tpu.memory_space<vmem>> -> memref<128x32xf32, #tpu.memory_space<vmem>>
    %dma_start3A_119 = arith.constant 1552 : i32
    %dma_start3A_120 = tpu.memref_slice %arg7[%dma_start3A_119] : memref<55296xi32, #tpu.memory_space<vmem>> -> memref<128xi32, #tpu.memory_space<vmem>>
    %dma_start3A_121 = arith.constant 0 : i32
    %dma_start3A_122 = arith.constant 0 : i32
    %dma_start3A_123 = tpu.memref_slice %arg4[%dma_start3A_121, %dma_start3A_122] : memref<1000000x32xf32, #tpu.memory_space<hbm>> -> memref<1000000x32xf32, #tpu.memory_space<hbm>>
    tpu.enqueue_indirect_dma source(%dma_start3A_123 : memref<1000000x32xf32, #tpu.memory_space<hbm>>) target(%dma_start3A_118 : memref<128x32xf32, #tpu.memory_space<vmem>>) offsets(%dma_start3A_120 : memref<128xi32, #tpu.memory_space<vmem>>) semaphore(%arg19 : memref<!tpu.dma_semaphore, #tpu.memory_space<semaphore_mem>>)
    %dma_start3A_124 = arith.constant 384 : i32
    %dma_start3A_125 = arith.constant 0 : i32
    %dma_start3A_126 = tpu.memref_slice %arg11[%dma_start3A_124, %dma_start3A_125] : memref<432x32xf32, #tpu.memory_space<vmem>> -> memref<36x32xf32, #tpu.memory_space<vmem>>
    %dma_start3A_127 = arith.constant 1680 : i32
    %dma_start3A_128 = tpu.memref_slice %arg7[%dma_start3A_127] : memref<55296xi32, #tpu.memory_space<vmem>> -> memref<36xi32, #tpu.memory_space<vmem>>
    %dma_start3A_129 = arith.constant 0 : i32
    %dma_start3A_130 = arith.constant 0 : i32
    %dma_start3A_131 = tpu.memref_slice %arg4[%dma_start3A_129, %dma_start3A_130] : memref<1000000x32xf32, #tpu.memory_space<hbm>> -> memref<1000000x32xf32, #tpu.memory_space<hbm>>
    tpu.enqueue_indirect_dma source(%dma_start3A_131 : memref<1000000x32xf32, #tpu.memory_space<hbm>>) target(%dma_start3A_126 : memref<36x32xf32, #tpu.memory_space<vmem>>) offsets(%dma_start3A_128 : memref<36xi32, #tpu.memory_space<vmem>>) semaphore(%arg19 : memref<!tpu.dma_semaphore, #tpu.memory_space<semaphore_mem>>)
    %scan3A = arith.constant 0 : i32
    %scan3A_132 = arith.constant 0 : i32
    %scan3A_133 = arith.constant 32 : i32
    %scan3A_134 = arith.addi %scan3A_132, %scan3A_133 : i32
    %scan3A_135 = arith.constant 1 : i32
    scf.for %scan3A_152 = %scan3A_132 to %scan3A_134 step %scan3A_135  : i32 {
      %mul3A_153 = arith.constant 4 : i32
      %mul3A_154 = arith.muli %scan3A_152, %mul3A_153 : i32
      %add3A_155 = arith.constant 0 : i32
      %add3A_156 = arith.addi %mul3A_154, %add3A_155 : i32
      %dma_wait3A_157 = arith.constant 0 : i32
      %dma_wait3A_158 = arith.constant 0 : i32
      %dma_wait3A_159 = tpu.memref_slice %arg8[%dma_wait3A_157, %dma_wait3A_158] : memref<432x32xf32, #tpu.memory_space<vmem>> -> memref<420x32xf32, #tpu.memory_space<vmem>>
      %dma_wait3A_160 = arith.constant 0 : i32
      %dma_wait3A_161 = arith.constant 0 : i32
      %dma_wait3A_162 = tpu.memref_slice %arg4[%dma_wait3A_160, %dma_wait3A_161] : memref<1000000x32xf32, #tpu.memory_space<hbm>> -> memref<420x32xf32, #tpu.memory_space<hbm>>
      %dma_wait3A_163 = arith.constant 0 : i32
      %dma_wait3A_164 = arith.constant 0 : i32
      %dma_wait3A_165 = tpu.memref_slice %arg8[%dma_wait3A_163, %dma_wait3A_164] : memref<432x32xf32, #tpu.memory_space<vmem>> -> memref<420x32xf32, #tpu.memory_space<vmem>>
      %dma_wait3A_166 = arith.constant 0 : i32
      %dma_wait3A_167 = arith.constant 0 : i32
      %dma_wait3A_168 = tpu.memref_slice %arg4[%dma_wait3A_166, %dma_wait3A_167] : memref<1000000x32xf32, #tpu.memory_space<hbm>> -> memref<420x32xf32, #tpu.memory_space<hbm>>
      tpu.wait_dma2 semaphore(%arg16 : memref<!tpu.dma_semaphore, #tpu.memory_space<semaphore_mem>>) src(%dma_wait3A_168 : memref<420x32xf32, #tpu.memory_space<hbm>>) dst(%dma_wait3A_165 : memref<420x32xf32, #tpu.memory_space<vmem>>)
      %ge3A = arith.constant 1 : i32
      %ge3A_169 = arith.cmpi sge, %scan3A_152, %ge3A : i32
      %convert_element_type3A = arith.extui %ge3A_169 : i1 to i32
      %cond3A = arith.constant 0 : i32
      %cond3A_170 = arith.cmpi ne, %convert_element_type3A, %cond3A : i32
      scf.if %cond3A_170 {
        %dma_wait3A_322 = arith.constant 0 : i32
        %dma_wait3A_323 = tpu.memref_slice %arg5[%dma_wait3A_322] : memref<1769472xf32, #tpu.memory_space<hbm>> -> memref<432xf32, #tpu.memory_space<hbm>>
        %dma_wait3A_324 = arith.constant 0 : i32
        %dma_wait3A_325 = tpu.memref_slice %arg5[%dma_wait3A_324] : memref<1769472xf32, #tpu.memory_space<hbm>> -> memref<432xf32, #tpu.memory_space<hbm>>
        tpu.wait_dma2 semaphore(%arg20 : memref<!tpu.dma_semaphore, #tpu.memory_space<semaphore_mem>>) src(%arg12 : memref<432xf32, #tpu.memory_space<vmem>>) dst(%dma_wait3A_325 : memref<432xf32, #tpu.memory_space<hbm>>)
      } else {
      }
      %get3A = arith.index_cast %add3A_156 : i32 to index
      %get3A_171 = arith.constant 0 : index
      %get3A_172 = tpu.vector_load %arg6[%get3A, %get3A_171] {strides = array<i32>} : memref<128x32xf32, #tpu.memory_space<vmem>>, vector<16xf32>,
      %get3A_173 = arith.index_cast %add3A_156 : i32 to index
      %get3A_174 = arith.constant 16 : index
      %get3A_175 = tpu.vector_load %arg6[%get3A_173, %get3A_174] {strides = array<i32>} : memref<128x32xf32, #tpu.memory_space<vmem>>, vector<16xf32>,
      %scan3A_176 = arith.constant 0 : i32
      %scan3A_177 = arith.constant 0 : i32
      %scan3A_178 = arith.constant 27 : i32
      %scan3A_179 = arith.addi %scan3A_177, %scan3A_178 : i32
      %scan3A_180 = arith.constant 1 : i32
      scf.for %scan3A_322 = %scan3A_177 to %scan3A_179 step %scan3A_180  : i32 {
        %broadcast_in_dim3A = arith.constant 0.000000e+00 : f32
        %broadcast_in_dim3A_323 = vector.broadcast %broadcast_in_dim3A : f32 to vector<16xf32>
        %mul3A_324 = arith.constant 16 : i32
        %mul3A_325 = arith.muli %scan3A_322, %mul3A_324 : i32
        %add3A_326 = arith.constant 0 : i32
        %add3A_327 = arith.addi %mul3A_325, %add3A_326 : i32
        %get3A_328 = arith.index_cast %add3A_327 : i32 to index
        %get3A_329 = arith.constant 0 : index
        %get3A_330 = tpu.vector_load %arg8[%get3A_328, %get3A_329] {strides = array<i32>} : memref<432x32xf32, #tpu.memory_space<vmem>>, vector<16xf32>,
        %mul3A_331 = arith.constant 16 : i32
        %mul3A_332 = arith.muli %scan3A_322, %mul3A_331 : i32
        %add3A_333 = arith.constant 0 : i32
        %add3A_334 = arith.addi %mul3A_332, %add3A_333 : i32
        %get3A_335 = arith.index_cast %add3A_334 : i32 to index
        %get3A_336 = arith.constant 16 : index
        %get3A_337 = tpu.vector_load %arg8[%get3A_335, %get3A_336] {strides = array<i32>} : memref<432x32xf32, #tpu.memory_space<vmem>>, vector<16xf32>,
        %mul3A_338 = arith.mulf %get3A_330, %get3A_172 : vector<16xf32>
        %mul3A_339 = arith.mulf %get3A_337, %get3A_175 : vector<16xf32>
        %add3A_340 = arith.addf %mul3A_338, %mul3A_339 : vector<16xf32>
        %reduce_sum3A = arith.constant true
        %reduce_sum3A_341 = vector.broadcast %reduce_sum3A : i1 to vector<16xi1>
        %reduce_sum3A_342 = tpu.scan <sum>, %add3A_340 masked %reduce_sum3A_341 : vector<16xf32>, vector<16xi1> -> vector<16xf32>
        %reduce_sum3A_343 = vector.extract %reduce_sum3A_342[15] : f32 from vector<16xf32>
        %eq3A = arith.constant 0 : i32
        %eq3A_344 = vector.broadcast %eq3A : i32 to vector<16xi32>
        %eq3A_345 = arith.cmpi eq, %iota3A, %eq3A_344 : vector<16xi32>
        %broadcast_in_dim3A_346 = vector.broadcast %reduce_sum3A_343 : f32 to vector<16xf32>
        %select_n3A = arith.select %eq3A_345, %broadcast_in_dim3A_346, %broadcast_in_dim3A_323 : vector<16xi1>, vector<16xf32>
        %mul3A_347 = arith.constant 16 : i32
        %mul3A_348 = arith.muli %scan3A_322, %mul3A_347 : i32
        %add3A_349 = arith.constant 1 : i32
        %add3A_350 = arith.addi %mul3A_348, %add3A_349 : i32
        %get3A_351 = arith.index_cast %add3A_350 : i32 to index
        %get3A_352 = arith.constant 0 : index
        %get3A_353 = tpu.vector_load %arg8[%get3A_351, %get3A_352] {strides = array<i32>} : memref<432x32xf32, #tpu.memory_space<vmem>>, vector<16xf32>,
        %mul3A_354 = arith.constant 16 : i32
        %mul3A_355 = arith.muli %scan3A_322, %mul3A_354 : i32
        %add3A_356 = arith.constant 1 : i32
        %add3A_357 = arith.addi %mul3A_355, %add3A_356 : i32
        %get3A_358 = arith.index_cast %add3A_357 : i32 to index
        %get3A_359 = arith.constant 16 : index
        %get3A_360 = tpu.vector_load %arg8[%get3A_358, %get3A_359] {strides = array<i32>} : memref<432x32xf32, #tpu.memory_space<vmem>>, vector<16xf32>,
        %mul3A_361 = arith.mulf %get3A_353, %get3A_172 : vector<16xf32>
        %mul3A_362 = arith.mulf %get3A_360, %get3A_175 : vector<16xf32>
        %add3A_363 = arith.addf %mul3A_361, %mul3A_362 : vector<16xf32>
        %reduce_sum3A_364 = arith.constant true
        %reduce_sum3A_365 = vector.broadcast %reduce_sum3A_364 : i1 to vector<16xi1>
        %reduce_sum3A_366 = tpu.scan <sum>, %add3A_363 masked %reduce_sum3A_365 : vector<16xf32>, vector<16xi1> -> vector<16xf32>
        %reduce_sum3A_367 = vector.extract %reduce_sum3A_366[15] : f32 from vector<16xf32>
        %eq3A_368 = arith.constant 1 : i32
        %eq3A_369 = vector.broadcast %eq3A_368 : i32 to vector<16xi32>
        %eq3A_370 = arith.cmpi eq, %iota3A, %eq3A_369 : vector<16xi32>
        %broadcast_in_dim3A_371 = vector.broadcast %reduce_sum3A_367 : f32 to vector<16xf32>
        %select_n3A_372 = arith.select %eq3A_370, %broadcast_in_dim3A_371, %select_n3A : vector<16xi1>, vector<16xf32>
        %mul3A_373 = arith.constant 16 : i32
        %mul3A_374 = arith.muli %scan3A_322, %mul3A_373 : i32
        %add3A_375 = arith.constant 2 : i32
        %add3A_376 = arith.addi %mul3A_374, %add3A_375 : i32
        %get3A_377 = arith.index_cast %add3A_376 : i32 to index
        %get3A_378 = arith.constant 0 : index
        %get3A_379 = tpu.vector_load %arg8[%get3A_377, %get3A_378] {strides = array<i32>} : memref<432x32xf32, #tpu.memory_space<vmem>>, vector<16xf32>,
        %mul3A_380 = arith.constant 16 : i32
        %mul3A_381 = arith.muli %scan3A_322, %mul3A_380 : i32
        %add3A_382 = arith.constant 2 : i32
        %add3A_383 = arith.addi %mul3A_381, %add3A_382 : i32
        %get3A_384 = arith.index_cast %add3A_383 : i32 to index
        %get3A_385 = arith.constant 16 : index
        %get3A_386 = tpu.vector_load %arg8[%get3A_384, %get3A_385] {strides = array<i32>} : memref<432x32xf32, #tpu.memory_space<vmem>>, vector<16xf32>,
        %mul3A_387 = arith.mulf %get3A_379, %get3A_172 : vector<16xf32>
        %mul3A_388 = arith.mulf %get3A_386, %get3A_175 : vector<16xf32>
        %add3A_389 = arith.addf %mul3A_387, %mul3A_388 : vector<16xf32>
        %reduce_sum3A_390 = arith.constant true
        %reduce_sum3A_391 = vector.broadcast %reduce_sum3A_390 : i1 to vector<16xi1>
        %reduce_sum3A_392 = tpu.scan <sum>, %add3A_389 masked %reduce_sum3A_391 : vector<16xf32>, vector<16xi1> -> vector<16xf32>
        %reduce_sum3A_393 = vector.extract %reduce_sum3A_392[15] : f32 from vector<16xf32>
        %eq3A_394 = arith.constant 2 : i32
        %eq3A_395 = vector.broadcast %eq3A_394 : i32 to vector<16xi32>
        %eq3A_396 = arith.cmpi eq, %iota3A, %eq3A_395 : vector<16xi32>
        %broadcast_in_dim3A_397 = vector.broadcast %reduce_sum3A_393 : f32 to vector<16xf32>
        %select_n3A_398 = arith.select %eq3A_396, %broadcast_in_dim3A_397, %select_n3A_372 : vector<16xi1>, vector<16xf32>
        %mul3A_399 = arith.constant 16 : i32
        %mul3A_400 = arith.muli %scan3A_322, %mul3A_399 : i32
        %add3A_401 = arith.constant 3 : i32
        %add3A_402 = arith.addi %mul3A_400, %add3A_401 : i32
        %get3A_403 = arith.index_cast %add3A_402 : i32 to index
        %get3A_404 = arith.constant 0 : index
        %get3A_405 = tpu.vector_load %arg8[%get3A_403, %get3A_404] {strides = array<i32>} : memref<432x32xf32, #tpu.memory_space<vmem>>, vector<16xf32>,
        %mul3A_406 = arith.constant 16 : i32
        %mul3A_407 = arith.muli %scan3A_322, %mul3A_406 : i32
        %add3A_408 = arith.constant 3 : i32
        %add3A_409 = arith.addi %mul3A_407, %add3A_408 : i32
        %get3A_410 = arith.index_cast %add3A_409 : i32 to index
        %get3A_411 = arith.constant 16 : index
        %get3A_412 = tpu.vector_load %arg8[%get3A_410, %get3A_411] {strides = array<i32>} : memref<432x32xf32, #tpu.memory_space<vmem>>, vector<16xf32>,
        %mul3A_413 = arith.mulf %get3A_405, %get3A_172 : vector<16xf32>
        %mul3A_414 = arith.mulf %get3A_412, %get3A_175 : vector<16xf32>
        %add3A_415 = arith.addf %mul3A_413, %mul3A_414 : vector<16xf32>
        %reduce_sum3A_416 = arith.constant true
        %reduce_sum3A_417 = vector.broadcast %reduce_sum3A_416 : i1 to vector<16xi1>
        %reduce_sum3A_418 = tpu.scan <sum>, %add3A_415 masked %reduce_sum3A_417 : vector<16xf32>, vector<16xi1> -> vector<16xf32>
        %reduce_sum3A_419 = vector.extract %reduce_sum3A_418[15] : f32 from vector<16xf32>
        %eq3A_420 = arith.constant 3 : i32
        %eq3A_421 = vector.broadcast %eq3A_420 : i32 to vector<16xi32>
        %eq3A_422 = arith.cmpi eq, %iota3A, %eq3A_421 : vector<16xi32>
        %broadcast_in_dim3A_423 = vector.broadcast %reduce_sum3A_419 : f32 to vector<16xf32>
        %select_n3A_424 = arith.select %eq3A_422, %broadcast_in_dim3A_423, %select_n3A_398 : vector<16xi1>, vector<16xf32>
        %mul3A_425 = arith.constant 16 : i32
        %mul3A_426 = arith.muli %scan3A_322, %mul3A_425 : i32
        %add3A_427 = arith.constant 4 : i32
        %add3A_428 = arith.addi %mul3A_426, %add3A_427 : i32
        %get3A_429 = arith.index_cast %add3A_428 : i32 to index
        %get3A_430 = arith.constant 0 : index
        %get3A_431 = tpu.vector_load %arg8[%get3A_429, %get3A_430] {strides = array<i32>} : memref<432x32xf32, #tpu.memory_space<vmem>>, vector<16xf32>,
        %mul3A_432 = arith.constant 16 : i32
        %mul3A_433 = arith.muli %scan3A_322, %mul3A_432 : i32
        %add3A_434 = arith.constant 4 : i32
        %add3A_435 = arith.addi %mul3A_433, %add3A_434 : i32
        %get3A_436 = arith.index_cast %add3A_435 : i32 to index
        %get3A_437 = arith.constant 16 : index
        %get3A_438 = tpu.vector_load %arg8[%get3A_436, %get3A_437] {strides = array<i32>} : memref<432x32xf32, #tpu.memory_space<vmem>>, vector<16xf32>,
        %mul3A_439 = arith.mulf %get3A_431, %get3A_172 : vector<16xf32>
        %mul3A_440 = arith.mulf %get3A_438, %get3A_175 : vector<16xf32>
        %add3A_441 = arith.addf %mul3A_439, %mul3A_440 : vector<16xf32>
        %reduce_sum3A_442 = arith.constant true
        %reduce_sum3A_443 = vector.broadcast %reduce_sum3A_442 : i1 to vector<16xi1>
        %reduce_sum3A_444 = tpu.scan <sum>, %add3A_441 masked %reduce_sum3A_443 : vector<16xf32>, vector<16xi1> -> vector<16xf32>
        %reduce_sum3A_445 = vector.extract %reduce_sum3A_444[15] : f32 from vector<16xf32>
        %eq3A_446 = arith.constant 4 : i32
        %eq3A_447 = vector.broadcast %eq3A_446 : i32 to vector<16xi32>
        %eq3A_448 = arith.cmpi eq, %iota3A, %eq3A_447 : vector<16xi32>
        %broadcast_in_dim3A_449 = vector.broadcast %reduce_sum3A_445 : f32 to vector<16xf32>
        %select_n3A_450 = arith.select %eq3A_448, %broadcast_in_dim3A_449, %select_n3A_424 : vector<16xi1>, vector<16xf32>
        %mul3A_451 = arith.constant 16 : i32
        %mul3A_452 = arith.muli %scan3A_322, %mul3A_451 : i32
        %add3A_453 = arith.constant 5 : i32
        %add3A_454 = arith.addi %mul3A_452, %add3A_453 : i32
        %get3A_455 = arith.index_cast %add3A_454 : i32 to index
        %get3A_456 = arith.constant 0 : index
        %get3A_457 = tpu.vector_load %arg8[%get3A_455, %get3A_456] {strides = array<i32>} : memref<432x32xf32, #tpu.memory_space<vmem>>, vector<16xf32>,
        %mul3A_458 = arith.constant 16 : i32
        %mul3A_459 = arith.muli %scan3A_322, %mul3A_458 : i32
        %add3A_460 = arith.constant 5 : i32
        %add3A_461 = arith.addi %mul3A_459, %add3A_460 : i32
        %get3A_462 = arith.index_cast %add3A_461 : i32 to index
        %get3A_463 = arith.constant 16 : index
        %get3A_464 = tpu.vector_load %arg8[%get3A_462, %get3A_463] {strides = array<i32>} : memref<432x32xf32, #tpu.memory_space<vmem>>, vector<16xf32>,
        %mul3A_465 = arith.mulf %get3A_457, %get3A_172 : vector<16xf32>
        %mul3A_466 = arith.mulf %get3A_464, %get3A_175 : vector<16xf32>
        %add3A_467 = arith.addf %mul3A_465, %mul3A_466 : vector<16xf32>
        %reduce_sum3A_468 = arith.constant true
        %reduce_sum3A_469 = vector.broadcast %reduce_sum3A_468 : i1 to vector<16xi1>
        %reduce_sum3A_470 = tpu.scan <sum>, %add3A_467 masked %reduce_sum3A_469 : vector<16xf32>, vector<16xi1> -> vector<16xf32>
        %reduce_sum3A_471 = vector.extract %reduce_sum3A_470[15] : f32 from vector<16xf32>
        %eq3A_472 = arith.constant 5 : i32
        %eq3A_473 = vector.broadcast %eq3A_472 : i32 to vector<16xi32>
        %eq3A_474 = arith.cmpi eq, %iota3A, %eq3A_473 : vector<16xi32>
        %broadcast_in_dim3A_475 = vector.broadcast %reduce_sum3A_471 : f32 to vector<16xf32>
        %select_n3A_476 = arith.select %eq3A_474, %broadcast_in_dim3A_475, %select_n3A_450 : vector<16xi1>, vector<16xf32>
        %mul3A_477 = arith.constant 16 : i32
        %mul3A_478 = arith.muli %scan3A_322, %mul3A_477 : i32
        %add3A_479 = arith.constant 6 : i32
        %add3A_480 = arith.addi %mul3A_478, %add3A_479 : i32
        %get3A_481 = arith.index_cast %add3A_480 : i32 to index
        %get3A_482 = arith.constant 0 : index
        %get3A_483 = tpu.vector_load %arg8[%get3A_481, %get3A_482] {strides = array<i32>} : memref<432x32xf32, #tpu.memory_space<vmem>>, vector<16xf32>,
        %mul3A_484 = arith.constant 16 : i32
        %mul3A_485 = arith.muli %scan3A_322, %mul3A_484 : i32
        %add3A_486 = arith.constant 6 : i32
        %add3A_487 = arith.addi %mul3A_485, %add3A_486 : i32
        %get3A_488 = arith.index_cast %add3A_487 : i32 to index
        %get3A_489 = arith.constant 16 : index
        %get3A_490 = tpu.vector_load %arg8[%get3A_488, %get3A_489] {strides = array<i32>} : memref<432x32xf32, #tpu.memory_space<vmem>>, vector<16xf32>,
        %mul3A_491 = arith.mulf %get3A_483, %get3A_172 : vector<16xf32>
        %mul3A_492 = arith.mulf %get3A_490, %get3A_175 : vector<16xf32>
        %add3A_493 = arith.addf %mul3A_491, %mul3A_492 : vector<16xf32>
        %reduce_sum3A_494 = arith.constant true
        %reduce_sum3A_495 = vector.broadcast %reduce_sum3A_494 : i1 to vector<16xi1>
        %reduce_sum3A_496 = tpu.scan <sum>, %add3A_493 masked %reduce_sum3A_495 : vector<16xf32>, vector<16xi1> -> vector<16xf32>
        %reduce_sum3A_497 = vector.extract %reduce_sum3A_496[15] : f32 from vector<16xf32>
        %eq3A_498 = arith.constant 6 : i32
        %eq3A_499 = vector.broadcast %eq3A_498 : i32 to vector<16xi32>
        %eq3A_500 = arith.cmpi eq, %iota3A, %eq3A_499 : vector<16xi32>
        %broadcast_in_dim3A_501 = vector.broadcast %reduce_sum3A_497 : f32 to vector<16xf32>
        %select_n3A_502 = arith.select %eq3A_500, %broadcast_in_dim3A_501, %select_n3A_476 : vector<16xi1>, vector<16xf32>
        %mul3A_503 = arith.constant 16 : i32
        %mul3A_504 = arith.muli %scan3A_322, %mul3A_503 : i32
        %add3A_505 = arith.constant 7 : i32
        %add3A_506 = arith.addi %mul3A_504, %add3A_505 : i32
        %get3A_507 = arith.index_cast %add3A_506 : i32 to index
        %get3A_508 = arith.constant 0 : index
        %get3A_509 = tpu.vector_load %arg8[%get3A_507, %get3A_508] {strides = array<i32>} : memref<432x32xf32, #tpu.memory_space<vmem>>, vector<16xf32>,
        %mul3A_510 = arith.constant 16 : i32
        %mul3A_511 = arith.muli %scan3A_322, %mul3A_510 : i32
        %add3A_512 = arith.constant 7 : i32
        %add3A_513 = arith.addi %mul3A_511, %add3A_512 : i32
        %get3A_514 = arith.index_cast %add3A_513 : i32 to index
        %get3A_515 = arith.constant 16 : index
        %get3A_516 = tpu.vector_load %arg8[%get3A_514, %get3A_515] {strides = array<i32>} : memref<432x32xf32, #tpu.memory_space<vmem>>, vector<16xf32>,
        %mul3A_517 = arith.mulf %get3A_509, %get3A_172 : vector<16xf32>
        %mul3A_518 = arith.mulf %get3A_516, %get3A_175 : vector<16xf32>
        %add3A_519 = arith.addf %mul3A_517, %mul3A_518 : vector<16xf32>
        %reduce_sum3A_520 = arith.constant true
        %reduce_sum3A_521 = vector.broadcast %reduce_sum3A_520 : i1 to vector<16xi1>
        %reduce_sum3A_522 = tpu.scan <sum>, %add3A_519 masked %reduce_sum3A_521 : vector<16xf32>, vector<16xi1> -> vector<16xf32>
        %reduce_sum3A_523 = vector.extract %reduce_sum3A_522[15] : f32 from vector<16xf32>
        %eq3A_524 = arith.constant 7 : i32
        %eq3A_525 = vector.broadcast %eq3A_524 : i32 to vector<16xi32>
        %eq3A_526 = arith.cmpi eq, %iota3A, %eq3A_525 : vector<16xi32>
        %broadcast_in_dim3A_527 = vector.broadcast %reduce_sum3A_523 : f32 to vector<16xf32>
        %select_n3A_528 = arith.select %eq3A_526, %broadcast_in_dim3A_527, %select_n3A_502 : vector<16xi1>, vector<16xf32>
        %mul3A_529 = arith.constant 16 : i32
        %mul3A_530 = arith.muli %scan3A_322, %mul3A_529 : i32
        %add3A_531 = arith.constant 8 : i32
        %add3A_532 = arith.addi %mul3A_530, %add3A_531 : i32
        %get3A_533 = arith.index_cast %add3A_532 : i32 to index
        %get3A_534 = arith.constant 0 : index
        %get3A_535 = tpu.vector_load %arg8[%get3A_533, %get3A_534] {strides = array<i32>} : memref<432x32xf32, #tpu.memory_space<vmem>>, vector<16xf32>,
        %mul3A_536 = arith.constant 16 : i32
        %mul3A_537 = arith.muli %scan3A_322, %mul3A_536 : i32
        %add3A_538 = arith.constant 8 : i32
        %add3A_539 = arith.addi %mul3A_537, %add3A_538 : i32
        %get3A_540 = arith.index_cast %add3A_539 : i32 to index
        %get3A_541 = arith.constant 16 : index
        %get3A_542 = tpu.vector_load %arg8[%get3A_540, %get3A_541] {strides = array<i32>} : memref<432x32xf32, #tpu.memory_space<vmem>>, vector<16xf32>,
        %mul3A_543 = arith.mulf %get3A_535, %get3A_172 : vector<16xf32>
        %mul3A_544 = arith.mulf %get3A_542, %get3A_175 : vector<16xf32>
        %add3A_545 = arith.addf %mul3A_543, %mul3A_544 : vector<16xf32>
        %reduce_sum3A_546 = arith.constant true
        %reduce_sum3A_547 = vector.broadcast %reduce_sum3A_546 : i1 to vector<16xi1>
        %reduce_sum3A_548 = tpu.scan <sum>, %add3A_545 masked %reduce_sum3A_547 : vector<16xf32>, vector<16xi1> -> vector<16xf32>
        %reduce_sum3A_549 = vector.extract %reduce_sum3A_548[15] : f32 from vector<16xf32>
        %eq3A_550 = arith.constant 8 : i32
        %eq3A_551 = vector.broadcast %eq3A_550 : i32 to vector<16xi32>
        %eq3A_552 = arith.cmpi eq, %iota3A, %eq3A_551 : vector<16xi32>
        %broadcast_in_dim3A_553 = vector.broadcast %reduce_sum3A_549 : f32 to vector<16xf32>
        %select_n3A_554 = arith.select %eq3A_552, %broadcast_in_dim3A_553, %select_n3A_528 : vector<16xi1>, vector<16xf32>
        %mul3A_555 = arith.constant 16 : i32
        %mul3A_556 = arith.muli %scan3A_322, %mul3A_555 : i32
        %add3A_557 = arith.constant 9 : i32
        %add3A_558 = arith.addi %mul3A_556, %add3A_557 : i32
        %get3A_559 = arith.index_cast %add3A_558 : i32 to index
        %get3A_560 = arith.constant 0 : index
        %get3A_561 = tpu.vector_load %arg8[%get3A_559, %get3A_560] {strides = array<i32>} : memref<432x32xf32, #tpu.memory_space<vmem>>, vector<16xf32>,
        %mul3A_562 = arith.constant 16 : i32
        %mul3A_563 = arith.muli %scan3A_322, %mul3A_562 : i32
        %add3A_564 = arith.constant 9 : i32
        %add3A_565 = arith.addi %mul3A_563, %add3A_564 : i32
        %get3A_566 = arith.index_cast %add3A_565 : i32 to index
        %get3A_567 = arith.constant 16 : index
        %get3A_568 = tpu.vector_load %arg8[%get3A_566, %get3A_567] {strides = array<i32>} : memref<432x32xf32, #tpu.memory_space<vmem>>, vector<16xf32>,
        %mul3A_569 = arith.mulf %get3A_561, %get3A_172 : vector<16xf32>
        %mul3A_570 = arith.mulf %get3A_568, %get3A_175 : vector<16xf32>
        %add3A_571 = arith.addf %mul3A_569, %mul3A_570 : vector<16xf32>
        %reduce_sum3A_572 = arith.constant true
        %reduce_sum3A_573 = vector.broadcast %reduce_sum3A_572 : i1 to vector<16xi1>
        %reduce_sum3A_574 = tpu.scan <sum>, %add3A_571 masked %reduce_sum3A_573 : vector<16xf32>, vector<16xi1> -> vector<16xf32>
        %reduce_sum3A_575 = vector.extract %reduce_sum3A_574[15] : f32 from vector<16xf32>
        %eq3A_576 = arith.constant 9 : i32
        %eq3A_577 = vector.broadcast %eq3A_576 : i32 to vector<16xi32>
        %eq3A_578 = arith.cmpi eq, %iota3A, %eq3A_577 : vector<16xi32>
        %broadcast_in_dim3A_579 = vector.broadcast %reduce_sum3A_575 : f32 to vector<16xf32>
        %select_n3A_580 = arith.select %eq3A_578, %broadcast_in_dim3A_579, %select_n3A_554 : vector<16xi1>, vector<16xf32>
        %mul3A_581 = arith.constant 16 : i32
        %mul3A_582 = arith.muli %scan3A_322, %mul3A_581 : i32
        %add3A_583 = arith.constant 10 : i32
        %add3A_584 = arith.addi %mul3A_582, %add3A_583 : i32
        %get3A_585 = arith.index_cast %add3A_584 : i32 to index
        %get3A_586 = arith.constant 0 : index
        %get3A_587 = tpu.vector_load %arg8[%get3A_585, %get3A_586] {strides = array<i32>} : memref<432x32xf32, #tpu.memory_space<vmem>>, vector<16xf32>,
        %mul3A_588 = arith.constant 16 : i32
        %mul3A_589 = arith.muli %scan3A_322, %mul3A_588 : i32
        %add3A_590 = arith.constant 10 : i32
        %add3A_591 = arith.addi %mul3A_589, %add3A_590 : i32
        %get3A_592 = arith.index_cast %add3A_591 : i32 to index
        %get3A_593 = arith.constant 16 : index
        %get3A_594 = tpu.vector_load %arg8[%get3A_592, %get3A_593] {strides = array<i32>} : memref<432x32xf32, #tpu.memory_space<vmem>>, vector<16xf32>,
        %mul3A_595 = arith.mulf %get3A_587, %get3A_172 : vector<16xf32>
        %mul3A_596 = arith.mulf %get3A_594, %get3A_175 : vector<16xf32>
        %add3A_597 = arith.addf %mul3A_595, %mul3A_596 : vector<16xf32>
        %reduce_sum3A_598 = arith.constant true
        %reduce_sum3A_599 = vector.broadcast %reduce_sum3A_598 : i1 to vector<16xi1>
        %reduce_sum3A_600 = tpu.scan <sum>, %add3A_597 masked %reduce_sum3A_599 : vector<16xf32>, vector<16xi1> -> vector<16xf32>
        %reduce_sum3A_601 = vector.extract %reduce_sum3A_600[15] : f32 from vector<16xf32>
        %eq3A_602 = arith.constant 10 : i32
        %eq3A_603 = vector.broadcast %eq3A_602 : i32 to vector<16xi32>
        %eq3A_604 = arith.cmpi eq, %iota3A, %eq3A_603 : vector<16xi32>
        %broadcast_in_dim3A_605 = vector.broadcast %reduce_sum3A_601 : f32 to vector<16xf32>
        %select_n3A_606 = arith.select %eq3A_604, %broadcast_in_dim3A_605, %select_n3A_580 : vector<16xi1>, vector<16xf32>
        %mul3A_607 = arith.constant 16 : i32
        %mul3A_608 = arith.muli %scan3A_322, %mul3A_607 : i32
        %add3A_609 = arith.constant 11 : i32
        %add3A_610 = arith.addi %mul3A_608, %add3A_609 : i32
        %get3A_611 = arith.index_cast %add3A_610 : i32 to index
        %get3A_612 = arith.constant 0 : index
        %get3A_613 = tpu.vector_load %arg8[%get3A_611, %get3A_612] {strides = array<i32>} : memref<432x32xf32, #tpu.memory_space<vmem>>, vector<16xf32>,
        %mul3A_614 = arith.constant 16 : i32
        %mul3A_615 = arith.muli %scan3A_322, %mul3A_614 : i32
        %add3A_616 = arith.constant 11 : i32
        %add3A_617 = arith.addi %mul3A_615, %add3A_616 : i32
        %get3A_618 = arith.index_cast %add3A_617 : i32 to index
        %get3A_619 = arith.constant 16 : index
        %get3A_620 = tpu.vector_load %arg8[%get3A_618, %get3A_619] {strides = array<i32>} : memref<432x32xf32, #tpu.memory_space<vmem>>, vector<16xf32>,
        %mul3A_621 = arith.mulf %get3A_613, %get3A_172 : vector<16xf32>
        %mul3A_622 = arith.mulf %get3A_620, %get3A_175 : vector<16xf32>
        %add3A_623 = arith.addf %mul3A_621, %mul3A_622 : vector<16xf32>
        %reduce_sum3A_624 = arith.constant true
        %reduce_sum3A_625 = vector.broadcast %reduce_sum3A_624 : i1 to vector<16xi1>
        %reduce_sum3A_626 = tpu.scan <sum>, %add3A_623 masked %reduce_sum3A_625 : vector<16xf32>, vector<16xi1> -> vector<16xf32>
        %reduce_sum3A_627 = vector.extract %reduce_sum3A_626[15] : f32 from vector<16xf32>
        %eq3A_628 = arith.constant 11 : i32
        %eq3A_629 = vector.broadcast %eq3A_628 : i32 to vector<16xi32>
        %eq3A_630 = arith.cmpi eq, %iota3A, %eq3A_629 : vector<16xi32>
        %broadcast_in_dim3A_631 = vector.broadcast %reduce_sum3A_627 : f32 to vector<16xf32>
        %select_n3A_632 = arith.select %eq3A_630, %broadcast_in_dim3A_631, %select_n3A_606 : vector<16xi1>, vector<16xf32>
        %mul3A_633 = arith.constant 16 : i32
        %mul3A_634 = arith.muli %scan3A_322, %mul3A_633 : i32
        %add3A_635 = arith.constant 12 : i32
        %add3A_636 = arith.addi %mul3A_634, %add3A_635 : i32
        %get3A_637 = arith.index_cast %add3A_636 : i32 to index
        %get3A_638 = arith.constant 0 : index
        %get3A_639 = tpu.vector_load %arg8[%get3A_637, %get3A_638] {strides = array<i32>} : memref<432x32xf32, #tpu.memory_space<vmem>>, vector<16xf32>,
        %mul3A_640 = arith.constant 16 : i32
        %mul3A_641 = arith.muli %scan3A_322, %mul3A_640 : i32
        %add3A_642 = arith.constant 12 : i32
        %add3A_643 = arith.addi %mul3A_641, %add3A_642 : i32
        %get3A_644 = arith.index_cast %add3A_643 : i32 to index
        %get3A_645 = arith.constant 16 : index
        %get3A_646 = tpu.vector_load %arg8[%get3A_644, %get3A_645] {strides = array<i32>} : memref<432x32xf32, #tpu.memory_space<vmem>>, vector<16xf32>,
        %mul3A_647 = arith.mulf %get3A_639, %get3A_172 : vector<16xf32>
        %mul3A_648 = arith.mulf %get3A_646, %get3A_175 : vector<16xf32>
        %add3A_649 = arith.addf %mul3A_647, %mul3A_648 : vector<16xf32>
        %reduce_sum3A_650 = arith.constant true
        %reduce_sum3A_651 = vector.broadcast %reduce_sum3A_650 : i1 to vector<16xi1>
        %reduce_sum3A_652 = tpu.scan <sum>, %add3A_649 masked %reduce_sum3A_651 : vector<16xf32>, vector<16xi1> -> vector<16xf32>
        %reduce_sum3A_653 = vector.extract %reduce_sum3A_652[15] : f32 from vector<16xf32>
        %eq3A_654 = arith.constant 12 : i32
        %eq3A_655 = vector.broadcast %eq3A_654 : i32 to vector<16xi32>
        %eq3A_656 = arith.cmpi eq, %iota3A, %eq3A_655 : vector<16xi32>
        %broadcast_in_dim3A_657 = vector.broadcast %reduce_sum3A_653 : f32 to vector<16xf32>
        %select_n3A_658 = arith.select %eq3A_656, %broadcast_in_dim3A_657, %select_n3A_632 : vector<16xi1>, vector<16xf32>
        %mul3A_659 = arith.constant 16 : i32
        %mul3A_660 = arith.muli %scan3A_322, %mul3A_659 : i32
        %add3A_661 = arith.constant 13 : i32
        %add3A_662 = arith.addi %mul3A_660, %add3A_661 : i32
        %get3A_663 = arith.index_cast %add3A_662 : i32 to index
        %get3A_664 = arith.constant 0 : index
        %get3A_665 = tpu.vector_load %arg8[%get3A_663, %get3A_664] {strides = array<i32>} : memref<432x32xf32, #tpu.memory_space<vmem>>, vector<16xf32>,
        %mul3A_666 = arith.constant 16 : i32
        %mul3A_667 = arith.muli %scan3A_322, %mul3A_666 : i32
        %add3A_668 = arith.constant 13 : i32
        %add3A_669 = arith.addi %mul3A_667, %add3A_668 : i32
        %get3A_670 = arith.index_cast %add3A_669 : i32 to index
        %get3A_671 = arith.constant 16 : index
        %get3A_672 = tpu.vector_load %arg8[%get3A_670, %get3A_671] {strides = array<i32>} : memref<432x32xf32, #tpu.memory_space<vmem>>, vector<16xf32>,
        %mul3A_673 = arith.mulf %get3A_665, %get3A_172 : vector<16xf32>
        %mul3A_674 = arith.mulf %get3A_672, %get3A_175 : vector<16xf32>
        %add3A_675 = arith.addf %mul3A_673, %mul3A_674 : vector<16xf32>
        %reduce_sum3A_676 = arith.constant true
        %reduce_sum3A_677 = vector.broadcast %reduce_sum3A_676 : i1 to vector<16xi1>
        %reduce_sum3A_678 = tpu.scan <sum>, %add3A_675 masked %reduce_sum3A_677 : vector<16xf32>, vector<16xi1> -> vector<16xf32>
        %reduce_sum3A_679 = vector.extract %reduce_sum3A_678[15] : f32 from vector<16xf32>
        %eq3A_680 = arith.constant 13 : i32
        %eq3A_681 = vector.broadcast %eq3A_680 : i32 to vector<16xi32>
        %eq3A_682 = arith.cmpi eq, %iota3A, %eq3A_681 : vector<16xi32>
        %broadcast_in_dim3A_683 = vector.broadcast %reduce_sum3A_679 : f32 to vector<16xf32>
        %select_n3A_684 = arith.select %eq3A_682, %broadcast_in_dim3A_683, %select_n3A_658 : vector<16xi1>, vector<16xf32>
        %mul3A_685 = arith.constant 16 : i32
        %mul3A_686 = arith.muli %scan3A_322, %mul3A_685 : i32
        %add3A_687 = arith.constant 14 : i32
        %add3A_688 = arith.addi %mul3A_686, %add3A_687 : i32
        %get3A_689 = arith.index_cast %add3A_688 : i32 to index
        %get3A_690 = arith.constant 0 : index
        %get3A_691 = tpu.vector_load %arg8[%get3A_689, %get3A_690] {strides = array<i32>} : memref<432x32xf32, #tpu.memory_space<vmem>>, vector<16xf32>,
        %mul3A_692 = arith.constant 16 : i32
        %mul3A_693 = arith.muli %scan3A_322, %mul3A_692 : i32
        %add3A_694 = arith.constant 14 : i32
        %add3A_695 = arith.addi %mul3A_693, %add3A_694 : i32
        %get3A_696 = arith.index_cast %add3A_695 : i32 to index
        %get3A_697 = arith.constant 16 : index
        %get3A_698 = tpu.vector_load %arg8[%get3A_696, %get3A_697] {strides = array<i32>} : memref<432x32xf32, #tpu.memory_space<vmem>>, vector<16xf32>,
        %mul3A_699 = arith.mulf %get3A_691, %get3A_172 : vector<16xf32>
        %mul3A_700 = arith.mulf %get3A_698, %get3A_175 : vector<16xf32>
        %add3A_701 = arith.addf %mul3A_699, %mul3A_700 : vector<16xf32>
        %reduce_sum3A_702 = arith.constant true
        %reduce_sum3A_703 = vector.broadcast %reduce_sum3A_702 : i1 to vector<16xi1>
        %reduce_sum3A_704 = tpu.scan <sum>, %add3A_701 masked %reduce_sum3A_703 : vector<16xf32>, vector<16xi1> -> vector<16xf32>
        %reduce_sum3A_705 = vector.extract %reduce_sum3A_704[15] : f32 from vector<16xf32>
        %eq3A_706 = arith.constant 14 : i32
        %eq3A_707 = vector.broadcast %eq3A_706 : i32 to vector<16xi32>
        %eq3A_708 = arith.cmpi eq, %iota3A, %eq3A_707 : vector<16xi32>
        %broadcast_in_dim3A_709 = vector.broadcast %reduce_sum3A_705 : f32 to vector<16xf32>
        %select_n3A_710 = arith.select %eq3A_708, %broadcast_in_dim3A_709, %select_n3A_684 : vector<16xi1>, vector<16xf32>
        %mul3A_711 = arith.constant 16 : i32
        %mul3A_712 = arith.muli %scan3A_322, %mul3A_711 : i32
        %add3A_713 = arith.constant 15 : i32
        %add3A_714 = arith.addi %mul3A_712, %add3A_713 : i32
        %get3A_715 = arith.index_cast %add3A_714 : i32 to index
        %get3A_716 = arith.constant 0 : index
        %get3A_717 = tpu.vector_load %arg8[%get3A_715, %get3A_716] {strides = array<i32>} : memref<432x32xf32, #tpu.memory_space<vmem>>, vector<16xf32>,
        %mul3A_718 = arith.constant 16 : i32
        %mul3A_719 = arith.muli %scan3A_322, %mul3A_718 : i32
        %add3A_720 = arith.constant 15 : i32
        %add3A_721 = arith.addi %mul3A_719, %add3A_720 : i32
        %get3A_722 = arith.index_cast %add3A_721 : i32 to index
        %get3A_723 = arith.constant 16 : index
        %get3A_724 = tpu.vector_load %arg8[%get3A_722, %get3A_723] {strides = array<i32>} : memref<432x32xf32, #tpu.memory_space<vmem>>, vector<16xf32>,
        %mul3A_725 = arith.mulf %get3A_717, %get3A_172 : vector<16xf32>
        %mul3A_726 = arith.mulf %get3A_724, %get3A_175 : vector<16xf32>
        %add3A_727 = arith.addf %mul3A_725, %mul3A_726 : vector<16xf32>
        %reduce_sum3A_728 = arith.constant true
        %reduce_sum3A_729 = vector.broadcast %reduce_sum3A_728 : i1 to vector<16xi1>
        %reduce_sum3A_730 = tpu.scan <sum>, %add3A_727 masked %reduce_sum3A_729 : vector<16xf32>, vector<16xi1> -> vector<16xf32>
        %reduce_sum3A_731 = vector.extract %reduce_sum3A_730[15] : f32 from vector<16xf32>
        %eq3A_732 = arith.constant 15 : i32
        %eq3A_733 = vector.broadcast %eq3A_732 : i32 to vector<16xi32>
        %eq3A_734 = arith.cmpi eq, %iota3A, %eq3A_733 : vector<16xi32>
        %broadcast_in_dim3A_735 = vector.broadcast %reduce_sum3A_731 : f32 to vector<16xf32>
        %select_n3A_736 = arith.select %eq3A_734, %broadcast_in_dim3A_735, %select_n3A_710 : vector<16xi1>, vector<16xf32>
        %mul3A_737 = arith.constant 16 : i32
        %mul3A_738 = arith.muli %scan3A_322, %mul3A_737 : i32
        %swap3A = arith.index_cast %mul3A_738 : i32 to index
        %swap3A_739 = tpu.vector_load %arg12[%swap3A] {strides = array<i32>} : memref<432xf32, #tpu.memory_space<vmem>>, vector<16xf32>,
        tpu.vector_store %arg12[%swap3A], %select_n3A_736 {strides = array<i32>} : memref<432xf32, #tpu.memory_space<vmem>>, vector<16xf32>,
      }
      %scan3A_181 = arith.constant 27 : i32
      %add3A_182 = arith.constant 4 : i32
      %add3A_183 = arith.addi %add3A_156, %add3A_182 : i32
      %lt3A = arith.constant 128 : i32
      %lt3A_184 = arith.cmpi slt, %add3A_183, %lt3A : i32
      %convert_element_type3A_185 = arith.extui %lt3A_184 : i1 to i32
      %cond3A_186 = arith.constant 0 : i32
      %cond3A_187 = arith.cmpi ne, %convert_element_type3A_185, %cond3A_186 : i32
      scf.if %cond3A_187 {
        %add3A_322 = arith.constant 4 : i32
        %add3A_323 = arith.addi %add3A_156, %add3A_322 : i32
        %mul3A_324 = arith.constant 432 : i32
        %mul3A_325 = arith.muli %add3A_323, %mul3A_324 : i32
        %add3A_326 = arith.constant 0 : i32
        %add3A_327 = arith.addi %mul3A_325, %add3A_326 : i32
        %dma_start3A_328 = arith.constant 0 : i32
        %dma_start3A_329 = arith.constant 0 : i32
        %dma_start3A_330 = tpu.memref_slice %arg8[%dma_start3A_328, %dma_start3A_329] : memref<432x32xf32, #tpu.memory_space<vmem>> -> memref<128x32xf32, #tpu.memory_space<vmem>>
        %dma_start3A_331 = tpu.memref_slice %arg7[%add3A_327] : memref<55296xi32, #tpu.memory_space<vmem>> -> memref<128xi32, #tpu.memory_space<vmem>>
        %dma_start3A_332 = arith.constant 0 : i32
        %dma_start3A_333 = arith.constant 0 : i32
        %dma_start3A_334 = tpu.memref_slice %arg4[%dma_start3A_332, %dma_start3A_333] : memref<1000000x32xf32, #tpu.memory_space<hbm>> -> memref<1000000x32xf32, #tpu.memory_space<hbm>>
        tpu.enqueue_indirect_dma source(%dma_start3A_334 : memref<1000000x32xf32, #tpu.memory_space<hbm>>) target(%dma_start3A_330 : memref<128x32xf32, #tpu.memory_space<vmem>>) offsets(%dma_start3A_331 : memref<128xi32, #tpu.memory_space<vmem>>) semaphore(%arg16 : memref<!tpu.dma_semaphore, #tpu.memory_space<semaphore_mem>>)
        %add3A_335 = arith.constant 128 : i32
        %add3A_336 = arith.addi %mul3A_325, %add3A_335 : i32
        %dma_start3A_337 = arith.constant 128 : i32
        %dma_start3A_338 = arith.constant 0 : i32
        %dma_start3A_339 = tpu.memref_slice %arg8[%dma_start3A_337, %dma_start3A_338] : memref<432x32xf32, #tpu.memory_space<vmem>> -> memref<128x32xf32, #tpu.memory_space<vmem>>
        %dma_start3A_340 = tpu.memref_slice %arg7[%add3A_336] : memref<55296xi32, #tpu.memory_space<vmem>> -> memref<128xi32, #tpu.memory_space<vmem>>
        %dma_start3A_341 = arith.constant 0 : i32
        %dma_start3A_342 = arith.constant 0 : i32
        %dma_start3A_343 = tpu.memref_slice %arg4[%dma_start3A_341, %dma_start3A_342] : memref<1000000x32xf32, #tpu.memory_space<hbm>> -> memref<1000000x32xf32, #tpu.memory_space<hbm>>
        tpu.enqueue_indirect_dma source(%dma_start3A_343 : memref<1000000x32xf32, #tpu.memory_space<hbm>>) target(%dma_start3A_339 : memref<128x32xf32, #tpu.memory_space<vmem>>) offsets(%dma_start3A_340 : memref<128xi32, #tpu.memory_space<vmem>>) semaphore(%arg16 : memref<!tpu.dma_semaphore, #tpu.memory_space<semaphore_mem>>)
        %add3A_344 = arith.constant 256 : i32
        %add3A_345 = arith.addi %mul3A_325, %add3A_344 : i32
        %dma_start3A_346 = arith.constant 256 : i32
        %dma_start3A_347 = arith.constant 0 : i32
        %dma_start3A_348 = tpu.memref_slice %arg8[%dma_start3A_346, %dma_start3A_347] : memref<432x32xf32, #tpu.memory_space<vmem>> -> memref<128x32xf32, #tpu.memory_space<vmem>>
        %dma_start3A_349 = tpu.memref_slice %arg7[%add3A_345] : memref<55296xi32, #tpu.memory_space<vmem>> -> memref<128xi32, #tpu.memory_space<vmem>>
        %dma_start3A_350 = arith.constant 0 : i32
        %dma_start3A_351 = arith.constant 0 : i32
        %dma_start3A_352 = tpu.memref_slice %arg4[%dma_start3A_350, %dma_start3A_351] : memref<1000000x32xf32, #tpu.memory_space<hbm>> -> memref<1000000x32xf32, #tpu.memory_space<hbm>>
        tpu.enqueue_indirect_dma source(%dma_start3A_352 : memref<1000000x32xf32, #tpu.memory_space<hbm>>) target(%dma_start3A_348 : memref<128x32xf32, #tpu.memory_space<vmem>>) offsets(%dma_start3A_349 : memref<128xi32, #tpu.memory_space<vmem>>) semaphore(%arg16 : memref<!tpu.dma_semaphore, #tpu.memory_space<semaphore_mem>>)
        %add3A_353 = arith.constant 384 : i32
        %add3A_354 = arith.addi %mul3A_325, %add3A_353 : i32
        %dma_start3A_355 = arith.constant 384 : i32
        %dma_start3A_356 = arith.constant 0 : i32
        %dma_start3A_357 = tpu.memref_slice %arg8[%dma_start3A_355, %dma_start3A_356] : memref<432x32xf32, #tpu.memory_space<vmem>> -> memref<36x32xf32, #tpu.memory_space<vmem>>
        %dma_start3A_358 = tpu.memref_slice %arg7[%add3A_354] : memref<55296xi32, #tpu.memory_space<vmem>> -> memref<36xi32, #tpu.memory_space<vmem>>
        %dma_start3A_359 = arith.constant 0 : i32
        %dma_start3A_360 = arith.constant 0 : i32
        %dma_start3A_361 = tpu.memref_slice %arg4[%dma_start3A_359, %dma_start3A_360] : memref<1000000x32xf32, #tpu.memory_space<hbm>> -> memref<1000000x32xf32, #tpu.memory_space<hbm>>
        tpu.enqueue_indirect_dma source(%dma_start3A_361 : memref<1000000x32xf32, #tpu.memory_space<hbm>>) target(%dma_start3A_357 : memref<36x32xf32, #tpu.memory_space<vmem>>) offsets(%dma_start3A_358 : memref<36xi32, #tpu.memory_space<vmem>>) semaphore(%arg16 : memref<!tpu.dma_semaphore, #tpu.memory_space<semaphore_mem>>)
      } else {
      }
      %add3A_188 = arith.addi %mul3A_2, %add3A_156 : i32
      %mul3A_189 = arith.constant 432 : i32
      %mul3A_190 = arith.muli %add3A_188, %mul3A_189 : i32
      %dma_start3A_191 = tpu.memref_slice %arg5[%mul3A_190] : memref<1769472xf32, #tpu.memory_space<hbm>> -> memref<432xf32, #tpu.memory_space<hbm>>
      %dma_start3A_192 = tpu.memref_slice %arg5[%mul3A_190] : memref<1769472xf32, #tpu.memory_space<hbm>> -> memref<432xf32, #tpu.memory_space<hbm>>
      tpu.enqueue_dma source(%arg12 : memref<432xf32, #tpu.memory_space<vmem>>) target(%dma_start3A_192 : memref<432xf32, #tpu.memory_space<hbm>>) target_semaphore(%arg20 : memref<!tpu.dma_semaphore, #tpu.memory_space<semaphore_mem>>)
      %add3A_193 = arith.constant 1 : i32
      %add3A_194 = arith.addi %mul3A_154, %add3A_193 : i32
      %dma_wait3A_195 = arith.constant 0 : i32
      %dma_wait3A_196 = arith.constant 0 : i32
      %dma_wait3A_197 = tpu.memref_slice %arg9[%dma_wait3A_195, %dma_wait3A_196] : memref<432x32xf32, #tpu.memory_space<vmem>> -> memref<420x32xf32, #tpu.memory_space<vmem>>
      %dma_wait3A_198 = arith.constant 0 : i32
      %dma_wait3A_199 = arith.constant 0 : i32
      %dma_wait3A_200 = tpu.memref_slice %arg4[%dma_wait3A_198, %dma_wait3A_199] : memref<1000000x32xf32, #tpu.memory_space<hbm>> -> memref<420x32xf32, #tpu.memory_space<hbm>>
      %dma_wait3A_201 = arith.constant 0 : i32
      %dma_wait3A_202 = arith.constant 0 : i32
      %dma_wait3A_203 = tpu.memref_slice %arg9[%dma_wait3A_201, %dma_wait3A_202] : memref<432x32xf32, #tpu.memory_space<vmem>> -> memref<420x32xf32, #tpu.memory_space<vmem>>
      %dma_wait3A_204 = arith.constant 0 : i32
      %dma_wait3A_205 = arith.constant 0 : i32
      %dma_wait3A_206 = tpu.memref_slice %arg4[%dma_wait3A_204, %dma_wait3A_205] : memref<1000000x32xf32, #tpu.memory_space<hbm>> -> memref<420x32xf32, #tpu.memory_space<hbm>>
      tpu.wait_dma2 semaphore(%arg17 : memref<!tpu.dma_semaphore, #tpu.memory_space<semaphore_mem>>) src(%dma_wait3A_206 : memref<420x32xf32, #tpu.memory_space<hbm>>) dst(%dma_wait3A_203 : memref<420x32xf32, #tpu.memory_space<vmem>>)
      %ge3A_207 = arith.constant 1 : i32
      %ge3A_208 = arith.cmpi sge, %scan3A_152, %ge3A_207 : i32
      %convert_element_type3A_209 = arith.extui %ge3A_208 : i1 to i32
      %cond3A_210 = arith.constant 0 : i32
      %cond3A_211 = arith.cmpi ne, %convert_element_type3A_209, %cond3A_210 : i32
      scf.if %cond3A_211 {
        %dma_wait3A_322 = arith.constant 0 : i32
        %dma_wait3A_323 = tpu.memref_slice %arg5[%dma_wait3A_322] : memref<1769472xf32, #tpu.memory_space<hbm>> -> memref<432xf32, #tpu.memory_space<hbm>>
        %dma_wait3A_324 = arith.constant 0 : i32
        %dma_wait3A_325 = tpu.memref_slice %arg5[%dma_wait3A_324] : memref<1769472xf32, #tpu.memory_space<hbm>> -> memref<432xf32, #tpu.memory_space<hbm>>
        tpu.wait_dma2 semaphore(%arg21 : memref<!tpu.dma_semaphore, #tpu.memory_space<semaphore_mem>>) src(%arg13 : memref<432xf32, #tpu.memory_space<vmem>>) dst(%dma_wait3A_325 : memref<432xf32, #tpu.memory_space<hbm>>)
      } else {
      }
      %get3A_212 = arith.index_cast %add3A_194 : i32 to index
      %get3A_213 = arith.constant 0 : index
      %get3A_214 = tpu.vector_load %arg6[%get3A_212, %get3A_213] {strides = array<i32>} : memref<128x32xf32, #tpu.memory_space<vmem>>, vector<16xf32>,
      %get3A_215 = arith.index_cast %add3A_194 : i32 to index
      %get3A_216 = arith.constant 16 : index
      %get3A_217 = tpu.vector_load %arg6[%get3A_215, %get3A_216] {strides = array<i32>} : memref<128x32xf32, #tpu.memory_space<vmem>>, vector<16xf32>,
      %scan3A_218 = arith.constant 0 : i32
      %scan3A_219 = arith.constant 0 : i32
      %scan3A_220 = arith.constant 27 : i32
      %scan3A_221 = arith.addi %scan3A_219, %scan3A_220 : i32
      %scan3A_222 = arith.constant 1 : i32
      scf.for %scan3A_322 = %scan3A_219 to %scan3A_221 step %scan3A_222  : i32 {
        %broadcast_in_dim3A = arith.constant 0.000000e+00 : f32
        %broadcast_in_dim3A_323 = vector.broadcast %broadcast_in_dim3A : f32 to vector<16xf32>
        %mul3A_324 = arith.constant 16 : i32
        %mul3A_325 = arith.muli %scan3A_322, %mul3A_324 : i32
        %add3A_326 = arith.constant 0 : i32
        %add3A_327 = arith.addi %mul3A_325, %add3A_326 : i32
        %get3A_328 = arith.index_cast %add3A_327 : i32 to index
        %get3A_329 = arith.constant 0 : index
        %get3A_330 = tpu.vector_load %arg9[%get3A_328, %get3A_329] {strides = array<i32>} : memref<432x32xf32, #tpu.memory_space<vmem>>, vector<16xf32>,
        %mul3A_331 = arith.constant 16 : i32
        %mul3A_332 = arith.muli %scan3A_322, %mul3A_331 : i32
        %add3A_333 = arith.constant 0 : i32
        %add3A_334 = arith.addi %mul3A_332, %add3A_333 : i32
        %get3A_335 = arith.index_cast %add3A_334 : i32 to index
        %get3A_336 = arith.constant 16 : index
        %get3A_337 = tpu.vector_load %arg9[%get3A_335, %get3A_336] {strides = array<i32>} : memref<432x32xf32, #tpu.memory_space<vmem>>, vector<16xf32>,
        %mul3A_338 = arith.mulf %get3A_330, %get3A_214 : vector<16xf32>
        %mul3A_339 = arith.mulf %get3A_337, %get3A_217 : vector<16xf32>
        %add3A_340 = arith.addf %mul3A_338, %mul3A_339 : vector<16xf32>
        %reduce_sum3A = arith.constant true
        %reduce_sum3A_341 = vector.broadcast %reduce_sum3A : i1 to vector<16xi1>
        %reduce_sum3A_342 = tpu.scan <sum>, %add3A_340 masked %reduce_sum3A_341 : vector<16xf32>, vector<16xi1> -> vector<16xf32>
        %reduce_sum3A_343 = vector.extract %reduce_sum3A_342[15] : f32 from vector<16xf32>
        %eq3A = arith.constant 0 : i32
        %eq3A_344 = vector.broadcast %eq3A : i32 to vector<16xi32>
        %eq3A_345 = arith.cmpi eq, %iota3A, %eq3A_344 : vector<16xi32>
        %broadcast_in_dim3A_346 = vector.broadcast %reduce_sum3A_343 : f32 to vector<16xf32>
        %select_n3A = arith.select %eq3A_345, %broadcast_in_dim3A_346, %broadcast_in_dim3A_323 : vector<16xi1>, vector<16xf32>
        %mul3A_347 = arith.constant 16 : i32
        %mul3A_348 = arith.muli %scan3A_322, %mul3A_347 : i32
        %add3A_349 = arith.constant 1 : i32
        %add3A_350 = arith.addi %mul3A_348, %add3A_349 : i32
        %get3A_351 = arith.index_cast %add3A_350 : i32 to index
        %get3A_352 = arith.constant 0 : index
        %get3A_353 = tpu.vector_load %arg9[%get3A_351, %get3A_352] {strides = array<i32>} : memref<432x32xf32, #tpu.memory_space<vmem>>, vector<16xf32>,
        %mul3A_354 = arith.constant 16 : i32
        %mul3A_355 = arith.muli %scan3A_322, %mul3A_354 : i32
        %add3A_356 = arith.constant 1 : i32
        %add3A_357 = arith.addi %mul3A_355, %add3A_356 : i32
        %get3A_358 = arith.index_cast %add3A_357 : i32 to index
        %get3A_359 = arith.constant 16 : index
        %get3A_360 = tpu.vector_load %arg9[%get3A_358, %get3A_359] {strides = array<i32>} : memref<432x32xf32, #tpu.memory_space<vmem>>, vector<16xf32>,
        %mul3A_361 = arith.mulf %get3A_353, %get3A_214 : vector<16xf32>
        %mul3A_362 = arith.mulf %get3A_360, %get3A_217 : vector<16xf32>
        %add3A_363 = arith.addf %mul3A_361, %mul3A_362 : vector<16xf32>
        %reduce_sum3A_364 = arith.constant true
        %reduce_sum3A_365 = vector.broadcast %reduce_sum3A_364 : i1 to vector<16xi1>
        %reduce_sum3A_366 = tpu.scan <sum>, %add3A_363 masked %reduce_sum3A_365 : vector<16xf32>, vector<16xi1> -> vector<16xf32>
        %reduce_sum3A_367 = vector.extract %reduce_sum3A_366[15] : f32 from vector<16xf32>
        %eq3A_368 = arith.constant 1 : i32
        %eq3A_369 = vector.broadcast %eq3A_368 : i32 to vector<16xi32>
        %eq3A_370 = arith.cmpi eq, %iota3A, %eq3A_369 : vector<16xi32>
        %broadcast_in_dim3A_371 = vector.broadcast %reduce_sum3A_367 : f32 to vector<16xf32>
        %select_n3A_372 = arith.select %eq3A_370, %broadcast_in_dim3A_371, %select_n3A : vector<16xi1>, vector<16xf32>
        %mul3A_373 = arith.constant 16 : i32
        %mul3A_374 = arith.muli %scan3A_322, %mul3A_373 : i32
        %add3A_375 = arith.constant 2 : i32
        %add3A_376 = arith.addi %mul3A_374, %add3A_375 : i32
        %get3A_377 = arith.index_cast %add3A_376 : i32 to index
        %get3A_378 = arith.constant 0 : index
        %get3A_379 = tpu.vector_load %arg9[%get3A_377, %get3A_378] {strides = array<i32>} : memref<432x32xf32, #tpu.memory_space<vmem>>, vector<16xf32>,
        %mul3A_380 = arith.constant 16 : i32
        %mul3A_381 = arith.muli %scan3A_322, %mul3A_380 : i32
        %add3A_382 = arith.constant 2 : i32
        %add3A_383 = arith.addi %mul3A_381, %add3A_382 : i32
        %get3A_384 = arith.index_cast %add3A_383 : i32 to index
        %get3A_385 = arith.constant 16 : index
        %get3A_386 = tpu.vector_load %arg9[%get3A_384, %get3A_385] {strides = array<i32>} : memref<432x32xf32, #tpu.memory_space<vmem>>, vector<16xf32>,
        %mul3A_387 = arith.mulf %get3A_379, %get3A_214 : vector<16xf32>
        %mul3A_388 = arith.mulf %get3A_386, %get3A_217 : vector<16xf32>
        %add3A_389 = arith.addf %mul3A_387, %mul3A_388 : vector<16xf32>
        %reduce_sum3A_390 = arith.constant true
        %reduce_sum3A_391 = vector.broadcast %reduce_sum3A_390 : i1 to vector<16xi1>
        %reduce_sum3A_392 = tpu.scan <sum>, %add3A_389 masked %reduce_sum3A_391 : vector<16xf32>, vector<16xi1> -> vector<16xf32>
        %reduce_sum3A_393 = vector.extract %reduce_sum3A_392[15] : f32 from vector<16xf32>
        %eq3A_394 = arith.constant 2 : i32
        %eq3A_395 = vector.broadcast %eq3A_394 : i32 to vector<16xi32>
        %eq3A_396 = arith.cmpi eq, %iota3A, %eq3A_395 : vector<16xi32>
        %broadcast_in_dim3A_397 = vector.broadcast %reduce_sum3A_393 : f32 to vector<16xf32>
        %select_n3A_398 = arith.select %eq3A_396, %broadcast_in_dim3A_397, %select_n3A_372 : vector<16xi1>, vector<16xf32>
        %mul3A_399 = arith.constant 16 : i32
        %mul3A_400 = arith.muli %scan3A_322, %mul3A_399 : i32
        %add3A_401 = arith.constant 3 : i32
        %add3A_402 = arith.addi %mul3A_400, %add3A_401 : i32
        %get3A_403 = arith.index_cast %add3A_402 : i32 to index
        %get3A_404 = arith.constant 0 : index
        %get3A_405 = tpu.vector_load %arg9[%get3A_403, %get3A_404] {strides = array<i32>} : memref<432x32xf32, #tpu.memory_space<vmem>>, vector<16xf32>,
        %mul3A_406 = arith.constant 16 : i32
        %mul3A_407 = arith.muli %scan3A_322, %mul3A_406 : i32
        %add3A_408 = arith.constant 3 : i32
        %add3A_409 = arith.addi %mul3A_407, %add3A_408 : i32
        %get3A_410 = arith.index_cast %add3A_409 : i32 to index
        %get3A_411 = arith.constant 16 : index
        %get3A_412 = tpu.vector_load %arg9[%get3A_410, %get3A_411] {strides = array<i32>} : memref<432x32xf32, #tpu.memory_space<vmem>>, vector<16xf32>,
        %mul3A_413 = arith.mulf %get3A_405, %get3A_214 : vector<16xf32>
        %mul3A_414 = arith.mulf %get3A_412, %get3A_217 : vector<16xf32>
        %add3A_415 = arith.addf %mul3A_413, %mul3A_414 : vector<16xf32>
        %reduce_sum3A_416 = arith.constant true
        %reduce_sum3A_417 = vector.broadcast %reduce_sum3A_416 : i1 to vector<16xi1>
        %reduce_sum3A_418 = tpu.scan <sum>, %add3A_415 masked %reduce_sum3A_417 : vector<16xf32>, vector<16xi1> -> vector<16xf32>
        %reduce_sum3A_419 = vector.extract %reduce_sum3A_418[15] : f32 from vector<16xf32>
        %eq3A_420 = arith.constant 3 : i32
        %eq3A_421 = vector.broadcast %eq3A_420 : i32 to vector<16xi32>
        %eq3A_422 = arith.cmpi eq, %iota3A, %eq3A_421 : vector<16xi32>
        %broadcast_in_dim3A_423 = vector.broadcast %reduce_sum3A_419 : f32 to vector<16xf32>
        %select_n3A_424 = arith.select %eq3A_422, %broadcast_in_dim3A_423, %select_n3A_398 : vector<16xi1>, vector<16xf32>
        %mul3A_425 = arith.constant 16 : i32
        %mul3A_426 = arith.muli %scan3A_322, %mul3A_425 : i32
        %add3A_427 = arith.constant 4 : i32
        %add3A_428 = arith.addi %mul3A_426, %add3A_427 : i32
        %get3A_429 = arith.index_cast %add3A_428 : i32 to index
        %get3A_430 = arith.constant 0 : index
        %get3A_431 = tpu.vector_load %arg9[%get3A_429, %get3A_430] {strides = array<i32>} : memref<432x32xf32, #tpu.memory_space<vmem>>, vector<16xf32>,
        %mul3A_432 = arith.constant 16 : i32
        %mul3A_433 = arith.muli %scan3A_322, %mul3A_432 : i32
        %add3A_434 = arith.constant 4 : i32
        %add3A_435 = arith.addi %mul3A_433, %add3A_434 : i32
        %get3A_436 = arith.index_cast %add3A_435 : i32 to index
        %get3A_437 = arith.constant 16 : index
        %get3A_438 = tpu.vector_load %arg9[%get3A_436, %get3A_437] {strides = array<i32>} : memref<432x32xf32, #tpu.memory_space<vmem>>, vector<16xf32>,
        %mul3A_439 = arith.mulf %get3A_431, %get3A_214 : vector<16xf32>
        %mul3A_440 = arith.mulf %get3A_438, %get3A_217 : vector<16xf32>
        %add3A_441 = arith.addf %mul3A_439, %mul3A_440 : vector<16xf32>
        %reduce_sum3A_442 = arith.constant true
        %reduce_sum3A_443 = vector.broadcast %reduce_sum3A_442 : i1 to vector<16xi1>
        %reduce_sum3A_444 = tpu.scan <sum>, %add3A_441 masked %reduce_sum3A_443 : vector<16xf32>, vector<16xi1> -> vector<16xf32>
        %reduce_sum3A_445 = vector.extract %reduce_sum3A_444[15] : f32 from vector<16xf32>
        %eq3A_446 = arith.constant 4 : i32
        %eq3A_447 = vector.broadcast %eq3A_446 : i32 to vector<16xi32>
        %eq3A_448 = arith.cmpi eq, %iota3A, %eq3A_447 : vector<16xi32>
        %broadcast_in_dim3A_449 = vector.broadcast %reduce_sum3A_445 : f32 to vector<16xf32>
        %select_n3A_450 = arith.select %eq3A_448, %broadcast_in_dim3A_449, %select_n3A_424 : vector<16xi1>, vector<16xf32>
        %mul3A_451 = arith.constant 16 : i32
        %mul3A_452 = arith.muli %scan3A_322, %mul3A_451 : i32
        %add3A_453 = arith.constant 5 : i32
        %add3A_454 = arith.addi %mul3A_452, %add3A_453 : i32
        %get3A_455 = arith.index_cast %add3A_454 : i32 to index
        %get3A_456 = arith.constant 0 : index
        %get3A_457 = tpu.vector_load %arg9[%get3A_455, %get3A_456] {strides = array<i32>} : memref<432x32xf32, #tpu.memory_space<vmem>>, vector<16xf32>,
        %mul3A_458 = arith.constant 16 : i32
        %mul3A_459 = arith.muli %scan3A_322, %mul3A_458 : i32
        %add3A_460 = arith.constant 5 : i32
        %add3A_461 = arith.addi %mul3A_459, %add3A_460 : i32
        %get3A_462 = arith.index_cast %add3A_461 : i32 to index
        %get3A_463 = arith.constant 16 : index
        %get3A_464 = tpu.vector_load %arg9[%get3A_462, %get3A_463] {strides = array<i32>} : memref<432x32xf32, #tpu.memory_space<vmem>>, vector<16xf32>,
        %mul3A_465 = arith.mulf %get3A_457, %get3A_214 : vector<16xf32>
        %mul3A_466 = arith.mulf %get3A_464, %get3A_217 : vector<16xf32>
        %add3A_467 = arith.addf %mul3A_465, %mul3A_466 : vector<16xf32>
        %reduce_sum3A_468 = arith.constant true
        %reduce_sum3A_469 = vector.broadcast %reduce_sum3A_468 : i1 to vector<16xi1>
        %reduce_sum3A_470 = tpu.scan <sum>, %add3A_467 masked %reduce_sum3A_469 : vector<16xf32>, vector<16xi1> -> vector<16xf32>
        %reduce_sum3A_471 = vector.extract %reduce_sum3A_470[15] : f32 from vector<16xf32>
        %eq3A_472 = arith.constant 5 : i32
        %eq3A_473 = vector.broadcast %eq3A_472 : i32 to vector<16xi32>
        %eq3A_474 = arith.cmpi eq, %iota3A, %eq3A_473 : vector<16xi32>
        %broadcast_in_dim3A_475 = vector.broadcast %reduce_sum3A_471 : f32 to vector<16xf32>
        %select_n3A_476 = arith.select %eq3A_474, %broadcast_in_dim3A_475, %select_n3A_450 : vector<16xi1>, vector<16xf32>
        %mul3A_477 = arith.constant 16 : i32
        %mul3A_478 = arith.muli %scan3A_322, %mul3A_477 : i32
        %add3A_479 = arith.constant 6 : i32
        %add3A_480 = arith.addi %mul3A_478, %add3A_479 : i32
        %get3A_481 = arith.index_cast %add3A_480 : i32 to index
        %get3A_482 = arith.constant 0 : index
        %get3A_483 = tpu.vector_load %arg9[%get3A_481, %get3A_482] {strides = array<i32>} : memref<432x32xf32, #tpu.memory_space<vmem>>, vector<16xf32>,
        %mul3A_484 = arith.constant 16 : i32
        %mul3A_485 = arith.muli %scan3A_322, %mul3A_484 : i32
        %add3A_486 = arith.constant 6 : i32
        %add3A_487 = arith.addi %mul3A_485, %add3A_486 : i32
        %get3A_488 = arith.index_cast %add3A_487 : i32 to index
        %get3A_489 = arith.constant 16 : index
        %get3A_490 = tpu.vector_load %arg9[%get3A_488, %get3A_489] {strides = array<i32>} : memref<432x32xf32, #tpu.memory_space<vmem>>, vector<16xf32>,
        %mul3A_491 = arith.mulf %get3A_483, %get3A_214 : vector<16xf32>
        %mul3A_492 = arith.mulf %get3A_490, %get3A_217 : vector<16xf32>
        %add3A_493 = arith.addf %mul3A_491, %mul3A_492 : vector<16xf32>
        %reduce_sum3A_494 = arith.constant true
        %reduce_sum3A_495 = vector.broadcast %reduce_sum3A_494 : i1 to vector<16xi1>
        %reduce_sum3A_496 = tpu.scan <sum>, %add3A_493 masked %reduce_sum3A_495 : vector<16xf32>, vector<16xi1> -> vector<16xf32>
        %reduce_sum3A_497 = vector.extract %reduce_sum3A_496[15] : f32 from vector<16xf32>
        %eq3A_498 = arith.constant 6 : i32
        %eq3A_499 = vector.broadcast %eq3A_498 : i32 to vector<16xi32>
        %eq3A_500 = arith.cmpi eq, %iota3A, %eq3A_499 : vector<16xi32>
        %broadcast_in_dim3A_501 = vector.broadcast %reduce_sum3A_497 : f32 to vector<16xf32>
        %select_n3A_502 = arith.select %eq3A_500, %broadcast_in_dim3A_501, %select_n3A_476 : vector<16xi1>, vector<16xf32>
        %mul3A_503 = arith.constant 16 : i32
        %mul3A_504 = arith.muli %scan3A_322, %mul3A_503 : i32
        %add3A_505 = arith.constant 7 : i32
        %add3A_506 = arith.addi %mul3A_504, %add3A_505 : i32
        %get3A_507 = arith.index_cast %add3A_506 : i32 to index
        %get3A_508 = arith.constant 0 : index
        %get3A_509 = tpu.vector_load %arg9[%get3A_507, %get3A_508] {strides = array<i32>} : memref<432x32xf32, #tpu.memory_space<vmem>>, vector<16xf32>,
        %mul3A_510 = arith.constant 16 : i32
        %mul3A_511 = arith.muli %scan3A_322, %mul3A_510 : i32
        %add3A_512 = arith.constant 7 : i32
        %add3A_513 = arith.addi %mul3A_511, %add3A_512 : i32
        %get3A_514 = arith.index_cast %add3A_513 : i32 to index
        %get3A_515 = arith.constant 16 : index
        %get3A_516 = tpu.vector_load %arg9[%get3A_514, %get3A_515] {strides = array<i32>} : memref<432x32xf32, #tpu.memory_space<vmem>>, vector<16xf32>,
        %mul3A_517 = arith.mulf %get3A_509, %get3A_214 : vector<16xf32>
        %mul3A_518 = arith.mulf %get3A_516, %get3A_217 : vector<16xf32>
        %add3A_519 = arith.addf %mul3A_517, %mul3A_518 : vector<16xf32>
        %reduce_sum3A_520 = arith.constant true
        %reduce_sum3A_521 = vector.broadcast %reduce_sum3A_520 : i1 to vector<16xi1>
        %reduce_sum3A_522 = tpu.scan <sum>, %add3A_519 masked %reduce_sum3A_521 : vector<16xf32>, vector<16xi1> -> vector<16xf32>
        %reduce_sum3A_523 = vector.extract %reduce_sum3A_522[15] : f32 from vector<16xf32>
        %eq3A_524 = arith.constant 7 : i32
        %eq3A_525 = vector.broadcast %eq3A_524 : i32 to vector<16xi32>
        %eq3A_526 = arith.cmpi eq, %iota3A, %eq3A_525 : vector<16xi32>
        %broadcast_in_dim3A_527 = vector.broadcast %reduce_sum3A_523 : f32 to vector<16xf32>
        %select_n3A_528 = arith.select %eq3A_526, %broadcast_in_dim3A_527, %select_n3A_502 : vector<16xi1>, vector<16xf32>
        %mul3A_529 = arith.constant 16 : i32
        %mul3A_530 = arith.muli %scan3A_322, %mul3A_529 : i32
        %add3A_531 = arith.constant 8 : i32
        %add3A_532 = arith.addi %mul3A_530, %add3A_531 : i32
        %get3A_533 = arith.index_cast %add3A_532 : i32 to index
        %get3A_534 = arith.constant 0 : index
        %get3A_535 = tpu.vector_load %arg9[%get3A_533, %get3A_534] {strides = array<i32>} : memref<432x32xf32, #tpu.memory_space<vmem>>, vector<16xf32>,
        %mul3A_536 = arith.constant 16 : i32
        %mul3A_537 = arith.muli %scan3A_322, %mul3A_536 : i32
        %add3A_538 = arith.constant 8 : i32
        %add3A_539 = arith.addi %mul3A_537, %add3A_538 : i32
        %get3A_540 = arith.index_cast %add3A_539 : i32 to index
        %get3A_541 = arith.constant 16 : index
        %get3A_542 = tpu.vector_load %arg9[%get3A_540, %get3A_541] {strides = array<i32>} : memref<432x32xf32, #tpu.memory_space<vmem>>, vector<16xf32>,
        %mul3A_543 = arith.mulf %get3A_535, %get3A_214 : vector<16xf32>
        %mul3A_544 = arith.mulf %get3A_542, %get3A_217 : vector<16xf32>
        %add3A_545 = arith.addf %mul3A_543, %mul3A_544 : vector<16xf32>
        %reduce_sum3A_546 = arith.constant true
        %reduce_sum3A_547 = vector.broadcast %reduce_sum3A_546 : i1 to vector<16xi1>
        %reduce_sum3A_548 = tpu.scan <sum>, %add3A_545 masked %reduce_sum3A_547 : vector<16xf32>, vector<16xi1> -> vector<16xf32>
        %reduce_sum3A_549 = vector.extract %reduce_sum3A_548[15] : f32 from vector<16xf32>
        %eq3A_550 = arith.constant 8 : i32
        %eq3A_551 = vector.broadcast %eq3A_550 : i32 to vector<16xi32>
        %eq3A_552 = arith.cmpi eq, %iota3A, %eq3A_551 : vector<16xi32>
        %broadcast_in_dim3A_553 = vector.broadcast %reduce_sum3A_549 : f32 to vector<16xf32>
        %select_n3A_554 = arith.select %eq3A_552, %broadcast_in_dim3A_553, %select_n3A_528 : vector<16xi1>, vector<16xf32>
        %mul3A_555 = arith.constant 16 : i32
        %mul3A_556 = arith.muli %scan3A_322, %mul3A_555 : i32
        %add3A_557 = arith.constant 9 : i32
        %add3A_558 = arith.addi %mul3A_556, %add3A_557 : i32
        %get3A_559 = arith.index_cast %add3A_558 : i32 to index
        %get3A_560 = arith.constant 0 : index
        %get3A_561 = tpu.vector_load %arg9[%get3A_559, %get3A_560] {strides = array<i32>} : memref<432x32xf32, #tpu.memory_space<vmem>>, vector<16xf32>,
        %mul3A_562 = arith.constant 16 : i32
        %mul3A_563 = arith.muli %scan3A_322, %mul3A_562 : i32
        %add3A_564 = arith.constant 9 : i32
        %add3A_565 = arith.addi %mul3A_563, %add3A_564 : i32
        %get3A_566 = arith.index_cast %add3A_565 : i32 to index
        %get3A_567 = arith.constant 16 : index
        %get3A_568 = tpu.vector_load %arg9[%get3A_566, %get3A_567] {strides = array<i32>} : memref<432x32xf32, #tpu.memory_space<vmem>>, vector<16xf32>,
        %mul3A_569 = arith.mulf %get3A_561, %get3A_214 : vector<16xf32>
        %mul3A_570 = arith.mulf %get3A_568, %get3A_217 : vector<16xf32>
        %add3A_571 = arith.addf %mul3A_569, %mul3A_570 : vector<16xf32>
        %reduce_sum3A_572 = arith.constant true
        %reduce_sum3A_573 = vector.broadcast %reduce_sum3A_572 : i1 to vector<16xi1>
        %reduce_sum3A_574 = tpu.scan <sum>, %add3A_571 masked %reduce_sum3A_573 : vector<16xf32>, vector<16xi1> -> vector<16xf32>
        %reduce_sum3A_575 = vector.extract %reduce_sum3A_574[15] : f32 from vector<16xf32>
        %eq3A_576 = arith.constant 9 : i32
        %eq3A_577 = vector.broadcast %eq3A_576 : i32 to vector<16xi32>
        %eq3A_578 = arith.cmpi eq, %iota3A, %eq3A_577 : vector<16xi32>
        %broadcast_in_dim3A_579 = vector.broadcast %reduce_sum3A_575 : f32 to vector<16xf32>
        %select_n3A_580 = arith.select %eq3A_578, %broadcast_in_dim3A_579, %select_n3A_554 : vector<16xi1>, vector<16xf32>
        %mul3A_581 = arith.constant 16 : i32
        %mul3A_582 = arith.muli %scan3A_322, %mul3A_581 : i32
        %add3A_583 = arith.constant 10 : i32
        %add3A_584 = arith.addi %mul3A_582, %add3A_583 : i32
        %get3A_585 = arith.index_cast %add3A_584 : i32 to index
        %get3A_586 = arith.constant 0 : index
        %get3A_587 = tpu.vector_load %arg9[%get3A_585, %get3A_586] {strides = array<i32>} : memref<432x32xf32, #tpu.memory_space<vmem>>, vector<16xf32>,
        %mul3A_588 = arith.constant 16 : i32
        %mul3A_589 = arith.muli %scan3A_322, %mul3A_588 : i32
        %add3A_590 = arith.constant 10 : i32
        %add3A_591 = arith.addi %mul3A_589, %add3A_590 : i32
        %get3A_592 = arith.index_cast %add3A_591 : i32 to index
        %get3A_593 = arith.constant 16 : index
        %get3A_594 = tpu.vector_load %arg9[%get3A_592, %get3A_593] {strides = array<i32>} : memref<432x32xf32, #tpu.memory_space<vmem>>, vector<16xf32>,
        %mul3A_595 = arith.mulf %get3A_587, %get3A_214 : vector<16xf32>
        %mul3A_596 = arith.mulf %get3A_594, %get3A_217 : vector<16xf32>
        %add3A_597 = arith.addf %mul3A_595, %mul3A_596 : vector<16xf32>
        %reduce_sum3A_598 = arith.constant true
        %reduce_sum3A_599 = vector.broadcast %reduce_sum3A_598 : i1 to vector<16xi1>
        %reduce_sum3A_600 = tpu.scan <sum>, %add3A_597 masked %reduce_sum3A_599 : vector<16xf32>, vector<16xi1> -> vector<16xf32>
        %reduce_sum3A_601 = vector.extract %reduce_sum3A_600[15] : f32 from vector<16xf32>
        %eq3A_602 = arith.constant 10 : i32
        %eq3A_603 = vector.broadcast %eq3A_602 : i32 to vector<16xi32>
        %eq3A_604 = arith.cmpi eq, %iota3A, %eq3A_603 : vector<16xi32>
        %broadcast_in_dim3A_605 = vector.broadcast %reduce_sum3A_601 : f32 to vector<16xf32>
        %select_n3A_606 = arith.select %eq3A_604, %broadcast_in_dim3A_605, %select_n3A_580 : vector<16xi1>, vector<16xf32>
        %mul3A_607 = arith.constant 16 : i32
        %mul3A_608 = arith.muli %scan3A_322, %mul3A_607 : i32
        %add3A_609 = arith.constant 11 : i32
        %add3A_610 = arith.addi %mul3A_608, %add3A_609 : i32
        %get3A_611 = arith.index_cast %add3A_610 : i32 to index
        %get3A_612 = arith.constant 0 : index
        %get3A_613 = tpu.vector_load %arg9[%get3A_611, %get3A_612] {strides = array<i32>} : memref<432x32xf32, #tpu.memory_space<vmem>>, vector<16xf32>,
        %mul3A_614 = arith.constant 16 : i32
        %mul3A_615 = arith.muli %scan3A_322, %mul3A_614 : i32
        %add3A_616 = arith.constant 11 : i32
        %add3A_617 = arith.addi %mul3A_615, %add3A_616 : i32
        %get3A_618 = arith.index_cast %add3A_617 : i32 to index
        %get3A_619 = arith.constant 16 : index
        %get3A_620 = tpu.vector_load %arg9[%get3A_618, %get3A_619] {strides = array<i32>} : memref<432x32xf32, #tpu.memory_space<vmem>>, vector<16xf32>,
        %mul3A_621 = arith.mulf %get3A_613, %get3A_214 : vector<16xf32>
        %mul3A_622 = arith.mulf %get3A_620, %get3A_217 : vector<16xf32>
        %add3A_623 = arith.addf %mul3A_621, %mul3A_622 : vector<16xf32>
        %reduce_sum3A_624 = arith.constant true
        %reduce_sum3A_625 = vector.broadcast %reduce_sum3A_624 : i1 to vector<16xi1>
        %reduce_sum3A_626 = tpu.scan <sum>, %add3A_623 masked %reduce_sum3A_625 : vector<16xf32>, vector<16xi1> -> vector<16xf32>
        %reduce_sum3A_627 = vector.extract %reduce_sum3A_626[15] : f32 from vector<16xf32>
        %eq3A_628 = arith.constant 11 : i32
        %eq3A_629 = vector.broadcast %eq3A_628 : i32 to vector<16xi32>
        %eq3A_630 = arith.cmpi eq, %iota3A, %eq3A_629 : vector<16xi32>
        %broadcast_in_dim3A_631 = vector.broadcast %reduce_sum3A_627 : f32 to vector<16xf32>
        %select_n3A_632 = arith.select %eq3A_630, %broadcast_in_dim3A_631, %select_n3A_606 : vector<16xi1>, vector<16xf32>
        %mul3A_633 = arith.constant 16 : i32
        %mul3A_634 = arith.muli %scan3A_322, %mul3A_633 : i32
        %add3A_635 = arith.constant 12 : i32
        %add3A_636 = arith.addi %mul3A_634, %add3A_635 : i32
        %get3A_637 = arith.index_cast %add3A_636 : i32 to index
        %get3A_638 = arith.constant 0 : index
        %get3A_639 = tpu.vector_load %arg9[%get3A_637, %get3A_638] {strides = array<i32>} : memref<432x32xf32, #tpu.memory_space<vmem>>, vector<16xf32>,
        %mul3A_640 = arith.constant 16 : i32
        %mul3A_641 = arith.muli %scan3A_322, %mul3A_640 : i32
        %add3A_642 = arith.constant 12 : i32
        %add3A_643 = arith.addi %mul3A_641, %add3A_642 : i32
        %get3A_644 = arith.index_cast %add3A_643 : i32 to index
        %get3A_645 = arith.constant 16 : index
        %get3A_646 = tpu.vector_load %arg9[%get3A_644, %get3A_645] {strides = array<i32>} : memref<432x32xf32, #tpu.memory_space<vmem>>, vector<16xf32>,
        %mul3A_647 = arith.mulf %get3A_639, %get3A_214 : vector<16xf32>
        %mul3A_648 = arith.mulf %get3A_646, %get3A_217 : vector<16xf32>
        %add3A_649 = arith.addf %mul3A_647, %mul3A_648 : vector<16xf32>
        %reduce_sum3A_650 = arith.constant true
        %reduce_sum3A_651 = vector.broadcast %reduce_sum3A_650 : i1 to vector<16xi1>
        %reduce_sum3A_652 = tpu.scan <sum>, %add3A_649 masked %reduce_sum3A_651 : vector<16xf32>, vector<16xi1> -> vector<16xf32>
        %reduce_sum3A_653 = vector.extract %reduce_sum3A_652[15] : f32 from vector<16xf32>
        %eq3A_654 = arith.constant 12 : i32
        %eq3A_655 = vector.broadcast %eq3A_654 : i32 to vector<16xi32>
        %eq3A_656 = arith.cmpi eq, %iota3A, %eq3A_655 : vector<16xi32>
        %broadcast_in_dim3A_657 = vector.broadcast %reduce_sum3A_653 : f32 to vector<16xf32>
        %select_n3A_658 = arith.select %eq3A_656, %broadcast_in_dim3A_657, %select_n3A_632 : vector<16xi1>, vector<16xf32>
        %mul3A_659 = arith.constant 16 : i32
        %mul3A_660 = arith.muli %scan3A_322, %mul3A_659 : i32
        %add3A_661 = arith.constant 13 : i32
        %add3A_662 = arith.addi %mul3A_660, %add3A_661 : i32
        %get3A_663 = arith.index_cast %add3A_662 : i32 to index
        %get3A_664 = arith.constant 0 : index
        %get3A_665 = tpu.vector_load %arg9[%get3A_663, %get3A_664] {strides = array<i32>} : memref<432x32xf32, #tpu.memory_space<vmem>>, vector<16xf32>,
        %mul3A_666 = arith.constant 16 : i32
        %mul3A_667 = arith.muli %scan3A_322, %mul3A_666 : i32
        %add3A_668 = arith.constant 13 : i32
        %add3A_669 = arith.addi %mul3A_667, %add3A_668 : i32
        %get3A_670 = arith.index_cast %add3A_669 : i32 to index
        %get3A_671 = arith.constant 16 : index
        %get3A_672 = tpu.vector_load %arg9[%get3A_670, %get3A_671] {strides = array<i32>} : memref<432x32xf32, #tpu.memory_space<vmem>>, vector<16xf32>,
        %mul3A_673 = arith.mulf %get3A_665, %get3A_214 : vector<16xf32>
        %mul3A_674 = arith.mulf %get3A_672, %get3A_217 : vector<16xf32>
        %add3A_675 = arith.addf %mul3A_673, %mul3A_674 : vector<16xf32>
        %reduce_sum3A_676 = arith.constant true
        %reduce_sum3A_677 = vector.broadcast %reduce_sum3A_676 : i1 to vector<16xi1>
        %reduce_sum3A_678 = tpu.scan <sum>, %add3A_675 masked %reduce_sum3A_677 : vector<16xf32>, vector<16xi1> -> vector<16xf32>
        %reduce_sum3A_679 = vector.extract %reduce_sum3A_678[15] : f32 from vector<16xf32>
        %eq3A_680 = arith.constant 13 : i32
        %eq3A_681 = vector.broadcast %eq3A_680 : i32 to vector<16xi32>
        %eq3A_682 = arith.cmpi eq, %iota3A, %eq3A_681 : vector<16xi32>
        %broadcast_in_dim3A_683 = vector.broadcast %reduce_sum3A_679 : f32 to vector<16xf32>
        %select_n3A_684 = arith.select %eq3A_682, %broadcast_in_dim3A_683, %select_n3A_658 : vector<16xi1>, vector<16xf32>
        %mul3A_685 = arith.constant 16 : i32
        %mul3A_686 = arith.muli %scan3A_322, %mul3A_685 : i32
        %add3A_687 = arith.constant 14 : i32
        %add3A_688 = arith.addi %mul3A_686, %add3A_687 : i32
        %get3A_689 = arith.index_cast %add3A_688 : i32 to index
        %get3A_690 = arith.constant 0 : index
        %get3A_691 = tpu.vector_load %arg9[%get3A_689, %get3A_690] {strides = array<i32>} : memref<432x32xf32, #tpu.memory_space<vmem>>, vector<16xf32>,
        %mul3A_692 = arith.constant 16 : i32
        %mul3A_693 = arith.muli %scan3A_322, %mul3A_692 : i32
        %add3A_694 = arith.constant 14 : i32
        %add3A_695 = arith.addi %mul3A_693, %add3A_694 : i32
        %get3A_696 = arith.index_cast %add3A_695 : i32 to index
        %get3A_697 = arith.constant 16 : index
        %get3A_698 = tpu.vector_load %arg9[%get3A_696, %get3A_697] {strides = array<i32>} : memref<432x32xf32, #tpu.memory_space<vmem>>, vector<16xf32>,
        %mul3A_699 = arith.mulf %get3A_691, %get3A_214 : vector<16xf32>
        %mul3A_700 = arith.mulf %get3A_698, %get3A_217 : vector<16xf32>
        %add3A_701 = arith.addf %mul3A_699, %mul3A_700 : vector<16xf32>
        %reduce_sum3A_702 = arith.constant true
        %reduce_sum3A_703 = vector.broadcast %reduce_sum3A_702 : i1 to vector<16xi1>
        %reduce_sum3A_704 = tpu.scan <sum>, %add3A_701 masked %reduce_sum3A_703 : vector<16xf32>, vector<16xi1> -> vector<16xf32>
        %reduce_sum3A_705 = vector.extract %reduce_sum3A_704[15] : f32 from vector<16xf32>
        %eq3A_706 = arith.constant 14 : i32
        %eq3A_707 = vector.broadcast %eq3A_706 : i32 to vector<16xi32>
        %eq3A_708 = arith.cmpi eq, %iota3A, %eq3A_707 : vector<16xi32>
        %broadcast_in_dim3A_709 = vector.broadcast %reduce_sum3A_705 : f32 to vector<16xf32>
        %select_n3A_710 = arith.select %eq3A_708, %broadcast_in_dim3A_709, %select_n3A_684 : vector<16xi1>, vector<16xf32>
        %mul3A_711 = arith.constant 16 : i32
        %mul3A_712 = arith.muli %scan3A_322, %mul3A_711 : i32
        %add3A_713 = arith.constant 15 : i32
        %add3A_714 = arith.addi %mul3A_712, %add3A_713 : i32
        %get3A_715 = arith.index_cast %add3A_714 : i32 to index
        %get3A_716 = arith.constant 0 : index
        %get3A_717 = tpu.vector_load %arg9[%get3A_715, %get3A_716] {strides = array<i32>} : memref<432x32xf32, #tpu.memory_space<vmem>>, vector<16xf32>,
        %mul3A_718 = arith.constant 16 : i32
        %mul3A_719 = arith.muli %scan3A_322, %mul3A_718 : i32
        %add3A_720 = arith.constant 15 : i32
        %add3A_721 = arith.addi %mul3A_719, %add3A_720 : i32
        %get3A_722 = arith.index_cast %add3A_721 : i32 to index
        %get3A_723 = arith.constant 16 : index
        %get3A_724 = tpu.vector_load %arg9[%get3A_722, %get3A_723] {strides = array<i32>} : memref<432x32xf32, #tpu.memory_space<vmem>>, vector<16xf32>,
        %mul3A_725 = arith.mulf %get3A_717, %get3A_214 : vector<16xf32>
        %mul3A_726 = arith.mulf %get3A_724, %get3A_217 : vector<16xf32>
        %add3A_727 = arith.addf %mul3A_725, %mul3A_726 : vector<16xf32>
        %reduce_sum3A_728 = arith.constant true
        %reduce_sum3A_729 = vector.broadcast %reduce_sum3A_728 : i1 to vector<16xi1>
        %reduce_sum3A_730 = tpu.scan <sum>, %add3A_727 masked %reduce_sum3A_729 : vector<16xf32>, vector<16xi1> -> vector<16xf32>
        %reduce_sum3A_731 = vector.extract %reduce_sum3A_730[15] : f32 from vector<16xf32>
        %eq3A_732 = arith.constant 15 : i32
        %eq3A_733 = vector.broadcast %eq3A_732 : i32 to vector<16xi32>
        %eq3A_734 = arith.cmpi eq, %iota3A, %eq3A_733 : vector<16xi32>
        %broadcast_in_dim3A_735 = vector.broadcast %reduce_sum3A_731 : f32 to vector<16xf32>
        %select_n3A_736 = arith.select %eq3A_734, %broadcast_in_dim3A_735, %select_n3A_710 : vector<16xi1>, vector<16xf32>
        %mul3A_737 = arith.constant 16 : i32
        %mul3A_738 = arith.muli %scan3A_322, %mul3A_737 : i32
        %swap3A = arith.index_cast %mul3A_738 : i32 to index
        %swap3A_739 = tpu.vector_load %arg13[%swap3A] {strides = array<i32>} : memref<432xf32, #tpu.memory_space<vmem>>, vector<16xf32>,
        tpu.vector_store %arg13[%swap3A], %select_n3A_736 {strides = array<i32>} : memref<432xf32, #tpu.memory_space<vmem>>, vector<16xf32>,
      }
      %scan3A_223 = arith.constant 27 : i32
      %add3A_224 = arith.constant 4 : i32
      %add3A_225 = arith.addi %add3A_194, %add3A_224 : i32
      %lt3A_226 = arith.constant 128 : i32
      %lt3A_227 = arith.cmpi slt, %add3A_225, %lt3A_226 : i32
      %convert_element_type3A_228 = arith.extui %lt3A_227 : i1 to i32
      %cond3A_229 = arith.constant 0 : i32
      %cond3A_230 = arith.cmpi ne, %convert_element_type3A_228, %cond3A_229 : i32
      scf.if %cond3A_230 {
        %add3A_322 = arith.constant 4 : i32
        %add3A_323 = arith.addi %add3A_194, %add3A_322 : i32
        %mul3A_324 = arith.constant 432 : i32
        %mul3A_325 = arith.muli %add3A_323, %mul3A_324 : i32
        %add3A_326 = arith.constant 0 : i32
        %add3A_327 = arith.addi %mul3A_325, %add3A_326 : i32
        %dma_start3A_328 = arith.constant 0 : i32
        %dma_start3A_329 = arith.constant 0 : i32
        %dma_start3A_330 = tpu.memref_slice %arg9[%dma_start3A_328, %dma_start3A_329] : memref<432x32xf32, #tpu.memory_space<vmem>> -> memref<128x32xf32, #tpu.memory_space<vmem>>
        %dma_start3A_331 = tpu.memref_slice %arg7[%add3A_327] : memref<55296xi32, #tpu.memory_space<vmem>> -> memref<128xi32, #tpu.memory_space<vmem>>
        %dma_start3A_332 = arith.constant 0 : i32
        %dma_start3A_333 = arith.constant 0 : i32
        %dma_start3A_334 = tpu.memref_slice %arg4[%dma_start3A_332, %dma_start3A_333] : memref<1000000x32xf32, #tpu.memory_space<hbm>> -> memref<1000000x32xf32, #tpu.memory_space<hbm>>
        tpu.enqueue_indirect_dma source(%dma_start3A_334 : memref<1000000x32xf32, #tpu.memory_space<hbm>>) target(%dma_start3A_330 : memref<128x32xf32, #tpu.memory_space<vmem>>) offsets(%dma_start3A_331 : memref<128xi32, #tpu.memory_space<vmem>>) semaphore(%arg17 : memref<!tpu.dma_semaphore, #tpu.memory_space<semaphore_mem>>)
        %add3A_335 = arith.constant 128 : i32
        %add3A_336 = arith.addi %mul3A_325, %add3A_335 : i32
        %dma_start3A_337 = arith.constant 128 : i32
        %dma_start3A_338 = arith.constant 0 : i32
        %dma_start3A_339 = tpu.memref_slice %arg9[%dma_start3A_337, %dma_start3A_338] : memref<432x32xf32, #tpu.memory_space<vmem>> -> memref<128x32xf32, #tpu.memory_space<vmem>>
        %dma_start3A_340 = tpu.memref_slice %arg7[%add3A_336] : memref<55296xi32, #tpu.memory_space<vmem>> -> memref<128xi32, #tpu.memory_space<vmem>>
        %dma_start3A_341 = arith.constant 0 : i32
        %dma_start3A_342 = arith.constant 0 : i32
        %dma_start3A_343 = tpu.memref_slice %arg4[%dma_start3A_341, %dma_start3A_342] : memref<1000000x32xf32, #tpu.memory_space<hbm>> -> memref<1000000x32xf32, #tpu.memory_space<hbm>>
        tpu.enqueue_indirect_dma source(%dma_start3A_343 : memref<1000000x32xf32, #tpu.memory_space<hbm>>) target(%dma_start3A_339 : memref<128x32xf32, #tpu.memory_space<vmem>>) offsets(%dma_start3A_340 : memref<128xi32, #tpu.memory_space<vmem>>) semaphore(%arg17 : memref<!tpu.dma_semaphore, #tpu.memory_space<semaphore_mem>>)
        %add3A_344 = arith.constant 256 : i32
        %add3A_345 = arith.addi %mul3A_325, %add3A_344 : i32
        %dma_start3A_346 = arith.constant 256 : i32
        %dma_start3A_347 = arith.constant 0 : i32
        %dma_start3A_348 = tpu.memref_slice %arg9[%dma_start3A_346, %dma_start3A_347] : memref<432x32xf32, #tpu.memory_space<vmem>> -> memref<128x32xf32, #tpu.memory_space<vmem>>
        %dma_start3A_349 = tpu.memref_slice %arg7[%add3A_345] : memref<55296xi32, #tpu.memory_space<vmem>> -> memref<128xi32, #tpu.memory_space<vmem>>
        %dma_start3A_350 = arith.constant 0 : i32
        %dma_start3A_351 = arith.constant 0 : i32
        %dma_start3A_352 = tpu.memref_slice %arg4[%dma_start3A_350, %dma_start3A_351] : memref<1000000x32xf32, #tpu.memory_space<hbm>> -> memref<1000000x32xf32, #tpu.memory_space<hbm>>
        tpu.enqueue_indirect_dma source(%dma_start3A_352 : memref<1000000x32xf32, #tpu.memory_space<hbm>>) target(%dma_start3A_348 : memref<128x32xf32, #tpu.memory_space<vmem>>) offsets(%dma_start3A_349 : memref<128xi32, #tpu.memory_space<vmem>>) semaphore(%arg17 : memref<!tpu.dma_semaphore, #tpu.memory_space<semaphore_mem>>)
        %add3A_353 = arith.constant 384 : i32
        %add3A_354 = arith.addi %mul3A_325, %add3A_353 : i32
        %dma_start3A_355 = arith.constant 384 : i32
        %dma_start3A_356 = arith.constant 0 : i32
        %dma_start3A_357 = tpu.memref_slice %arg9[%dma_start3A_355, %dma_start3A_356] : memref<432x32xf32, #tpu.memory_space<vmem>> -> memref<36x32xf32, #tpu.memory_space<vmem>>
        %dma_start3A_358 = tpu.memref_slice %arg7[%add3A_354] : memref<55296xi32, #tpu.memory_space<vmem>> -> memref<36xi32, #tpu.memory_space<vmem>>
        %dma_start3A_359 = arith.constant 0 : i32
        %dma_start3A_360 = arith.constant 0 : i32
        %dma_start3A_361 = tpu.memref_slice %arg4[%dma_start3A_359, %dma_start3A_360] : memref<1000000x32xf32, #tpu.memory_space<hbm>> -> memref<1000000x32xf32, #tpu.memory_space<hbm>>
        tpu.enqueue_indirect_dma source(%dma_start3A_361 : memref<1000000x32xf32, #tpu.memory_space<hbm>>) target(%dma_start3A_357 : memref<36x32xf32, #tpu.memory_space<vmem>>) offsets(%dma_start3A_358 : memref<36xi32, #tpu.memory_space<vmem>>) semaphore(%arg17 : memref<!tpu.dma_semaphore, #tpu.memory_space<semaphore_mem>>)
      } else {
      }
      %add3A_231 = arith.addi %mul3A_2, %add3A_194 : i32
      %mul3A_232 = arith.constant 432 : i32
      %mul3A_233 = arith.muli %add3A_231, %mul3A_232 : i32
      %dma_start3A_234 = tpu.memref_slice %arg5[%mul3A_233] : memref<1769472xf32, #tpu.memory_space<hbm>> -> memref<432xf32, #tpu.memory_space<hbm>>
      %dma_start3A_235 = tpu.memref_slice %arg5[%mul3A_233] : memref<1769472xf32, #tpu.memory_space<hbm>> -> memref<432xf32, #tpu.memory_space<hbm>>
      tpu.enqueue_dma source(%arg13 : memref<432xf32, #tpu.memory_space<vmem>>) target(%dma_start3A_235 : memref<432xf32, #tpu.memory_space<hbm>>) target_semaphore(%arg21 : memref<!tpu.dma_semaphore, #tpu.memory_space<semaphore_mem>>)
      %add3A_236 = arith.constant 2 : i32
      %add3A_237 = arith.addi %mul3A_154, %add3A_236 : i32
      %dma_wait3A_238 = arith.constant 0 : i32
      %dma_wait3A_239 = arith.constant 0 : i32
      %dma_wait3A_240 = tpu.memref_slice %arg10[%dma_wait3A_238, %dma_wait3A_239] : memref<432x32xf32, #tpu.memory_space<vmem>> -> memref<420x32xf32, #tpu.memory_space<vmem>>
      %dma_wait3A_241 = arith.constant 0 : i32
      %dma_wait3A_242 = arith.constant 0 : i32
      %dma_wait3A_243 = tpu.memref_slice %arg4[%dma_wait3A_241, %dma_wait3A_242] : memref<1000000x32xf32, #tpu.memory_space<hbm>> -> memref<420x32xf32, #tpu.memory_space<hbm>>
      %dma_wait3A_244 = arith.constant 0 : i32
      %dma_wait3A_245 = arith.constant 0 : i32
      %dma_wait3A_246 = tpu.memref_slice %arg10[%dma_wait3A_244, %dma_wait3A_245] : memref<432x32xf32, #tpu.memory_space<vmem>> -> memref<420x32xf32, #tpu.memory_space<vmem>>
      %dma_wait3A_247 = arith.constant 0 : i32
      %dma_wait3A_248 = arith.constant 0 : i32
      %dma_wait3A_249 = tpu.memref_slice %arg4[%dma_wait3A_247, %dma_wait3A_248] : memref<1000000x32xf32, #tpu.memory_space<hbm>> -> memref<420x32xf32, #tpu.memory_space<hbm>>
      tpu.wait_dma2 semaphore(%arg18 : memref<!tpu.dma_semaphore, #tpu.memory_space<semaphore_mem>>) src(%dma_wait3A_249 : memref<420x32xf32, #tpu.memory_space<hbm>>) dst(%dma_wait3A_246 : memref<420x32xf32, #tpu.memory_space<vmem>>)
      %ge3A_250 = arith.constant 1 : i32
      %ge3A_251 = arith.cmpi sge, %scan3A_152, %ge3A_250 : i32
      %convert_element_type3A_252 = arith.extui %ge3A_251 : i1 to i32
      %cond3A_253 = arith.constant 0 : i32
      %cond3A_254 = arith.cmpi ne, %convert_element_type3A_252, %cond3A_253 : i32
      scf.if %cond3A_254 {
        %dma_wait3A_322 = arith.constant 0 : i32
        %dma_wait3A_323 = tpu.memref_slice %arg5[%dma_wait3A_322] : memref<1769472xf32, #tpu.memory_space<hbm>> -> memref<432xf32, #tpu.memory_space<hbm>>
        %dma_wait3A_324 = arith.constant 0 : i32
        %dma_wait3A_325 = tpu.memref_slice %arg5[%dma_wait3A_324] : memref<1769472xf32, #tpu.memory_space<hbm>> -> memref<432xf32, #tpu.memory_space<hbm>>
        tpu.wait_dma2 semaphore(%arg22 : memref<!tpu.dma_semaphore, #tpu.memory_space<semaphore_mem>>) src(%arg14 : memref<432xf32, #tpu.memory_space<vmem>>) dst(%dma_wait3A_325 : memref<432xf32, #tpu.memory_space<hbm>>)
      } else {
      }
      %get3A_255 = arith.index_cast %add3A_237 : i32 to index
      %get3A_256 = arith.constant 0 : index
      %get3A_257 = tpu.vector_load %arg6[%get3A_255, %get3A_256] {strides = array<i32>} : memref<128x32xf32, #tpu.memory_space<vmem>>, vector<16xf32>,
      %get3A_258 = arith.index_cast %add3A_237 : i32 to index
      %get3A_259 = arith.constant 16 : index
      %get3A_260 = tpu.vector_load %arg6[%get3A_258, %get3A_259] {strides = array<i32>} : memref<128x32xf32, #tpu.memory_space<vmem>>, vector<16xf32>,
      %scan3A_261 = arith.constant 0 : i32
      %scan3A_262 = arith.constant 0 : i32
      %scan3A_263 = arith.constant 27 : i32
      %scan3A_264 = arith.addi %scan3A_262, %scan3A_263 : i32
      %scan3A_265 = arith.constant 1 : i32
      scf.for %scan3A_322 = %scan3A_262 to %scan3A_264 step %scan3A_265  : i32 {
        %broadcast_in_dim3A = arith.constant 0.000000e+00 : f32
        %broadcast_in_dim3A_323 = vector.broadcast %broadcast_in_dim3A : f32 to vector<16xf32>
        %mul3A_324 = arith.constant 16 : i32
        %mul3A_325 = arith.muli %scan3A_322, %mul3A_324 : i32
        %add3A_326 = arith.constant 0 : i32
        %add3A_327 = arith.addi %mul3A_325, %add3A_326 : i32
        %get3A_328 = arith.index_cast %add3A_327 : i32 to index
        %get3A_329 = arith.constant 0 : index
        %get3A_330 = tpu.vector_load %arg10[%get3A_328, %get3A_329] {strides = array<i32>} : memref<432x32xf32, #tpu.memory_space<vmem>>, vector<16xf32>,
        %mul3A_331 = arith.constant 16 : i32
        %mul3A_332 = arith.muli %scan3A_322, %mul3A_331 : i32
        %add3A_333 = arith.constant 0 : i32
        %add3A_334 = arith.addi %mul3A_332, %add3A_333 : i32
        %get3A_335 = arith.index_cast %add3A_334 : i32 to index
        %get3A_336 = arith.constant 16 : index
        %get3A_337 = tpu.vector_load %arg10[%get3A_335, %get3A_336] {strides = array<i32>} : memref<432x32xf32, #tpu.memory_space<vmem>>, vector<16xf32>,
        %mul3A_338 = arith.mulf %get3A_330, %get3A_257 : vector<16xf32>
        %mul3A_339 = arith.mulf %get3A_337, %get3A_260 : vector<16xf32>
        %add3A_340 = arith.addf %mul3A_338, %mul3A_339 : vector<16xf32>
        %reduce_sum3A = arith.constant true
        %reduce_sum3A_341 = vector.broadcast %reduce_sum3A : i1 to vector<16xi1>
        %reduce_sum3A_342 = tpu.scan <sum>, %add3A_340 masked %reduce_sum3A_341 : vector<16xf32>, vector<16xi1> -> vector<16xf32>
        %reduce_sum3A_343 = vector.extract %reduce_sum3A_342[15] : f32 from vector<16xf32>
        %eq3A = arith.constant 0 : i32
        %eq3A_344 = vector.broadcast %eq3A : i32 to vector<16xi32>
        %eq3A_345 = arith.cmpi eq, %iota3A, %eq3A_344 : vector<16xi32>
        %broadcast_in_dim3A_346 = vector.broadcast %reduce_sum3A_343 : f32 to vector<16xf32>
        %select_n3A = arith.select %eq3A_345, %broadcast_in_dim3A_346, %broadcast_in_dim3A_323 : vector<16xi1>, vector<16xf32>
        %mul3A_347 = arith.constant 16 : i32
        %mul3A_348 = arith.muli %scan3A_322, %mul3A_347 : i32
        %add3A_349 = arith.constant 1 : i32
        %add3A_350 = arith.addi %mul3A_348, %add3A_349 : i32
        %get3A_351 = arith.index_cast %add3A_350 : i32 to index
        %get3A_352 = arith.constant 0 : index
        %get3A_353 = tpu.vector_load %arg10[%get3A_351, %get3A_352] {strides = array<i32>} : memref<432x32xf32, #tpu.memory_space<vmem>>, vector<16xf32>,
        %mul3A_354 = arith.constant 16 : i32
        %mul3A_355 = arith.muli %scan3A_322, %mul3A_354 : i32
        %add3A_356 = arith.constant 1 : i32
        %add3A_357 = arith.addi %mul3A_355, %add3A_356 : i32
        %get3A_358 = arith.index_cast %add3A_357 : i32 to index
        %get3A_359 = arith.constant 16 : index
        %get3A_360 = tpu.vector_load %arg10[%get3A_358, %get3A_359] {strides = array<i32>} : memref<432x32xf32, #tpu.memory_space<vmem>>, vector<16xf32>,
        %mul3A_361 = arith.mulf %get3A_353, %get3A_257 : vector<16xf32>
        %mul3A_362 = arith.mulf %get3A_360, %get3A_260 : vector<16xf32>
        %add3A_363 = arith.addf %mul3A_361, %mul3A_362 : vector<16xf32>
        %reduce_sum3A_364 = arith.constant true
        %reduce_sum3A_365 = vector.broadcast %reduce_sum3A_364 : i1 to vector<16xi1>
        %reduce_sum3A_366 = tpu.scan <sum>, %add3A_363 masked %reduce_sum3A_365 : vector<16xf32>, vector<16xi1> -> vector<16xf32>
        %reduce_sum3A_367 = vector.extract %reduce_sum3A_366[15] : f32 from vector<16xf32>
        %eq3A_368 = arith.constant 1 : i32
        %eq3A_369 = vector.broadcast %eq3A_368 : i32 to vector<16xi32>
        %eq3A_370 = arith.cmpi eq, %iota3A, %eq3A_369 : vector<16xi32>
        %broadcast_in_dim3A_371 = vector.broadcast %reduce_sum3A_367 : f32 to vector<16xf32>
        %select_n3A_372 = arith.select %eq3A_370, %broadcast_in_dim3A_371, %select_n3A : vector<16xi1>, vector<16xf32>
        %mul3A_373 = arith.constant 16 : i32
        %mul3A_374 = arith.muli %scan3A_322, %mul3A_373 : i32
        %add3A_375 = arith.constant 2 : i32
        %add3A_376 = arith.addi %mul3A_374, %add3A_375 : i32
        %get3A_377 = arith.index_cast %add3A_376 : i32 to index
        %get3A_378 = arith.constant 0 : index
        %get3A_379 = tpu.vector_load %arg10[%get3A_377, %get3A_378] {strides = array<i32>} : memref<432x32xf32, #tpu.memory_space<vmem>>, vector<16xf32>,
        %mul3A_380 = arith.constant 16 : i32
        %mul3A_381 = arith.muli %scan3A_322, %mul3A_380 : i32
        %add3A_382 = arith.constant 2 : i32
        %add3A_383 = arith.addi %mul3A_381, %add3A_382 : i32
        %get3A_384 = arith.index_cast %add3A_383 : i32 to index
        %get3A_385 = arith.constant 16 : index
        %get3A_386 = tpu.vector_load %arg10[%get3A_384, %get3A_385] {strides = array<i32>} : memref<432x32xf32, #tpu.memory_space<vmem>>, vector<16xf32>,
        %mul3A_387 = arith.mulf %get3A_379, %get3A_257 : vector<16xf32>
        %mul3A_388 = arith.mulf %get3A_386, %get3A_260 : vector<16xf32>
        %add3A_389 = arith.addf %mul3A_387, %mul3A_388 : vector<16xf32>
        %reduce_sum3A_390 = arith.constant true
        %reduce_sum3A_391 = vector.broadcast %reduce_sum3A_390 : i1 to vector<16xi1>
        %reduce_sum3A_392 = tpu.scan <sum>, %add3A_389 masked %reduce_sum3A_391 : vector<16xf32>, vector<16xi1> -> vector<16xf32>
        %reduce_sum3A_393 = vector.extract %reduce_sum3A_392[15] : f32 from vector<16xf32>
        %eq3A_394 = arith.constant 2 : i32
        %eq3A_395 = vector.broadcast %eq3A_394 : i32 to vector<16xi32>
        %eq3A_396 = arith.cmpi eq, %iota3A, %eq3A_395 : vector<16xi32>
        %broadcast_in_dim3A_397 = vector.broadcast %reduce_sum3A_393 : f32 to vector<16xf32>
        %select_n3A_398 = arith.select %eq3A_396, %broadcast_in_dim3A_397, %select_n3A_372 : vector<16xi1>, vector<16xf32>
        %mul3A_399 = arith.constant 16 : i32
        %mul3A_400 = arith.muli %scan3A_322, %mul3A_399 : i32
        %add3A_401 = arith.constant 3 : i32
        %add3A_402 = arith.addi %mul3A_400, %add3A_401 : i32
        %get3A_403 = arith.index_cast %add3A_402 : i32 to index
        %get3A_404 = arith.constant 0 : index
        %get3A_405 = tpu.vector_load %arg10[%get3A_403, %get3A_404] {strides = array<i32>} : memref<432x32xf32, #tpu.memory_space<vmem>>, vector<16xf32>,
        %mul3A_406 = arith.constant 16 : i32
        %mul3A_407 = arith.muli %scan3A_322, %mul3A_406 : i32
        %add3A_408 = arith.constant 3 : i32
        %add3A_409 = arith.addi %mul3A_407, %add3A_408 : i32
        %get3A_410 = arith.index_cast %add3A_409 : i32 to index
        %get3A_411 = arith.constant 16 : index
        %get3A_412 = tpu.vector_load %arg10[%get3A_410, %get3A_411] {strides = array<i32>} : memref<432x32xf32, #tpu.memory_space<vmem>>, vector<16xf32>,
        %mul3A_413 = arith.mulf %get3A_405, %get3A_257 : vector<16xf32>
        %mul3A_414 = arith.mulf %get3A_412, %get3A_260 : vector<16xf32>
        %add3A_415 = arith.addf %mul3A_413, %mul3A_414 : vector<16xf32>
        %reduce_sum3A_416 = arith.constant true
        %reduce_sum3A_417 = vector.broadcast %reduce_sum3A_416 : i1 to vector<16xi1>
        %reduce_sum3A_418 = tpu.scan <sum>, %add3A_415 masked %reduce_sum3A_417 : vector<16xf32>, vector<16xi1> -> vector<16xf32>
        %reduce_sum3A_419 = vector.extract %reduce_sum3A_418[15] : f32 from vector<16xf32>
        %eq3A_420 = arith.constant 3 : i32
        %eq3A_421 = vector.broadcast %eq3A_420 : i32 to vector<16xi32>
        %eq3A_422 = arith.cmpi eq, %iota3A, %eq3A_421 : vector<16xi32>
        %broadcast_in_dim3A_423 = vector.broadcast %reduce_sum3A_419 : f32 to vector<16xf32>
        %select_n3A_424 = arith.select %eq3A_422, %broadcast_in_dim3A_423, %select_n3A_398 : vector<16xi1>, vector<16xf32>
        %mul3A_425 = arith.constant 16 : i32
        %mul3A_426 = arith.muli %scan3A_322, %mul3A_425 : i32
        %add3A_427 = arith.constant 4 : i32
        %add3A_428 = arith.addi %mul3A_426, %add3A_427 : i32
        %get3A_429 = arith.index_cast %add3A_428 : i32 to index
        %get3A_430 = arith.constant 0 : index
        %get3A_431 = tpu.vector_load %arg10[%get3A_429, %get3A_430] {strides = array<i32>} : memref<432x32xf32, #tpu.memory_space<vmem>>, vector<16xf32>,
        %mul3A_432 = arith.constant 16 : i32
        %mul3A_433 = arith.muli %scan3A_322, %mul3A_432 : i32
        %add3A_434 = arith.constant 4 : i32
        %add3A_435 = arith.addi %mul3A_433, %add3A_434 : i32
        %get3A_436 = arith.index_cast %add3A_435 : i32 to index
        %get3A_437 = arith.constant 16 : index
        %get3A_438 = tpu.vector_load %arg10[%get3A_436, %get3A_437] {strides = array<i32>} : memref<432x32xf32, #tpu.memory_space<vmem>>, vector<16xf32>,
        %mul3A_439 = arith.mulf %get3A_431, %get3A_257 : vector<16xf32>
        %mul3A_440 = arith.mulf %get3A_438, %get3A_260 : vector<16xf32>
        %add3A_441 = arith.addf %mul3A_439, %mul3A_440 : vector<16xf32>
        %reduce_sum3A_442 = arith.constant true
        %reduce_sum3A_443 = vector.broadcast %reduce_sum3A_442 : i1 to vector<16xi1>
        %reduce_sum3A_444 = tpu.scan <sum>, %add3A_441 masked %reduce_sum3A_443 : vector<16xf32>, vector<16xi1> -> vector<16xf32>
        %reduce_sum3A_445 = vector.extract %reduce_sum3A_444[15] : f32 from vector<16xf32>
        %eq3A_446 = arith.constant 4 : i32
        %eq3A_447 = vector.broadcast %eq3A_446 : i32 to vector<16xi32>
        %eq3A_448 = arith.cmpi eq, %iota3A, %eq3A_447 : vector<16xi32>
        %broadcast_in_dim3A_449 = vector.broadcast %reduce_sum3A_445 : f32 to vector<16xf32>
        %select_n3A_450 = arith.select %eq3A_448, %broadcast_in_dim3A_449, %select_n3A_424 : vector<16xi1>, vector<16xf32>
        %mul3A_451 = arith.constant 16 : i32
        %mul3A_452 = arith.muli %scan3A_322, %mul3A_451 : i32
        %add3A_453 = arith.constant 5 : i32
        %add3A_454 = arith.addi %mul3A_452, %add3A_453 : i32
        %get3A_455 = arith.index_cast %add3A_454 : i32 to index
        %get3A_456 = arith.constant 0 : index
        %get3A_457 = tpu.vector_load %arg10[%get3A_455, %get3A_456] {strides = array<i32>} : memref<432x32xf32, #tpu.memory_space<vmem>>, vector<16xf32>,
        %mul3A_458 = arith.constant 16 : i32
        %mul3A_459 = arith.muli %scan3A_322, %mul3A_458 : i32
        %add3A_460 = arith.constant 5 : i32
        %add3A_461 = arith.addi %mul3A_459, %add3A_460 : i32
        %get3A_462 = arith.index_cast %add3A_461 : i32 to index
        %get3A_463 = arith.constant 16 : index
        %get3A_464 = tpu.vector_load %arg10[%get3A_462, %get3A_463] {strides = array<i32>} : memref<432x32xf32, #tpu.memory_space<vmem>>, vector<16xf32>,
        %mul3A_465 = arith.mulf %get3A_457, %get3A_257 : vector<16xf32>
        %mul3A_466 = arith.mulf %get3A_464, %get3A_260 : vector<16xf32>
        %add3A_467 = arith.addf %mul3A_465, %mul3A_466 : vector<16xf32>
        %reduce_sum3A_468 = arith.constant true
        %reduce_sum3A_469 = vector.broadcast %reduce_sum3A_468 : i1 to vector<16xi1>
        %reduce_sum3A_470 = tpu.scan <sum>, %add3A_467 masked %reduce_sum3A_469 : vector<16xf32>, vector<16xi1> -> vector<16xf32>
        %reduce_sum3A_471 = vector.extract %reduce_sum3A_470[15] : f32 from vector<16xf32>
        %eq3A_472 = arith.constant 5 : i32
        %eq3A_473 = vector.broadcast %eq3A_472 : i32 to vector<16xi32>
        %eq3A_474 = arith.cmpi eq, %iota3A, %eq3A_473 : vector<16xi32>
        %broadcast_in_dim3A_475 = vector.broadcast %reduce_sum3A_471 : f32 to vector<16xf32>
        %select_n3A_476 = arith.select %eq3A_474, %broadcast_in_dim3A_475, %select_n3A_450 : vector<16xi1>, vector<16xf32>
        %mul3A_477 = arith.constant 16 : i32
        %mul3A_478 = arith.muli %scan3A_322, %mul3A_477 : i32
        %add3A_479 = arith.constant 6 : i32
        %add3A_480 = arith.addi %mul3A_478, %add3A_479 : i32
        %get3A_481 = arith.index_cast %add3A_480 : i32 to index
        %get3A_482 = arith.constant 0 : index
        %get3A_483 = tpu.vector_load %arg10[%get3A_481, %get3A_482] {strides = array<i32>} : memref<432x32xf32, #tpu.memory_space<vmem>>, vector<16xf32>,
        %mul3A_484 = arith.constant 16 : i32
        %mul3A_485 = arith.muli %scan3A_322, %mul3A_484 : i32
        %add3A_486 = arith.constant 6 : i32
        %add3A_487 = arith.addi %mul3A_485, %add3A_486 : i32
        %get3A_488 = arith.index_cast %add3A_487 : i32 to index
        %get3A_489 = arith.constant 16 : index
        %get3A_490 = tpu.vector_load %arg10[%get3A_488, %get3A_489] {strides = array<i32>} : memref<432x32xf32, #tpu.memory_space<vmem>>, vector<16xf32>,
        %mul3A_491 = arith.mulf %get3A_483, %get3A_257 : vector<16xf32>
        %mul3A_492 = arith.mulf %get3A_490, %get3A_260 : vector<16xf32>
        %add3A_493 = arith.addf %mul3A_491, %mul3A_492 : vector<16xf32>
        %reduce_sum3A_494 = arith.constant true
        %reduce_sum3A_495 = vector.broadcast %reduce_sum3A_494 : i1 to vector<16xi1>
        %reduce_sum3A_496 = tpu.scan <sum>, %add3A_493 masked %reduce_sum3A_495 : vector<16xf32>, vector<16xi1> -> vector<16xf32>
        %reduce_sum3A_497 = vector.extract %reduce_sum3A_496[15] : f32 from vector<16xf32>
        %eq3A_498 = arith.constant 6 : i32
        %eq3A_499 = vector.broadcast %eq3A_498 : i32 to vector<16xi32>
        %eq3A_500 = arith.cmpi eq, %iota3A, %eq3A_499 : vector<16xi32>
        %broadcast_in_dim3A_501 = vector.broadcast %reduce_sum3A_497 : f32 to vector<16xf32>
        %select_n3A_502 = arith.select %eq3A_500, %broadcast_in_dim3A_501, %select_n3A_476 : vector<16xi1>, vector<16xf32>
        %mul3A_503 = arith.constant 16 : i32
        %mul3A_504 = arith.muli %scan3A_322, %mul3A_503 : i32
        %add3A_505 = arith.constant 7 : i32
        %add3A_506 = arith.addi %mul3A_504, %add3A_505 : i32
        %get3A_507 = arith.index_cast %add3A_506 : i32 to index
        %get3A_508 = arith.constant 0 : index
        %get3A_509 = tpu.vector_load %arg10[%get3A_507, %get3A_508] {strides = array<i32>} : memref<432x32xf32, #tpu.memory_space<vmem>>, vector<16xf32>,
        %mul3A_510 = arith.constant 16 : i32
        %mul3A_511 = arith.muli %scan3A_322, %mul3A_510 : i32
        %add3A_512 = arith.constant 7 : i32
        %add3A_513 = arith.addi %mul3A_511, %add3A_512 : i32
        %get3A_514 = arith.index_cast %add3A_513 : i32 to index
        %get3A_515 = arith.constant 16 : index
        %get3A_516 = tpu.vector_load %arg10[%get3A_514, %get3A_515] {strides = array<i32>} : memref<432x32xf32, #tpu.memory_space<vmem>>, vector<16xf32>,
        %mul3A_517 = arith.mulf %get3A_509, %get3A_257 : vector<16xf32>
        %mul3A_518 = arith.mulf %get3A_516, %get3A_260 : vector<16xf32>
        %add3A_519 = arith.addf %mul3A_517, %mul3A_518 : vector<16xf32>
        %reduce_sum3A_520 = arith.constant true
        %reduce_sum3A_521 = vector.broadcast %reduce_sum3A_520 : i1 to vector<16xi1>
        %reduce_sum3A_522 = tpu.scan <sum>, %add3A_519 masked %reduce_sum3A_521 : vector<16xf32>, vector<16xi1> -> vector<16xf32>
        %reduce_sum3A_523 = vector.extract %reduce_sum3A_522[15] : f32 from vector<16xf32>
        %eq3A_524 = arith.constant 7 : i32
        %eq3A_525 = vector.broadcast %eq3A_524 : i32 to vector<16xi32>
        %eq3A_526 = arith.cmpi eq, %iota3A, %eq3A_525 : vector<16xi32>
        %broadcast_in_dim3A_527 = vector.broadcast %reduce_sum3A_523 : f32 to vector<16xf32>
        %select_n3A_528 = arith.select %eq3A_526, %broadcast_in_dim3A_527, %select_n3A_502 : vector<16xi1>, vector<16xf32>
        %mul3A_529 = arith.constant 16 : i32
        %mul3A_530 = arith.muli %scan3A_322, %mul3A_529 : i32
        %add3A_531 = arith.constant 8 : i32
        %add3A_532 = arith.addi %mul3A_530, %add3A_531 : i32
        %get3A_533 = arith.index_cast %add3A_532 : i32 to index
        %get3A_534 = arith.constant 0 : index
        %get3A_535 = tpu.vector_load %arg10[%get3A_533, %get3A_534] {strides = array<i32>} : memref<432x32xf32, #tpu.memory_space<vmem>>, vector<16xf32>,
        %mul3A_536 = arith.constant 16 : i32
        %mul3A_537 = arith.muli %scan3A_322, %mul3A_536 : i32
        %add3A_538 = arith.constant 8 : i32
        %add3A_539 = arith.addi %mul3A_537, %add3A_538 : i32
        %get3A_540 = arith.index_cast %add3A_539 : i32 to index
        %get3A_541 = arith.constant 16 : index
        %get3A_542 = tpu.vector_load %arg10[%get3A_540, %get3A_541] {strides = array<i32>} : memref<432x32xf32, #tpu.memory_space<vmem>>, vector<16xf32>,
        %mul3A_543 = arith.mulf %get3A_535, %get3A_257 : vector<16xf32>
        %mul3A_544 = arith.mulf %get3A_542, %get3A_260 : vector<16xf32>
        %add3A_545 = arith.addf %mul3A_543, %mul3A_544 : vector<16xf32>
        %reduce_sum3A_546 = arith.constant true
        %reduce_sum3A_547 = vector.broadcast %reduce_sum3A_546 : i1 to vector<16xi1>
        %reduce_sum3A_548 = tpu.scan <sum>, %add3A_545 masked %reduce_sum3A_547 : vector<16xf32>, vector<16xi1> -> vector<16xf32>
        %reduce_sum3A_549 = vector.extract %reduce_sum3A_548[15] : f32 from vector<16xf32>
        %eq3A_550 = arith.constant 8 : i32
        %eq3A_551 = vector.broadcast %eq3A_550 : i32 to vector<16xi32>
        %eq3A_552 = arith.cmpi eq, %iota3A, %eq3A_551 : vector<16xi32>
        %broadcast_in_dim3A_553 = vector.broadcast %reduce_sum3A_549 : f32 to vector<16xf32>
        %select_n3A_554 = arith.select %eq3A_552, %broadcast_in_dim3A_553, %select_n3A_528 : vector<16xi1>, vector<16xf32>
        %mul3A_555 = arith.constant 16 : i32
        %mul3A_556 = arith.muli %scan3A_322, %mul3A_555 : i32
        %add3A_557 = arith.constant 9 : i32
        %add3A_558 = arith.addi %mul3A_556, %add3A_557 : i32
        %get3A_559 = arith.index_cast %add3A_558 : i32 to index
        %get3A_560 = arith.constant 0 : index
        %get3A_561 = tpu.vector_load %arg10[%get3A_559, %get3A_560] {strides = array<i32>} : memref<432x32xf32, #tpu.memory_space<vmem>>, vector<16xf32>,
        %mul3A_562 = arith.constant 16 : i32
        %mul3A_563 = arith.muli %scan3A_322, %mul3A_562 : i32
        %add3A_564 = arith.constant 9 : i32
        %add3A_565 = arith.addi %mul3A_563, %add3A_564 : i32
        %get3A_566 = arith.index_cast %add3A_565 : i32 to index
        %get3A_567 = arith.constant 16 : index
        %get3A_568 = tpu.vector_load %arg10[%get3A_566, %get3A_567] {strides = array<i32>} : memref<432x32xf32, #tpu.memory_space<vmem>>, vector<16xf32>,
        %mul3A_569 = arith.mulf %get3A_561, %get3A_257 : vector<16xf32>
        %mul3A_570 = arith.mulf %get3A_568, %get3A_260 : vector<16xf32>
        %add3A_571 = arith.addf %mul3A_569, %mul3A_570 : vector<16xf32>
        %reduce_sum3A_572 = arith.constant true
        %reduce_sum3A_573 = vector.broadcast %reduce_sum3A_572 : i1 to vector<16xi1>
        %reduce_sum3A_574 = tpu.scan <sum>, %add3A_571 masked %reduce_sum3A_573 : vector<16xf32>, vector<16xi1> -> vector<16xf32>
        %reduce_sum3A_575 = vector.extract %reduce_sum3A_574[15] : f32 from vector<16xf32>
        %eq3A_576 = arith.constant 9 : i32
        %eq3A_577 = vector.broadcast %eq3A_576 : i32 to vector<16xi32>
        %eq3A_578 = arith.cmpi eq, %iota3A, %eq3A_577 : vector<16xi32>
        %broadcast_in_dim3A_579 = vector.broadcast %reduce_sum3A_575 : f32 to vector<16xf32>
        %select_n3A_580 = arith.select %eq3A_578, %broadcast_in_dim3A_579, %select_n3A_554 : vector<16xi1>, vector<16xf32>
        %mul3A_581 = arith.constant 16 : i32
        %mul3A_582 = arith.muli %scan3A_322, %mul3A_581 : i32
        %add3A_583 = arith.constant 10 : i32
        %add3A_584 = arith.addi %mul3A_582, %add3A_583 : i32
        %get3A_585 = arith.index_cast %add3A_584 : i32 to index
        %get3A_586 = arith.constant 0 : index
        %get3A_587 = tpu.vector_load %arg10[%get3A_585, %get3A_586] {strides = array<i32>} : memref<432x32xf32, #tpu.memory_space<vmem>>, vector<16xf32>,
        %mul3A_588 = arith.constant 16 : i32
        %mul3A_589 = arith.muli %scan3A_322, %mul3A_588 : i32
        %add3A_590 = arith.constant 10 : i32
        %add3A_591 = arith.addi %mul3A_589, %add3A_590 : i32
        %get3A_592 = arith.index_cast %add3A_591 : i32 to index
        %get3A_593 = arith.constant 16 : index
        %get3A_594 = tpu.vector_load %arg10[%get3A_592, %get3A_593] {strides = array<i32>} : memref<432x32xf32, #tpu.memory_space<vmem>>, vector<16xf32>,
        %mul3A_595 = arith.mulf %get3A_587, %get3A_257 : vector<16xf32>
        %mul3A_596 = arith.mulf %get3A_594, %get3A_260 : vector<16xf32>
        %add3A_597 = arith.addf %mul3A_595, %mul3A_596 : vector<16xf32>
        %reduce_sum3A_598 = arith.constant true
        %reduce_sum3A_599 = vector.broadcast %reduce_sum3A_598 : i1 to vector<16xi1>
        %reduce_sum3A_600 = tpu.scan <sum>, %add3A_597 masked %reduce_sum3A_599 : vector<16xf32>, vector<16xi1> -> vector<16xf32>
        %reduce_sum3A_601 = vector.extract %reduce_sum3A_600[15] : f32 from vector<16xf32>
        %eq3A_602 = arith.constant 10 : i32
        %eq3A_603 = vector.broadcast %eq3A_602 : i32 to vector<16xi32>
        %eq3A_604 = arith.cmpi eq, %iota3A, %eq3A_603 : vector<16xi32>
        %broadcast_in_dim3A_605 = vector.broadcast %reduce_sum3A_601 : f32 to vector<16xf32>
        %select_n3A_606 = arith.select %eq3A_604, %broadcast_in_dim3A_605, %select_n3A_580 : vector<16xi1>, vector<16xf32>
        %mul3A_607 = arith.constant 16 : i32
        %mul3A_608 = arith.muli %scan3A_322, %mul3A_607 : i32
        %add3A_609 = arith.constant 11 : i32
        %add3A_610 = arith.addi %mul3A_608, %add3A_609 : i32
        %get3A_611 = arith.index_cast %add3A_610 : i32 to index
        %get3A_612 = arith.constant 0 : index
        %get3A_613 = tpu.vector_load %arg10[%get3A_611, %get3A_612] {strides = array<i32>} : memref<432x32xf32, #tpu.memory_space<vmem>>, vector<16xf32>,
        %mul3A_614 = arith.constant 16 : i32
        %mul3A_615 = arith.muli %scan3A_322, %mul3A_614 : i32
        %add3A_616 = arith.constant 11 : i32
        %add3A_617 = arith.addi %mul3A_615, %add3A_616 : i32
        %get3A_618 = arith.index_cast %add3A_617 : i32 to index
        %get3A_619 = arith.constant 16 : index
        %get3A_620 = tpu.vector_load %arg10[%get3A_618, %get3A_619] {strides = array<i32>} : memref<432x32xf32, #tpu.memory_space<vmem>>, vector<16xf32>,
        %mul3A_621 = arith.mulf %get3A_613, %get3A_257 : vector<16xf32>
        %mul3A_622 = arith.mulf %get3A_620, %get3A_260 : vector<16xf32>
        %add3A_623 = arith.addf %mul3A_621, %mul3A_622 : vector<16xf32>
        %reduce_sum3A_624 = arith.constant true
        %reduce_sum3A_625 = vector.broadcast %reduce_sum3A_624 : i1 to vector<16xi1>
        %reduce_sum3A_626 = tpu.scan <sum>, %add3A_623 masked %reduce_sum3A_625 : vector<16xf32>, vector<16xi1> -> vector<16xf32>
        %reduce_sum3A_627 = vector.extract %reduce_sum3A_626[15] : f32 from vector<16xf32>
        %eq3A_628 = arith.constant 11 : i32
        %eq3A_629 = vector.broadcast %eq3A_628 : i32 to vector<16xi32>
        %eq3A_630 = arith.cmpi eq, %iota3A, %eq3A_629 : vector<16xi32>
        %broadcast_in_dim3A_631 = vector.broadcast %reduce_sum3A_627 : f32 to vector<16xf32>
        %select_n3A_632 = arith.select %eq3A_630, %broadcast_in_dim3A_631, %select_n3A_606 : vector<16xi1>, vector<16xf32>
        %mul3A_633 = arith.constant 16 : i32
        %mul3A_634 = arith.muli %scan3A_322, %mul3A_633 : i32
        %add3A_635 = arith.constant 12 : i32
        %add3A_636 = arith.addi %mul3A_634, %add3A_635 : i32
        %get3A_637 = arith.index_cast %add3A_636 : i32 to index
        %get3A_638 = arith.constant 0 : index
        %get3A_639 = tpu.vector_load %arg10[%get3A_637, %get3A_638] {strides = array<i32>} : memref<432x32xf32, #tpu.memory_space<vmem>>, vector<16xf32>,
        %mul3A_640 = arith.constant 16 : i32
        %mul3A_641 = arith.muli %scan3A_322, %mul3A_640 : i32
        %add3A_642 = arith.constant 12 : i32
        %add3A_643 = arith.addi %mul3A_641, %add3A_642 : i32
        %get3A_644 = arith.index_cast %add3A_643 : i32 to index
        %get3A_645 = arith.constant 16 : index
        %get3A_646 = tpu.vector_load %arg10[%get3A_644, %get3A_645] {strides = array<i32>} : memref<432x32xf32, #tpu.memory_space<vmem>>, vector<16xf32>,
        %mul3A_647 = arith.mulf %get3A_639, %get3A_257 : vector<16xf32>
        %mul3A_648 = arith.mulf %get3A_646, %get3A_260 : vector<16xf32>
        %add3A_649 = arith.addf %mul3A_647, %mul3A_648 : vector<16xf32>
        %reduce_sum3A_650 = arith.constant true
        %reduce_sum3A_651 = vector.broadcast %reduce_sum3A_650 : i1 to vector<16xi1>
        %reduce_sum3A_652 = tpu.scan <sum>, %add3A_649 masked %reduce_sum3A_651 : vector<16xf32>, vector<16xi1> -> vector<16xf32>
        %reduce_sum3A_653 = vector.extract %reduce_sum3A_652[15] : f32 from vector<16xf32>
        %eq3A_654 = arith.constant 12 : i32
        %eq3A_655 = vector.broadcast %eq3A_654 : i32 to vector<16xi32>
        %eq3A_656 = arith.cmpi eq, %iota3A, %eq3A_655 : vector<16xi32>
        %broadcast_in_dim3A_657 = vector.broadcast %reduce_sum3A_653 : f32 to vector<16xf32>
        %select_n3A_658 = arith.select %eq3A_656, %broadcast_in_dim3A_657, %select_n3A_632 : vector<16xi1>, vector<16xf32>
        %mul3A_659 = arith.constant 16 : i32
        %mul3A_660 = arith.muli %scan3A_322, %mul3A_659 : i32
        %add3A_661 = arith.constant 13 : i32
        %add3A_662 = arith.addi %mul3A_660, %add3A_661 : i32
        %get3A_663 = arith.index_cast %add3A_662 : i32 to index
        %get3A_664 = arith.constant 0 : index
        %get3A_665 = tpu.vector_load %arg10[%get3A_663, %get3A_664] {strides = array<i32>} : memref<432x32xf32, #tpu.memory_space<vmem>>, vector<16xf32>,
        %mul3A_666 = arith.constant 16 : i32
        %mul3A_667 = arith.muli %scan3A_322, %mul3A_666 : i32
        %add3A_668 = arith.constant 13 : i32
        %add3A_669 = arith.addi %mul3A_667, %add3A_668 : i32
        %get3A_670 = arith.index_cast %add3A_669 : i32 to index
        %get3A_671 = arith.constant 16 : index
        %get3A_672 = tpu.vector_load %arg10[%get3A_670, %get3A_671] {strides = array<i32>} : memref<432x32xf32, #tpu.memory_space<vmem>>, vector<16xf32>,
        %mul3A_673 = arith.mulf %get3A_665, %get3A_257 : vector<16xf32>
        %mul3A_674 = arith.mulf %get3A_672, %get3A_260 : vector<16xf32>
        %add3A_675 = arith.addf %mul3A_673, %mul3A_674 : vector<16xf32>
        %reduce_sum3A_676 = arith.constant true
        %reduce_sum3A_677 = vector.broadcast %reduce_sum3A_676 : i1 to vector<16xi1>
        %reduce_sum3A_678 = tpu.scan <sum>, %add3A_675 masked %reduce_sum3A_677 : vector<16xf32>, vector<16xi1> -> vector<16xf32>
        %reduce_sum3A_679 = vector.extract %reduce_sum3A_678[15] : f32 from vector<16xf32>
        %eq3A_680 = arith.constant 13 : i32
        %eq3A_681 = vector.broadcast %eq3A_680 : i32 to vector<16xi32>
        %eq3A_682 = arith.cmpi eq, %iota3A, %eq3A_681 : vector<16xi32>
        %broadcast_in_dim3A_683 = vector.broadcast %reduce_sum3A_679 : f32 to vector<16xf32>
        %select_n3A_684 = arith.select %eq3A_682, %broadcast_in_dim3A_683, %select_n3A_658 : vector<16xi1>, vector<16xf32>
        %mul3A_685 = arith.constant 16 : i32
        %mul3A_686 = arith.muli %scan3A_322, %mul3A_685 : i32
        %add3A_687 = arith.constant 14 : i32
        %add3A_688 = arith.addi %mul3A_686, %add3A_687 : i32
        %get3A_689 = arith.index_cast %add3A_688 : i32 to index
        %get3A_690 = arith.constant 0 : index
        %get3A_691 = tpu.vector_load %arg10[%get3A_689, %get3A_690] {strides = array<i32>} : memref<432x32xf32, #tpu.memory_space<vmem>>, vector<16xf32>,
        %mul3A_692 = arith.constant 16 : i32
        %mul3A_693 = arith.muli %scan3A_322, %mul3A_692 : i32
        %add3A_694 = arith.constant 14 : i32
        %add3A_695 = arith.addi %mul3A_693, %add3A_694 : i32
        %get3A_696 = arith.index_cast %add3A_695 : i32 to index
        %get3A_697 = arith.constant 16 : index
        %get3A_698 = tpu.vector_load %arg10[%get3A_696, %get3A_697] {strides = array<i32>} : memref<432x32xf32, #tpu.memory_space<vmem>>, vector<16xf32>,
        %mul3A_699 = arith.mulf %get3A_691, %get3A_257 : vector<16xf32>
        %mul3A_700 = arith.mulf %get3A_698, %get3A_260 : vector<16xf32>
        %add3A_701 = arith.addf %mul3A_699, %mul3A_700 : vector<16xf32>
        %reduce_sum3A_702 = arith.constant true
        %reduce_sum3A_703 = vector.broadcast %reduce_sum3A_702 : i1 to vector<16xi1>
        %reduce_sum3A_704 = tpu.scan <sum>, %add3A_701 masked %reduce_sum3A_703 : vector<16xf32>, vector<16xi1> -> vector<16xf32>
        %reduce_sum3A_705 = vector.extract %reduce_sum3A_704[15] : f32 from vector<16xf32>
        %eq3A_706 = arith.constant 14 : i32
        %eq3A_707 = vector.broadcast %eq3A_706 : i32 to vector<16xi32>
        %eq3A_708 = arith.cmpi eq, %iota3A, %eq3A_707 : vector<16xi32>
        %broadcast_in_dim3A_709 = vector.broadcast %reduce_sum3A_705 : f32 to vector<16xf32>
        %select_n3A_710 = arith.select %eq3A_708, %broadcast_in_dim3A_709, %select_n3A_684 : vector<16xi1>, vector<16xf32>
        %mul3A_711 = arith.constant 16 : i32
        %mul3A_712 = arith.muli %scan3A_322, %mul3A_711 : i32
        %add3A_713 = arith.constant 15 : i32
        %add3A_714 = arith.addi %mul3A_712, %add3A_713 : i32
        %get3A_715 = arith.index_cast %add3A_714 : i32 to index
        %get3A_716 = arith.constant 0 : index
        %get3A_717 = tpu.vector_load %arg10[%get3A_715, %get3A_716] {strides = array<i32>} : memref<432x32xf32, #tpu.memory_space<vmem>>, vector<16xf32>,
        %mul3A_718 = arith.constant 16 : i32
        %mul3A_719 = arith.muli %scan3A_322, %mul3A_718 : i32
        %add3A_720 = arith.constant 15 : i32
        %add3A_721 = arith.addi %mul3A_719, %add3A_720 : i32
        %get3A_722 = arith.index_cast %add3A_721 : i32 to index
        %get3A_723 = arith.constant 16 : index
        %get3A_724 = tpu.vector_load %arg10[%get3A_722, %get3A_723] {strides = array<i32>} : memref<432x32xf32, #tpu.memory_space<vmem>>, vector<16xf32>,
        %mul3A_725 = arith.mulf %get3A_717, %get3A_257 : vector<16xf32>
        %mul3A_726 = arith.mulf %get3A_724, %get3A_260 : vector<16xf32>
        %add3A_727 = arith.addf %mul3A_725, %mul3A_726 : vector<16xf32>
        %reduce_sum3A_728 = arith.constant true
        %reduce_sum3A_729 = vector.broadcast %reduce_sum3A_728 : i1 to vector<16xi1>
        %reduce_sum3A_730 = tpu.scan <sum>, %add3A_727 masked %reduce_sum3A_729 : vector<16xf32>, vector<16xi1> -> vector<16xf32>
        %reduce_sum3A_731 = vector.extract %reduce_sum3A_730[15] : f32 from vector<16xf32>
        %eq3A_732 = arith.constant 15 : i32
        %eq3A_733 = vector.broadcast %eq3A_732 : i32 to vector<16xi32>
        %eq3A_734 = arith.cmpi eq, %iota3A, %eq3A_733 : vector<16xi32>
        %broadcast_in_dim3A_735 = vector.broadcast %reduce_sum3A_731 : f32 to vector<16xf32>
        %select_n3A_736 = arith.select %eq3A_734, %broadcast_in_dim3A_735, %select_n3A_710 : vector<16xi1>, vector<16xf32>
        %mul3A_737 = arith.constant 16 : i32
        %mul3A_738 = arith.muli %scan3A_322, %mul3A_737 : i32
        %swap3A = arith.index_cast %mul3A_738 : i32 to index
        %swap3A_739 = tpu.vector_load %arg14[%swap3A] {strides = array<i32>} : memref<432xf32, #tpu.memory_space<vmem>>, vector<16xf32>,
        tpu.vector_store %arg14[%swap3A], %select_n3A_736 {strides = array<i32>} : memref<432xf32, #tpu.memory_space<vmem>>, vector<16xf32>,
      }
      %scan3A_266 = arith.constant 27 : i32
      %add3A_267 = arith.constant 4 : i32
      %add3A_268 = arith.addi %add3A_237, %add3A_267 : i32
      %lt3A_269 = arith.constant 128 : i32
      %lt3A_270 = arith.cmpi slt, %add3A_268, %lt3A_269 : i32
      %convert_element_type3A_271 = arith.extui %lt3A_270 : i1 to i32
      %cond3A_272 = arith.constant 0 : i32
      %cond3A_273 = arith.cmpi ne, %convert_element_type3A_271, %cond3A_272 : i32
      scf.if %cond3A_273 {
        %add3A_322 = arith.constant 4 : i32
        %add3A_323 = arith.addi %add3A_237, %add3A_322 : i32
        %mul3A_324 = arith.constant 432 : i32
        %mul3A_325 = arith.muli %add3A_323, %mul3A_324 : i32
        %add3A_326 = arith.constant 0 : i32
        %add3A_327 = arith.addi %mul3A_325, %add3A_326 : i32
        %dma_start3A_328 = arith.constant 0 : i32
        %dma_start3A_329 = arith.constant 0 : i32
        %dma_start3A_330 = tpu.memref_slice %arg10[%dma_start3A_328, %dma_start3A_329] : memref<432x32xf32, #tpu.memory_space<vmem>> -> memref<128x32xf32, #tpu.memory_space<vmem>>
        %dma_start3A_331 = tpu.memref_slice %arg7[%add3A_327] : memref<55296xi32, #tpu.memory_space<vmem>> -> memref<128xi32, #tpu.memory_space<vmem>>
        %dma_start3A_332 = arith.constant 0 : i32
        %dma_start3A_333 = arith.constant 0 : i32
        %dma_start3A_334 = tpu.memref_slice %arg4[%dma_start3A_332, %dma_start3A_333] : memref<1000000x32xf32, #tpu.memory_space<hbm>> -> memref<1000000x32xf32, #tpu.memory_space<hbm>>
        tpu.enqueue_indirect_dma source(%dma_start3A_334 : memref<1000000x32xf32, #tpu.memory_space<hbm>>) target(%dma_start3A_330 : memref<128x32xf32, #tpu.memory_space<vmem>>) offsets(%dma_start3A_331 : memref<128xi32, #tpu.memory_space<vmem>>) semaphore(%arg18 : memref<!tpu.dma_semaphore, #tpu.memory_space<semaphore_mem>>)
        %add3A_335 = arith.constant 128 : i32
        %add3A_336 = arith.addi %mul3A_325, %add3A_335 : i32
        %dma_start3A_337 = arith.constant 128 : i32
        %dma_start3A_338 = arith.constant 0 : i32
        %dma_start3A_339 = tpu.memref_slice %arg10[%dma_start3A_337, %dma_start3A_338] : memref<432x32xf32, #tpu.memory_space<vmem>> -> memref<128x32xf32, #tpu.memory_space<vmem>>
        %dma_start3A_340 = tpu.memref_slice %arg7[%add3A_336] : memref<55296xi32, #tpu.memory_space<vmem>> -> memref<128xi32, #tpu.memory_space<vmem>>
        %dma_start3A_341 = arith.constant 0 : i32
        %dma_start3A_342 = arith.constant 0 : i32
        %dma_start3A_343 = tpu.memref_slice %arg4[%dma_start3A_341, %dma_start3A_342] : memref<1000000x32xf32, #tpu.memory_space<hbm>> -> memref<1000000x32xf32, #tpu.memory_space<hbm>>
        tpu.enqueue_indirect_dma source(%dma_start3A_343 : memref<1000000x32xf32, #tpu.memory_space<hbm>>) target(%dma_start3A_339 : memref<128x32xf32, #tpu.memory_space<vmem>>) offsets(%dma_start3A_340 : memref<128xi32, #tpu.memory_space<vmem>>) semaphore(%arg18 : memref<!tpu.dma_semaphore, #tpu.memory_space<semaphore_mem>>)
        %add3A_344 = arith.constant 256 : i32
        %add3A_345 = arith.addi %mul3A_325, %add3A_344 : i32
        %dma_start3A_346 = arith.constant 256 : i32
        %dma_start3A_347 = arith.constant 0 : i32
        %dma_start3A_348 = tpu.memref_slice %arg10[%dma_start3A_346, %dma_start3A_347] : memref<432x32xf32, #tpu.memory_space<vmem>> -> memref<128x32xf32, #tpu.memory_space<vmem>>
        %dma_start3A_349 = tpu.memref_slice %arg7[%add3A_345] : memref<55296xi32, #tpu.memory_space<vmem>> -> memref<128xi32, #tpu.memory_space<vmem>>
        %dma_start3A_350 = arith.constant 0 : i32
        %dma_start3A_351 = arith.constant 0 : i32
        %dma_start3A_352 = tpu.memref_slice %arg4[%dma_start3A_350, %dma_start3A_351] : memref<1000000x32xf32, #tpu.memory_space<hbm>> -> memref<1000000x32xf32, #tpu.memory_space<hbm>>
        tpu.enqueue_indirect_dma source(%dma_start3A_352 : memref<1000000x32xf32, #tpu.memory_space<hbm>>) target(%dma_start3A_348 : memref<128x32xf32, #tpu.memory_space<vmem>>) offsets(%dma_start3A_349 : memref<128xi32, #tpu.memory_space<vmem>>) semaphore(%arg18 : memref<!tpu.dma_semaphore, #tpu.memory_space<semaphore_mem>>)
        %add3A_353 = arith.constant 384 : i32
        %add3A_354 = arith.addi %mul3A_325, %add3A_353 : i32
        %dma_start3A_355 = arith.constant 384 : i32
        %dma_start3A_356 = arith.constant 0 : i32
        %dma_start3A_357 = tpu.memref_slice %arg10[%dma_start3A_355, %dma_start3A_356] : memref<432x32xf32, #tpu.memory_space<vmem>> -> memref<36x32xf32, #tpu.memory_space<vmem>>
        %dma_start3A_358 = tpu.memref_slice %arg7[%add3A_354] : memref<55296xi32, #tpu.memory_space<vmem>> -> memref<36xi32, #tpu.memory_space<vmem>>
        %dma_start3A_359 = arith.constant 0 : i32
        %dma_start3A_360 = arith.constant 0 : i32
        %dma_start3A_361 = tpu.memref_slice %arg4[%dma_start3A_359, %dma_start3A_360] : memref<1000000x32xf32, #tpu.memory_space<hbm>> -> memref<1000000x32xf32, #tpu.memory_space<hbm>>
        tpu.enqueue_indirect_dma source(%dma_start3A_361 : memref<1000000x32xf32, #tpu.memory_space<hbm>>) target(%dma_start3A_357 : memref<36x32xf32, #tpu.memory_space<vmem>>) offsets(%dma_start3A_358 : memref<36xi32, #tpu.memory_space<vmem>>) semaphore(%arg18 : memref<!tpu.dma_semaphore, #tpu.memory_space<semaphore_mem>>)
      } else {
      }
      %add3A_274 = arith.addi %mul3A_2, %add3A_237 : i32
      %mul3A_275 = arith.constant 432 : i32
      %mul3A_276 = arith.muli %add3A_274, %mul3A_275 : i32
      %dma_start3A_277 = tpu.memref_slice %arg5[%mul3A_276] : memref<1769472xf32, #tpu.memory_space<hbm>> -> memref<432xf32, #tpu.memory_space<hbm>>
      %dma_start3A_278 = tpu.memref_slice %arg5[%mul3A_276] : memref<1769472xf32, #tpu.memory_space<hbm>> -> memref<432xf32, #tpu.memory_space<hbm>>
      tpu.enqueue_dma source(%arg14 : memref<432xf32, #tpu.memory_space<vmem>>) target(%dma_start3A_278 : memref<432xf32, #tpu.memory_space<hbm>>) target_semaphore(%arg22 : memref<!tpu.dma_semaphore, #tpu.memory_space<semaphore_mem>>)
      %add3A_279 = arith.constant 3 : i32
      %add3A_280 = arith.addi %mul3A_154, %add3A_279 : i32
      %dma_wait3A_281 = arith.constant 0 : i32
      %dma_wait3A_282 = arith.constant 0 : i32
      %dma_wait3A_283 = tpu.memref_slice %arg11[%dma_wait3A_281, %dma_wait3A_282] : memref<432x32xf32, #tpu.memory_space<vmem>> -> memref<420x32xf32, #tpu.memory_space<vmem>>
      %dma_wait3A_284 = arith.constant 0 : i32
      %dma_wait3A_285 = arith.constant 0 : i32
      %dma_wait3A_286 = tpu.memref_slice %arg4[%dma_wait3A_284, %dma_wait3A_285] : memref<1000000x32xf32, #tpu.memory_space<hbm>> -> memref<420x32xf32, #tpu.memory_space<hbm>>
      %dma_wait3A_287 = arith.constant 0 : i32
      %dma_wait3A_288 = arith.constant 0 : i32
      %dma_wait3A_289 = tpu.memref_slice %arg11[%dma_wait3A_287, %dma_wait3A_288] : memref<432x32xf32, #tpu.memory_space<vmem>> -> memref<420x32xf32, #tpu.memory_space<vmem>>
      %dma_wait3A_290 = arith.constant 0 : i32
      %dma_wait3A_291 = arith.constant 0 : i32
      %dma_wait3A_292 = tpu.memref_slice %arg4[%dma_wait3A_290, %dma_wait3A_291] : memref<1000000x32xf32, #tpu.memory_space<hbm>> -> memref<420x32xf32, #tpu.memory_space<hbm>>
      tpu.wait_dma2 semaphore(%arg19 : memref<!tpu.dma_semaphore, #tpu.memory_space<semaphore_mem>>) src(%dma_wait3A_292 : memref<420x32xf32, #tpu.memory_space<hbm>>) dst(%dma_wait3A_289 : memref<420x32xf32, #tpu.memory_space<vmem>>)
      %ge3A_293 = arith.constant 1 : i32
      %ge3A_294 = arith.cmpi sge, %scan3A_152, %ge3A_293 : i32
      %convert_element_type3A_295 = arith.extui %ge3A_294 : i1 to i32
      %cond3A_296 = arith.constant 0 : i32
      %cond3A_297 = arith.cmpi ne, %convert_element_type3A_295, %cond3A_296 : i32
      scf.if %cond3A_297 {
        %dma_wait3A_322 = arith.constant 0 : i32
        %dma_wait3A_323 = tpu.memref_slice %arg5[%dma_wait3A_322] : memref<1769472xf32, #tpu.memory_space<hbm>> -> memref<432xf32, #tpu.memory_space<hbm>>
        %dma_wait3A_324 = arith.constant 0 : i32
        %dma_wait3A_325 = tpu.memref_slice %arg5[%dma_wait3A_324] : memref<1769472xf32, #tpu.memory_space<hbm>> -> memref<432xf32, #tpu.memory_space<hbm>>
        tpu.wait_dma2 semaphore(%arg23 : memref<!tpu.dma_semaphore, #tpu.memory_space<semaphore_mem>>) src(%arg15 : memref<432xf32, #tpu.memory_space<vmem>>) dst(%dma_wait3A_325 : memref<432xf32, #tpu.memory_space<hbm>>)
      } else {
      }
      %get3A_298 = arith.index_cast %add3A_280 : i32 to index
      %get3A_299 = arith.constant 0 : index
      %get3A_300 = tpu.vector_load %arg6[%get3A_298, %get3A_299] {strides = array<i32>} : memref<128x32xf32, #tpu.memory_space<vmem>>, vector<16xf32>,
      %get3A_301 = arith.index_cast %add3A_280 : i32 to index
      %get3A_302 = arith.constant 16 : index
      %get3A_303 = tpu.vector_load %arg6[%get3A_301, %get3A_302] {strides = array<i32>} : memref<128x32xf32, #tpu.memory_space<vmem>>, vector<16xf32>,
      %scan3A_304 = arith.constant 0 : i32
      %scan3A_305 = arith.constant 0 : i32
      %scan3A_306 = arith.constant 27 : i32
      %scan3A_307 = arith.addi %scan3A_305, %scan3A_306 : i32
      %scan3A_308 = arith.constant 1 : i32
      scf.for %scan3A_322 = %scan3A_305 to %scan3A_307 step %scan3A_308  : i32 {
        %broadcast_in_dim3A = arith.constant 0.000000e+00 : f32
        %broadcast_in_dim3A_323 = vector.broadcast %broadcast_in_dim3A : f32 to vector<16xf32>
        %mul3A_324 = arith.constant 16 : i32
        %mul3A_325 = arith.muli %scan3A_322, %mul3A_324 : i32
        %add3A_326 = arith.constant 0 : i32
        %add3A_327 = arith.addi %mul3A_325, %add3A_326 : i32
        %get3A_328 = arith.index_cast %add3A_327 : i32 to index
        %get3A_329 = arith.constant 0 : index
        %get3A_330 = tpu.vector_load %arg11[%get3A_328, %get3A_329] {strides = array<i32>} : memref<432x32xf32, #tpu.memory_space<vmem>>, vector<16xf32>,
        %mul3A_331 = arith.constant 16 : i32
        %mul3A_332 = arith.muli %scan3A_322, %mul3A_331 : i32
        %add3A_333 = arith.constant 0 : i32
        %add3A_334 = arith.addi %mul3A_332, %add3A_333 : i32
        %get3A_335 = arith.index_cast %add3A_334 : i32 to index
        %get3A_336 = arith.constant 16 : index
        %get3A_337 = tpu.vector_load %arg11[%get3A_335, %get3A_336] {strides = array<i32>} : memref<432x32xf32, #tpu.memory_space<vmem>>, vector<16xf32>,
        %mul3A_338 = arith.mulf %get3A_330, %get3A_300 : vector<16xf32>
        %mul3A_339 = arith.mulf %get3A_337, %get3A_303 : vector<16xf32>
        %add3A_340 = arith.addf %mul3A_338, %mul3A_339 : vector<16xf32>
        %reduce_sum3A = arith.constant true
        %reduce_sum3A_341 = vector.broadcast %reduce_sum3A : i1 to vector<16xi1>
        %reduce_sum3A_342 = tpu.scan <sum>, %add3A_340 masked %reduce_sum3A_341 : vector<16xf32>, vector<16xi1> -> vector<16xf32>
        %reduce_sum3A_343 = vector.extract %reduce_sum3A_342[15] : f32 from vector<16xf32>
        %eq3A = arith.constant 0 : i32
        %eq3A_344 = vector.broadcast %eq3A : i32 to vector<16xi32>
        %eq3A_345 = arith.cmpi eq, %iota3A, %eq3A_344 : vector<16xi32>
        %broadcast_in_dim3A_346 = vector.broadcast %reduce_sum3A_343 : f32 to vector<16xf32>
        %select_n3A = arith.select %eq3A_345, %broadcast_in_dim3A_346, %broadcast_in_dim3A_323 : vector<16xi1>, vector<16xf32>
        %mul3A_347 = arith.constant 16 : i32
        %mul3A_348 = arith.muli %scan3A_322, %mul3A_347 : i32
        %add3A_349 = arith.constant 1 : i32
        %add3A_350 = arith.addi %mul3A_348, %add3A_349 : i32
        %get3A_351 = arith.index_cast %add3A_350 : i32 to index
        %get3A_352 = arith.constant 0 : index
        %get3A_353 = tpu.vector_load %arg11[%get3A_351, %get3A_352] {strides = array<i32>} : memref<432x32xf32, #tpu.memory_space<vmem>>, vector<16xf32>,
        %mul3A_354 = arith.constant 16 : i32
        %mul3A_355 = arith.muli %scan3A_322, %mul3A_354 : i32
        %add3A_356 = arith.constant 1 : i32
        %add3A_357 = arith.addi %mul3A_355, %add3A_356 : i32
        %get3A_358 = arith.index_cast %add3A_357 : i32 to index
        %get3A_359 = arith.constant 16 : index
        %get3A_360 = tpu.vector_load %arg11[%get3A_358, %get3A_359] {strides = array<i32>} : memref<432x32xf32, #tpu.memory_space<vmem>>, vector<16xf32>,
        %mul3A_361 = arith.mulf %get3A_353, %get3A_300 : vector<16xf32>
        %mul3A_362 = arith.mulf %get3A_360, %get3A_303 : vector<16xf32>
        %add3A_363 = arith.addf %mul3A_361, %mul3A_362 : vector<16xf32>
        %reduce_sum3A_364 = arith.constant true
        %reduce_sum3A_365 = vector.broadcast %reduce_sum3A_364 : i1 to vector<16xi1>
        %reduce_sum3A_366 = tpu.scan <sum>, %add3A_363 masked %reduce_sum3A_365 : vector<16xf32>, vector<16xi1> -> vector<16xf32>
        %reduce_sum3A_367 = vector.extract %reduce_sum3A_366[15] : f32 from vector<16xf32>
        %eq3A_368 = arith.constant 1 : i32
        %eq3A_369 = vector.broadcast %eq3A_368 : i32 to vector<16xi32>
        %eq3A_370 = arith.cmpi eq, %iota3A, %eq3A_369 : vector<16xi32>
        %broadcast_in_dim3A_371 = vector.broadcast %reduce_sum3A_367 : f32 to vector<16xf32>
        %select_n3A_372 = arith.select %eq3A_370, %broadcast_in_dim3A_371, %select_n3A : vector<16xi1>, vector<16xf32>
        %mul3A_373 = arith.constant 16 : i32
        %mul3A_374 = arith.muli %scan3A_322, %mul3A_373 : i32
        %add3A_375 = arith.constant 2 : i32
        %add3A_376 = arith.addi %mul3A_374, %add3A_375 : i32
        %get3A_377 = arith.index_cast %add3A_376 : i32 to index
        %get3A_378 = arith.constant 0 : index
        %get3A_379 = tpu.vector_load %arg11[%get3A_377, %get3A_378] {strides = array<i32>} : memref<432x32xf32, #tpu.memory_space<vmem>>, vector<16xf32>,
        %mul3A_380 = arith.constant 16 : i32
        %mul3A_381 = arith.muli %scan3A_322, %mul3A_380 : i32
        %add3A_382 = arith.constant 2 : i32
        %add3A_383 = arith.addi %mul3A_381, %add3A_382 : i32
        %get3A_384 = arith.index_cast %add3A_383 : i32 to index
        %get3A_385 = arith.constant 16 : index
        %get3A_386 = tpu.vector_load %arg11[%get3A_384, %get3A_385] {strides = array<i32>} : memref<432x32xf32, #tpu.memory_space<vmem>>, vector<16xf32>,
        %mul3A_387 = arith.mulf %get3A_379, %get3A_300 : vector<16xf32>
        %mul3A_388 = arith.mulf %get3A_386, %get3A_303 : vector<16xf32>
        %add3A_389 = arith.addf %mul3A_387, %mul3A_388 : vector<16xf32>
        %reduce_sum3A_390 = arith.constant true
        %reduce_sum3A_391 = vector.broadcast %reduce_sum3A_390 : i1 to vector<16xi1>
        %reduce_sum3A_392 = tpu.scan <sum>, %add3A_389 masked %reduce_sum3A_391 : vector<16xf32>, vector<16xi1> -> vector<16xf32>
        %reduce_sum3A_393 = vector.extract %reduce_sum3A_392[15] : f32 from vector<16xf32>
        %eq3A_394 = arith.constant 2 : i32
        %eq3A_395 = vector.broadcast %eq3A_394 : i32 to vector<16xi32>
        %eq3A_396 = arith.cmpi eq, %iota3A, %eq3A_395 : vector<16xi32>
        %broadcast_in_dim3A_397 = vector.broadcast %reduce_sum3A_393 : f32 to vector<16xf32>
        %select_n3A_398 = arith.select %eq3A_396, %broadcast_in_dim3A_397, %select_n3A_372 : vector<16xi1>, vector<16xf32>
        %mul3A_399 = arith.constant 16 : i32
        %mul3A_400 = arith.muli %scan3A_322, %mul3A_399 : i32
        %add3A_401 = arith.constant 3 : i32
        %add3A_402 = arith.addi %mul3A_400, %add3A_401 : i32
        %get3A_403 = arith.index_cast %add3A_402 : i32 to index
        %get3A_404 = arith.constant 0 : index
        %get3A_405 = tpu.vector_load %arg11[%get3A_403, %get3A_404] {strides = array<i32>} : memref<432x32xf32, #tpu.memory_space<vmem>>, vector<16xf32>,
        %mul3A_406 = arith.constant 16 : i32
        %mul3A_407 = arith.muli %scan3A_322, %mul3A_406 : i32
        %add3A_408 = arith.constant 3 : i32
        %add3A_409 = arith.addi %mul3A_407, %add3A_408 : i32
        %get3A_410 = arith.index_cast %add3A_409 : i32 to index
        %get3A_411 = arith.constant 16 : index
        %get3A_412 = tpu.vector_load %arg11[%get3A_410, %get3A_411] {strides = array<i32>} : memref<432x32xf32, #tpu.memory_space<vmem>>, vector<16xf32>,
        %mul3A_413 = arith.mulf %get3A_405, %get3A_300 : vector<16xf32>
        %mul3A_414 = arith.mulf %get3A_412, %get3A_303 : vector<16xf32>
        %add3A_415 = arith.addf %mul3A_413, %mul3A_414 : vector<16xf32>
        %reduce_sum3A_416 = arith.constant true
        %reduce_sum3A_417 = vector.broadcast %reduce_sum3A_416 : i1 to vector<16xi1>
        %reduce_sum3A_418 = tpu.scan <sum>, %add3A_415 masked %reduce_sum3A_417 : vector<16xf32>, vector<16xi1> -> vector<16xf32>
        %reduce_sum3A_419 = vector.extract %reduce_sum3A_418[15] : f32 from vector<16xf32>
        %eq3A_420 = arith.constant 3 : i32
        %eq3A_421 = vector.broadcast %eq3A_420 : i32 to vector<16xi32>
        %eq3A_422 = arith.cmpi eq, %iota3A, %eq3A_421 : vector<16xi32>
        %broadcast_in_dim3A_423 = vector.broadcast %reduce_sum3A_419 : f32 to vector<16xf32>
        %select_n3A_424 = arith.select %eq3A_422, %broadcast_in_dim3A_423, %select_n3A_398 : vector<16xi1>, vector<16xf32>
        %mul3A_425 = arith.constant 16 : i32
        %mul3A_426 = arith.muli %scan3A_322, %mul3A_425 : i32
        %add3A_427 = arith.constant 4 : i32
        %add3A_428 = arith.addi %mul3A_426, %add3A_427 : i32
        %get3A_429 = arith.index_cast %add3A_428 : i32 to index
        %get3A_430 = arith.constant 0 : index
        %get3A_431 = tpu.vector_load %arg11[%get3A_429, %get3A_430] {strides = array<i32>} : memref<432x32xf32, #tpu.memory_space<vmem>>, vector<16xf32>,
        %mul3A_432 = arith.constant 16 : i32
        %mul3A_433 = arith.muli %scan3A_322, %mul3A_432 : i32
        %add3A_434 = arith.constant 4 : i32
        %add3A_435 = arith.addi %mul3A_433, %add3A_434 : i32
        %get3A_436 = arith.index_cast %add3A_435 : i32 to index
        %get3A_437 = arith.constant 16 : index
        %get3A_438 = tpu.vector_load %arg11[%get3A_436, %get3A_437] {strides = array<i32>} : memref<432x32xf32, #tpu.memory_space<vmem>>, vector<16xf32>,
        %mul3A_439 = arith.mulf %get3A_431, %get3A_300 : vector<16xf32>
        %mul3A_440 = arith.mulf %get3A_438, %get3A_303 : vector<16xf32>
        %add3A_441 = arith.addf %mul3A_439, %mul3A_440 : vector<16xf32>
        %reduce_sum3A_442 = arith.constant true
        %reduce_sum3A_443 = vector.broadcast %reduce_sum3A_442 : i1 to vector<16xi1>
        %reduce_sum3A_444 = tpu.scan <sum>, %add3A_441 masked %reduce_sum3A_443 : vector<16xf32>, vector<16xi1> -> vector<16xf32>
        %reduce_sum3A_445 = vector.extract %reduce_sum3A_444[15] : f32 from vector<16xf32>
        %eq3A_446 = arith.constant 4 : i32
        %eq3A_447 = vector.broadcast %eq3A_446 : i32 to vector<16xi32>
        %eq3A_448 = arith.cmpi eq, %iota3A, %eq3A_447 : vector<16xi32>
        %broadcast_in_dim3A_449 = vector.broadcast %reduce_sum3A_445 : f32 to vector<16xf32>
        %select_n3A_450 = arith.select %eq3A_448, %broadcast_in_dim3A_449, %select_n3A_424 : vector<16xi1>, vector<16xf32>
        %mul3A_451 = arith.constant 16 : i32
        %mul3A_452 = arith.muli %scan3A_322, %mul3A_451 : i32
        %add3A_453 = arith.constant 5 : i32
        %add3A_454 = arith.addi %mul3A_452, %add3A_453 : i32
        %get3A_455 = arith.index_cast %add3A_454 : i32 to index
        %get3A_456 = arith.constant 0 : index
        %get3A_457 = tpu.vector_load %arg11[%get3A_455, %get3A_456] {strides = array<i32>} : memref<432x32xf32, #tpu.memory_space<vmem>>, vector<16xf32>,
        %mul3A_458 = arith.constant 16 : i32
        %mul3A_459 = arith.muli %scan3A_322, %mul3A_458 : i32
        %add3A_460 = arith.constant 5 : i32
        %add3A_461 = arith.addi %mul3A_459, %add3A_460 : i32
        %get3A_462 = arith.index_cast %add3A_461 : i32 to index
        %get3A_463 = arith.constant 16 : index
        %get3A_464 = tpu.vector_load %arg11[%get3A_462, %get3A_463] {strides = array<i32>} : memref<432x32xf32, #tpu.memory_space<vmem>>, vector<16xf32>,
        %mul3A_465 = arith.mulf %get3A_457, %get3A_300 : vector<16xf32>
        %mul3A_466 = arith.mulf %get3A_464, %get3A_303 : vector<16xf32>
        %add3A_467 = arith.addf %mul3A_465, %mul3A_466 : vector<16xf32>
        %reduce_sum3A_468 = arith.constant true
        %reduce_sum3A_469 = vector.broadcast %reduce_sum3A_468 : i1 to vector<16xi1>
        %reduce_sum3A_470 = tpu.scan <sum>, %add3A_467 masked %reduce_sum3A_469 : vector<16xf32>, vector<16xi1> -> vector<16xf32>
        %reduce_sum3A_471 = vector.extract %reduce_sum3A_470[15] : f32 from vector<16xf32>
        %eq3A_472 = arith.constant 5 : i32
        %eq3A_473 = vector.broadcast %eq3A_472 : i32 to vector<16xi32>
        %eq3A_474 = arith.cmpi eq, %iota3A, %eq3A_473 : vector<16xi32>
        %broadcast_in_dim3A_475 = vector.broadcast %reduce_sum3A_471 : f32 to vector<16xf32>
        %select_n3A_476 = arith.select %eq3A_474, %broadcast_in_dim3A_475, %select_n3A_450 : vector<16xi1>, vector<16xf32>
        %mul3A_477 = arith.constant 16 : i32
        %mul3A_478 = arith.muli %scan3A_322, %mul3A_477 : i32
        %add3A_479 = arith.constant 6 : i32
        %add3A_480 = arith.addi %mul3A_478, %add3A_479 : i32
        %get3A_481 = arith.index_cast %add3A_480 : i32 to index
        %get3A_482 = arith.constant 0 : index
        %get3A_483 = tpu.vector_load %arg11[%get3A_481, %get3A_482] {strides = array<i32>} : memref<432x32xf32, #tpu.memory_space<vmem>>, vector<16xf32>,
        %mul3A_484 = arith.constant 16 : i32
        %mul3A_485 = arith.muli %scan3A_322, %mul3A_484 : i32
        %add3A_486 = arith.constant 6 : i32
        %add3A_487 = arith.addi %mul3A_485, %add3A_486 : i32
        %get3A_488 = arith.index_cast %add3A_487 : i32 to index
        %get3A_489 = arith.constant 16 : index
        %get3A_490 = tpu.vector_load %arg11[%get3A_488, %get3A_489] {strides = array<i32>} : memref<432x32xf32, #tpu.memory_space<vmem>>, vector<16xf32>,
        %mul3A_491 = arith.mulf %get3A_483, %get3A_300 : vector<16xf32>
        %mul3A_492 = arith.mulf %get3A_490, %get3A_303 : vector<16xf32>
        %add3A_493 = arith.addf %mul3A_491, %mul3A_492 : vector<16xf32>
        %reduce_sum3A_494 = arith.constant true
        %reduce_sum3A_495 = vector.broadcast %reduce_sum3A_494 : i1 to vector<16xi1>
        %reduce_sum3A_496 = tpu.scan <sum>, %add3A_493 masked %reduce_sum3A_495 : vector<16xf32>, vector<16xi1> -> vector<16xf32>
        %reduce_sum3A_497 = vector.extract %reduce_sum3A_496[15] : f32 from vector<16xf32>
        %eq3A_498 = arith.constant 6 : i32
        %eq3A_499 = vector.broadcast %eq3A_498 : i32 to vector<16xi32>
        %eq3A_500 = arith.cmpi eq, %iota3A, %eq3A_499 : vector<16xi32>
        %broadcast_in_dim3A_501 = vector.broadcast %reduce_sum3A_497 : f32 to vector<16xf32>
        %select_n3A_502 = arith.select %eq3A_500, %broadcast_in_dim3A_501, %select_n3A_476 : vector<16xi1>, vector<16xf32>
        %mul3A_503 = arith.constant 16 : i32
        %mul3A_504 = arith.muli %scan3A_322, %mul3A_503 : i32
        %add3A_505 = arith.constant 7 : i32
        %add3A_506 = arith.addi %mul3A_504, %add3A_505 : i32
        %get3A_507 = arith.index_cast %add3A_506 : i32 to index
        %get3A_508 = arith.constant 0 : index
        %get3A_509 = tpu.vector_load %arg11[%get3A_507, %get3A_508] {strides = array<i32>} : memref<432x32xf32, #tpu.memory_space<vmem>>, vector<16xf32>,
        %mul3A_510 = arith.constant 16 : i32
        %mul3A_511 = arith.muli %scan3A_322, %mul3A_510 : i32
        %add3A_512 = arith.constant 7 : i32
        %add3A_513 = arith.addi %mul3A_511, %add3A_512 : i32
        %get3A_514 = arith.index_cast %add3A_513 : i32 to index
        %get3A_515 = arith.constant 16 : index
        %get3A_516 = tpu.vector_load %arg11[%get3A_514, %get3A_515] {strides = array<i32>} : memref<432x32xf32, #tpu.memory_space<vmem>>, vector<16xf32>,
        %mul3A_517 = arith.mulf %get3A_509, %get3A_300 : vector<16xf32>
        %mul3A_518 = arith.mulf %get3A_516, %get3A_303 : vector<16xf32>
        %add3A_519 = arith.addf %mul3A_517, %mul3A_518 : vector<16xf32>
        %reduce_sum3A_520 = arith.constant true
        %reduce_sum3A_521 = vector.broadcast %reduce_sum3A_520 : i1 to vector<16xi1>
        %reduce_sum3A_522 = tpu.scan <sum>, %add3A_519 masked %reduce_sum3A_521 : vector<16xf32>, vector<16xi1> -> vector<16xf32>
        %reduce_sum3A_523 = vector.extract %reduce_sum3A_522[15] : f32 from vector<16xf32>
        %eq3A_524 = arith.constant 7 : i32
        %eq3A_525 = vector.broadcast %eq3A_524 : i32 to vector<16xi32>
        %eq3A_526 = arith.cmpi eq, %iota3A, %eq3A_525 : vector<16xi32>
        %broadcast_in_dim3A_527 = vector.broadcast %reduce_sum3A_523 : f32 to vector<16xf32>
        %select_n3A_528 = arith.select %eq3A_526, %broadcast_in_dim3A_527, %select_n3A_502 : vector<16xi1>, vector<16xf32>
        %mul3A_529 = arith.constant 16 : i32
        %mul3A_530 = arith.muli %scan3A_322, %mul3A_529 : i32
        %add3A_531 = arith.constant 8 : i32
        %add3A_532 = arith.addi %mul3A_530, %add3A_531 : i32
        %get3A_533 = arith.index_cast %add3A_532 : i32 to index
        %get3A_534 = arith.constant 0 : index
        %get3A_535 = tpu.vector_load %arg11[%get3A_533, %get3A_534] {strides = array<i32>} : memref<432x32xf32, #tpu.memory_space<vmem>>, vector<16xf32>,
        %mul3A_536 = arith.constant 16 : i32
        %mul3A_537 = arith.muli %scan3A_322, %mul3A_536 : i32
        %add3A_538 = arith.constant 8 : i32
        %add3A_539 = arith.addi %mul3A_537, %add3A_538 : i32
        %get3A_540 = arith.index_cast %add3A_539 : i32 to index
        %get3A_541 = arith.constant 16 : index
        %get3A_542 = tpu.vector_load %arg11[%get3A_540, %get3A_541] {strides = array<i32>} : memref<432x32xf32, #tpu.memory_space<vmem>>, vector<16xf32>,
        %mul3A_543 = arith.mulf %get3A_535, %get3A_300 : vector<16xf32>
        %mul3A_544 = arith.mulf %get3A_542, %get3A_303 : vector<16xf32>
        %add3A_545 = arith.addf %mul3A_543, %mul3A_544 : vector<16xf32>
        %reduce_sum3A_546 = arith.constant true
        %reduce_sum3A_547 = vector.broadcast %reduce_sum3A_546 : i1 to vector<16xi1>
        %reduce_sum3A_548 = tpu.scan <sum>, %add3A_545 masked %reduce_sum3A_547 : vector<16xf32>, vector<16xi1> -> vector<16xf32>
        %reduce_sum3A_549 = vector.extract %reduce_sum3A_548[15] : f32 from vector<16xf32>
        %eq3A_550 = arith.constant 8 : i32
        %eq3A_551 = vector.broadcast %eq3A_550 : i32 to vector<16xi32>
        %eq3A_552 = arith.cmpi eq, %iota3A, %eq3A_551 : vector<16xi32>
        %broadcast_in_dim3A_553 = vector.broadcast %reduce_sum3A_549 : f32 to vector<16xf32>
        %select_n3A_554 = arith.select %eq3A_552, %broadcast_in_dim3A_553, %select_n3A_528 : vector<16xi1>, vector<16xf32>
        %mul3A_555 = arith.constant 16 : i32
        %mul3A_556 = arith.muli %scan3A_322, %mul3A_555 : i32
        %add3A_557 = arith.constant 9 : i32
        %add3A_558 = arith.addi %mul3A_556, %add3A_557 : i32
        %get3A_559 = arith.index_cast %add3A_558 : i32 to index
        %get3A_560 = arith.constant 0 : index
        %get3A_561 = tpu.vector_load %arg11[%get3A_559, %get3A_560] {strides = array<i32>} : memref<432x32xf32, #tpu.memory_space<vmem>>, vector<16xf32>,
        %mul3A_562 = arith.constant 16 : i32
        %mul3A_563 = arith.muli %scan3A_322, %mul3A_562 : i32
        %add3A_564 = arith.constant 9 : i32
        %add3A_565 = arith.addi %mul3A_563, %add3A_564 : i32
        %get3A_566 = arith.index_cast %add3A_565 : i32 to index
        %get3A_567 = arith.constant 16 : index
        %get3A_568 = tpu.vector_load %arg11[%get3A_566, %get3A_567] {strides = array<i32>} : memref<432x32xf32, #tpu.memory_space<vmem>>, vector<16xf32>,
        %mul3A_569 = arith.mulf %get3A_561, %get3A_300 : vector<16xf32>
        %mul3A_570 = arith.mulf %get3A_568, %get3A_303 : vector<16xf32>
        %add3A_571 = arith.addf %mul3A_569, %mul3A_570 : vector<16xf32>
        %reduce_sum3A_572 = arith.constant true
        %reduce_sum3A_573 = vector.broadcast %reduce_sum3A_572 : i1 to vector<16xi1>
        %reduce_sum3A_574 = tpu.scan <sum>, %add3A_571 masked %reduce_sum3A_573 : vector<16xf32>, vector<16xi1> -> vector<16xf32>
        %reduce_sum3A_575 = vector.extract %reduce_sum3A_574[15] : f32 from vector<16xf32>
        %eq3A_576 = arith.constant 9 : i32
        %eq3A_577 = vector.broadcast %eq3A_576 : i32 to vector<16xi32>
        %eq3A_578 = arith.cmpi eq, %iota3A, %eq3A_577 : vector<16xi32>
        %broadcast_in_dim3A_579 = vector.broadcast %reduce_sum3A_575 : f32 to vector<16xf32>
        %select_n3A_580 = arith.select %eq3A_578, %broadcast_in_dim3A_579, %select_n3A_554 : vector<16xi1>, vector<16xf32>
        %mul3A_581 = arith.constant 16 : i32
        %mul3A_582 = arith.muli %scan3A_322, %mul3A_581 : i32
        %add3A_583 = arith.constant 10 : i32
        %add3A_584 = arith.addi %mul3A_582, %add3A_583 : i32
        %get3A_585 = arith.index_cast %add3A_584 : i32 to index
        %get3A_586 = arith.constant 0 : index
        %get3A_587 = tpu.vector_load %arg11[%get3A_585, %get3A_586] {strides = array<i32>} : memref<432x32xf32, #tpu.memory_space<vmem>>, vector<16xf32>,
        %mul3A_588 = arith.constant 16 : i32
        %mul3A_589 = arith.muli %scan3A_322, %mul3A_588 : i32
        %add3A_590 = arith.constant 10 : i32
        %add3A_591 = arith.addi %mul3A_589, %add3A_590 : i32
        %get3A_592 = arith.index_cast %add3A_591 : i32 to index
        %get3A_593 = arith.constant 16 : index
        %get3A_594 = tpu.vector_load %arg11[%get3A_592, %get3A_593] {strides = array<i32>} : memref<432x32xf32, #tpu.memory_space<vmem>>, vector<16xf32>,
        %mul3A_595 = arith.mulf %get3A_587, %get3A_300 : vector<16xf32>
        %mul3A_596 = arith.mulf %get3A_594, %get3A_303 : vector<16xf32>
        %add3A_597 = arith.addf %mul3A_595, %mul3A_596 : vector<16xf32>
        %reduce_sum3A_598 = arith.constant true
        %reduce_sum3A_599 = vector.broadcast %reduce_sum3A_598 : i1 to vector<16xi1>
        %reduce_sum3A_600 = tpu.scan <sum>, %add3A_597 masked %reduce_sum3A_599 : vector<16xf32>, vector<16xi1> -> vector<16xf32>
        %reduce_sum3A_601 = vector.extract %reduce_sum3A_600[15] : f32 from vector<16xf32>
        %eq3A_602 = arith.constant 10 : i32
        %eq3A_603 = vector.broadcast %eq3A_602 : i32 to vector<16xi32>
        %eq3A_604 = arith.cmpi eq, %iota3A, %eq3A_603 : vector<16xi32>
        %broadcast_in_dim3A_605 = vector.broadcast %reduce_sum3A_601 : f32 to vector<16xf32>
        %select_n3A_606 = arith.select %eq3A_604, %broadcast_in_dim3A_605, %select_n3A_580 : vector<16xi1>, vector<16xf32>
        %mul3A_607 = arith.constant 16 : i32
        %mul3A_608 = arith.muli %scan3A_322, %mul3A_607 : i32
        %add3A_609 = arith.constant 11 : i32
        %add3A_610 = arith.addi %mul3A_608, %add3A_609 : i32
        %get3A_611 = arith.index_cast %add3A_610 : i32 to index
        %get3A_612 = arith.constant 0 : index
        %get3A_613 = tpu.vector_load %arg11[%get3A_611, %get3A_612] {strides = array<i32>} : memref<432x32xf32, #tpu.memory_space<vmem>>, vector<16xf32>,
        %mul3A_614 = arith.constant 16 : i32
        %mul3A_615 = arith.muli %scan3A_322, %mul3A_614 : i32
        %add3A_616 = arith.constant 11 : i32
        %add3A_617 = arith.addi %mul3A_615, %add3A_616 : i32
        %get3A_618 = arith.index_cast %add3A_617 : i32 to index
        %get3A_619 = arith.constant 16 : index
        %get3A_620 = tpu.vector_load %arg11[%get3A_618, %get3A_619] {strides = array<i32>} : memref<432x32xf32, #tpu.memory_space<vmem>>, vector<16xf32>,
        %mul3A_621 = arith.mulf %get3A_613, %get3A_300 : vector<16xf32>
        %mul3A_622 = arith.mulf %get3A_620, %get3A_303 : vector<16xf32>
        %add3A_623 = arith.addf %mul3A_621, %mul3A_622 : vector<16xf32>
        %reduce_sum3A_624 = arith.constant true
        %reduce_sum3A_625 = vector.broadcast %reduce_sum3A_624 : i1 to vector<16xi1>
        %reduce_sum3A_626 = tpu.scan <sum>, %add3A_623 masked %reduce_sum3A_625 : vector<16xf32>, vector<16xi1> -> vector<16xf32>
        %reduce_sum3A_627 = vector.extract %reduce_sum3A_626[15] : f32 from vector<16xf32>
        %eq3A_628 = arith.constant 11 : i32
        %eq3A_629 = vector.broadcast %eq3A_628 : i32 to vector<16xi32>
        %eq3A_630 = arith.cmpi eq, %iota3A, %eq3A_629 : vector<16xi32>
        %broadcast_in_dim3A_631 = vector.broadcast %reduce_sum3A_627 : f32 to vector<16xf32>
        %select_n3A_632 = arith.select %eq3A_630, %broadcast_in_dim3A_631, %select_n3A_606 : vector<16xi1>, vector<16xf32>
        %mul3A_633 = arith.constant 16 : i32
        %mul3A_634 = arith.muli %scan3A_322, %mul3A_633 : i32
        %add3A_635 = arith.constant 12 : i32
        %add3A_636 = arith.addi %mul3A_634, %add3A_635 : i32
        %get3A_637 = arith.index_cast %add3A_636 : i32 to index
        %get3A_638 = arith.constant 0 : index
        %get3A_639 = tpu.vector_load %arg11[%get3A_637, %get3A_638] {strides = array<i32>} : memref<432x32xf32, #tpu.memory_space<vmem>>, vector<16xf32>,
        %mul3A_640 = arith.constant 16 : i32
        %mul3A_641 = arith.muli %scan3A_322, %mul3A_640 : i32
        %add3A_642 = arith.constant 12 : i32
        %add3A_643 = arith.addi %mul3A_641, %add3A_642 : i32
        %get3A_644 = arith.index_cast %add3A_643 : i32 to index
        %get3A_645 = arith.constant 16 : index
        %get3A_646 = tpu.vector_load %arg11[%get3A_644, %get3A_645] {strides = array<i32>} : memref<432x32xf32, #tpu.memory_space<vmem>>, vector<16xf32>,
        %mul3A_647 = arith.mulf %get3A_639, %get3A_300 : vector<16xf32>
        %mul3A_648 = arith.mulf %get3A_646, %get3A_303 : vector<16xf32>
        %add3A_649 = arith.addf %mul3A_647, %mul3A_648 : vector<16xf32>
        %reduce_sum3A_650 = arith.constant true
        %reduce_sum3A_651 = vector.broadcast %reduce_sum3A_650 : i1 to vector<16xi1>
        %reduce_sum3A_652 = tpu.scan <sum>, %add3A_649 masked %reduce_sum3A_651 : vector<16xf32>, vector<16xi1> -> vector<16xf32>
        %reduce_sum3A_653 = vector.extract %reduce_sum3A_652[15] : f32 from vector<16xf32>
        %eq3A_654 = arith.constant 12 : i32
        %eq3A_655 = vector.broadcast %eq3A_654 : i32 to vector<16xi32>
        %eq3A_656 = arith.cmpi eq, %iota3A, %eq3A_655 : vector<16xi32>
        %broadcast_in_dim3A_657 = vector.broadcast %reduce_sum3A_653 : f32 to vector<16xf32>
        %select_n3A_658 = arith.select %eq3A_656, %broadcast_in_dim3A_657, %select_n3A_632 : vector<16xi1>, vector<16xf32>
        %mul3A_659 = arith.constant 16 : i32
        %mul3A_660 = arith.muli %scan3A_322, %mul3A_659 : i32
        %add3A_661 = arith.constant 13 : i32
        %add3A_662 = arith.addi %mul3A_660, %add3A_661 : i32
        %get3A_663 = arith.index_cast %add3A_662 : i32 to index
        %get3A_664 = arith.constant 0 : index
        %get3A_665 = tpu.vector_load %arg11[%get3A_663, %get3A_664] {strides = array<i32>} : memref<432x32xf32, #tpu.memory_space<vmem>>, vector<16xf32>,
        %mul3A_666 = arith.constant 16 : i32
        %mul3A_667 = arith.muli %scan3A_322, %mul3A_666 : i32
        %add3A_668 = arith.constant 13 : i32
        %add3A_669 = arith.addi %mul3A_667, %add3A_668 : i32
        %get3A_670 = arith.index_cast %add3A_669 : i32 to index
        %get3A_671 = arith.constant 16 : index
        %get3A_672 = tpu.vector_load %arg11[%get3A_670, %get3A_671] {strides = array<i32>} : memref<432x32xf32, #tpu.memory_space<vmem>>, vector<16xf32>,
        %mul3A_673 = arith.mulf %get3A_665, %get3A_300 : vector<16xf32>
        %mul3A_674 = arith.mulf %get3A_672, %get3A_303 : vector<16xf32>
        %add3A_675 = arith.addf %mul3A_673, %mul3A_674 : vector<16xf32>
        %reduce_sum3A_676 = arith.constant true
        %reduce_sum3A_677 = vector.broadcast %reduce_sum3A_676 : i1 to vector<16xi1>
        %reduce_sum3A_678 = tpu.scan <sum>, %add3A_675 masked %reduce_sum3A_677 : vector<16xf32>, vector<16xi1> -> vector<16xf32>
        %reduce_sum3A_679 = vector.extract %reduce_sum3A_678[15] : f32 from vector<16xf32>
        %eq3A_680 = arith.constant 13 : i32
        %eq3A_681 = vector.broadcast %eq3A_680 : i32 to vector<16xi32>
        %eq3A_682 = arith.cmpi eq, %iota3A, %eq3A_681 : vector<16xi32>
        %broadcast_in_dim3A_683 = vector.broadcast %reduce_sum3A_679 : f32 to vector<16xf32>
        %select_n3A_684 = arith.select %eq3A_682, %broadcast_in_dim3A_683, %select_n3A_658 : vector<16xi1>, vector<16xf32>
        %mul3A_685 = arith.constant 16 : i32
        %mul3A_686 = arith.muli %scan3A_322, %mul3A_685 : i32
        %add3A_687 = arith.constant 14 : i32
        %add3A_688 = arith.addi %mul3A_686, %add3A_687 : i32
        %get3A_689 = arith.index_cast %add3A_688 : i32 to index
        %get3A_690 = arith.constant 0 : index
        %get3A_691 = tpu.vector_load %arg11[%get3A_689, %get3A_690] {strides = array<i32>} : memref<432x32xf32, #tpu.memory_space<vmem>>, vector<16xf32>,
        %mul3A_692 = arith.constant 16 : i32
        %mul3A_693 = arith.muli %scan3A_322, %mul3A_692 : i32
        %add3A_694 = arith.constant 14 : i32
        %add3A_695 = arith.addi %mul3A_693, %add3A_694 : i32
        %get3A_696 = arith.index_cast %add3A_695 : i32 to index
        %get3A_697 = arith.constant 16 : index
        %get3A_698 = tpu.vector_load %arg11[%get3A_696, %get3A_697] {strides = array<i32>} : memref<432x32xf32, #tpu.memory_space<vmem>>, vector<16xf32>,
        %mul3A_699 = arith.mulf %get3A_691, %get3A_300 : vector<16xf32>
        %mul3A_700 = arith.mulf %get3A_698, %get3A_303 : vector<16xf32>
        %add3A_701 = arith.addf %mul3A_699, %mul3A_700 : vector<16xf32>
        %reduce_sum3A_702 = arith.constant true
        %reduce_sum3A_703 = vector.broadcast %reduce_sum3A_702 : i1 to vector<16xi1>
        %reduce_sum3A_704 = tpu.scan <sum>, %add3A_701 masked %reduce_sum3A_703 : vector<16xf32>, vector<16xi1> -> vector<16xf32>
        %reduce_sum3A_705 = vector.extract %reduce_sum3A_704[15] : f32 from vector<16xf32>
        %eq3A_706 = arith.constant 14 : i32
        %eq3A_707 = vector.broadcast %eq3A_706 : i32 to vector<16xi32>
        %eq3A_708 = arith.cmpi eq, %iota3A, %eq3A_707 : vector<16xi32>
        %broadcast_in_dim3A_709 = vector.broadcast %reduce_sum3A_705 : f32 to vector<16xf32>
        %select_n3A_710 = arith.select %eq3A_708, %broadcast_in_dim3A_709, %select_n3A_684 : vector<16xi1>, vector<16xf32>
        %mul3A_711 = arith.constant 16 : i32
        %mul3A_712 = arith.muli %scan3A_322, %mul3A_711 : i32
        %add3A_713 = arith.constant 15 : i32
        %add3A_714 = arith.addi %mul3A_712, %add3A_713 : i32
        %get3A_715 = arith.index_cast %add3A_714 : i32 to index
        %get3A_716 = arith.constant 0 : index
        %get3A_717 = tpu.vector_load %arg11[%get3A_715, %get3A_716] {strides = array<i32>} : memref<432x32xf32, #tpu.memory_space<vmem>>, vector<16xf32>,
        %mul3A_718 = arith.constant 16 : i32
        %mul3A_719 = arith.muli %scan3A_322, %mul3A_718 : i32
        %add3A_720 = arith.constant 15 : i32
        %add3A_721 = arith.addi %mul3A_719, %add3A_720 : i32
        %get3A_722 = arith.index_cast %add3A_721 : i32 to index
        %get3A_723 = arith.constant 16 : index
        %get3A_724 = tpu.vector_load %arg11[%get3A_722, %get3A_723] {strides = array<i32>} : memref<432x32xf32, #tpu.memory_space<vmem>>, vector<16xf32>,
        %mul3A_725 = arith.mulf %get3A_717, %get3A_300 : vector<16xf32>
        %mul3A_726 = arith.mulf %get3A_724, %get3A_303 : vector<16xf32>
        %add3A_727 = arith.addf %mul3A_725, %mul3A_726 : vector<16xf32>
        %reduce_sum3A_728 = arith.constant true
        %reduce_sum3A_729 = vector.broadcast %reduce_sum3A_728 : i1 to vector<16xi1>
        %reduce_sum3A_730 = tpu.scan <sum>, %add3A_727 masked %reduce_sum3A_729 : vector<16xf32>, vector<16xi1> -> vector<16xf32>
        %reduce_sum3A_731 = vector.extract %reduce_sum3A_730[15] : f32 from vector<16xf32>
        %eq3A_732 = arith.constant 15 : i32
        %eq3A_733 = vector.broadcast %eq3A_732 : i32 to vector<16xi32>
        %eq3A_734 = arith.cmpi eq, %iota3A, %eq3A_733 : vector<16xi32>
        %broadcast_in_dim3A_735 = vector.broadcast %reduce_sum3A_731 : f32 to vector<16xf32>
        %select_n3A_736 = arith.select %eq3A_734, %broadcast_in_dim3A_735, %select_n3A_710 : vector<16xi1>, vector<16xf32>
        %mul3A_737 = arith.constant 16 : i32
        %mul3A_738 = arith.muli %scan3A_322, %mul3A_737 : i32
        %swap3A = arith.index_cast %mul3A_738 : i32 to index
        %swap3A_739 = tpu.vector_load %arg15[%swap3A] {strides = array<i32>} : memref<432xf32, #tpu.memory_space<vmem>>, vector<16xf32>,
        tpu.vector_store %arg15[%swap3A], %select_n3A_736 {strides = array<i32>} : memref<432xf32, #tpu.memory_space<vmem>>, vector<16xf32>,
      }
      %scan3A_309 = arith.constant 27 : i32
      %add3A_310 = arith.constant 4 : i32
      %add3A_311 = arith.addi %add3A_280, %add3A_310 : i32
      %lt3A_312 = arith.constant 128 : i32
      %lt3A_313 = arith.cmpi slt, %add3A_311, %lt3A_312 : i32
      %convert_element_type3A_314 = arith.extui %lt3A_313 : i1 to i32
      %cond3A_315 = arith.constant 0 : i32
      %cond3A_316 = arith.cmpi ne, %convert_element_type3A_314, %cond3A_315 : i32
      scf.if %cond3A_316 {
        %add3A_322 = arith.constant 4 : i32
        %add3A_323 = arith.addi %add3A_280, %add3A_322 : i32
        %mul3A_324 = arith.constant 432 : i32
        %mul3A_325 = arith.muli %add3A_323, %mul3A_324 : i32
        %add3A_326 = arith.constant 0 : i32
        %add3A_327 = arith.addi %mul3A_325, %add3A_326 : i32
        %dma_start3A_328 = arith.constant 0 : i32
        %dma_start3A_329 = arith.constant 0 : i32
        %dma_start3A_330 = tpu.memref_slice %arg11[%dma_start3A_328, %dma_start3A_329] : memref<432x32xf32, #tpu.memory_space<vmem>> -> memref<128x32xf32, #tpu.memory_space<vmem>>
        %dma_start3A_331 = tpu.memref_slice %arg7[%add3A_327] : memref<55296xi32, #tpu.memory_space<vmem>> -> memref<128xi32, #tpu.memory_space<vmem>>
        %dma_start3A_332 = arith.constant 0 : i32
        %dma_start3A_333 = arith.constant 0 : i32
        %dma_start3A_334 = tpu.memref_slice %arg4[%dma_start3A_332, %dma_start3A_333] : memref<1000000x32xf32, #tpu.memory_space<hbm>> -> memref<1000000x32xf32, #tpu.memory_space<hbm>>
        tpu.enqueue_indirect_dma source(%dma_start3A_334 : memref<1000000x32xf32, #tpu.memory_space<hbm>>) target(%dma_start3A_330 : memref<128x32xf32, #tpu.memory_space<vmem>>) offsets(%dma_start3A_331 : memref<128xi32, #tpu.memory_space<vmem>>) semaphore(%arg19 : memref<!tpu.dma_semaphore, #tpu.memory_space<semaphore_mem>>)
        %add3A_335 = arith.constant 128 : i32
        %add3A_336 = arith.addi %mul3A_325, %add3A_335 : i32
        %dma_start3A_337 = arith.constant 128 : i32
        %dma_start3A_338 = arith.constant 0 : i32
        %dma_start3A_339 = tpu.memref_slice %arg11[%dma_start3A_337, %dma_start3A_338] : memref<432x32xf32, #tpu.memory_space<vmem>> -> memref<128x32xf32, #tpu.memory_space<vmem>>
        %dma_start3A_340 = tpu.memref_slice %arg7[%add3A_336] : memref<55296xi32, #tpu.memory_space<vmem>> -> memref<128xi32, #tpu.memory_space<vmem>>
        %dma_start3A_341 = arith.constant 0 : i32
        %dma_start3A_342 = arith.constant 0 : i32
        %dma_start3A_343 = tpu.memref_slice %arg4[%dma_start3A_341, %dma_start3A_342] : memref<1000000x32xf32, #tpu.memory_space<hbm>> -> memref<1000000x32xf32, #tpu.memory_space<hbm>>
        tpu.enqueue_indirect_dma source(%dma_start3A_343 : memref<1000000x32xf32, #tpu.memory_space<hbm>>) target(%dma_start3A_339 : memref<128x32xf32, #tpu.memory_space<vmem>>) offsets(%dma_start3A_340 : memref<128xi32, #tpu.memory_space<vmem>>) semaphore(%arg19 : memref<!tpu.dma_semaphore, #tpu.memory_space<semaphore_mem>>)
        %add3A_344 = arith.constant 256 : i32
        %add3A_345 = arith.addi %mul3A_325, %add3A_344 : i32
        %dma_start3A_346 = arith.constant 256 : i32
        %dma_start3A_347 = arith.constant 0 : i32
        %dma_start3A_348 = tpu.memref_slice %arg11[%dma_start3A_346, %dma_start3A_347] : memref<432x32xf32, #tpu.memory_space<vmem>> -> memref<128x32xf32, #tpu.memory_space<vmem>>
        %dma_start3A_349 = tpu.memref_slice %arg7[%add3A_345] : memref<55296xi32, #tpu.memory_space<vmem>> -> memref<128xi32, #tpu.memory_space<vmem>>
        %dma_start3A_350 = arith.constant 0 : i32
        %dma_start3A_351 = arith.constant 0 : i32
        %dma_start3A_352 = tpu.memref_slice %arg4[%dma_start3A_350, %dma_start3A_351] : memref<1000000x32xf32, #tpu.memory_space<hbm>> -> memref<1000000x32xf32, #tpu.memory_space<hbm>>
        tpu.enqueue_indirect_dma source(%dma_start3A_352 : memref<1000000x32xf32, #tpu.memory_space<hbm>>) target(%dma_start3A_348 : memref<128x32xf32, #tpu.memory_space<vmem>>) offsets(%dma_start3A_349 : memref<128xi32, #tpu.memory_space<vmem>>) semaphore(%arg19 : memref<!tpu.dma_semaphore, #tpu.memory_space<semaphore_mem>>)
        %add3A_353 = arith.constant 384 : i32
        %add3A_354 = arith.addi %mul3A_325, %add3A_353 : i32
        %dma_start3A_355 = arith.constant 384 : i32
        %dma_start3A_356 = arith.constant 0 : i32
        %dma_start3A_357 = tpu.memref_slice %arg11[%dma_start3A_355, %dma_start3A_356] : memref<432x32xf32, #tpu.memory_space<vmem>> -> memref<36x32xf32, #tpu.memory_space<vmem>>
        %dma_start3A_358 = tpu.memref_slice %arg7[%add3A_354] : memref<55296xi32, #tpu.memory_space<vmem>> -> memref<36xi32, #tpu.memory_space<vmem>>
        %dma_start3A_359 = arith.constant 0 : i32
        %dma_start3A_360 = arith.constant 0 : i32
        %dma_start3A_361 = tpu.memref_slice %arg4[%dma_start3A_359, %dma_start3A_360] : memref<1000000x32xf32, #tpu.memory_space<hbm>> -> memref<1000000x32xf32, #tpu.memory_space<hbm>>
        tpu.enqueue_indirect_dma source(%dma_start3A_361 : memref<1000000x32xf32, #tpu.memory_space<hbm>>) target(%dma_start3A_357 : memref<36x32xf32, #tpu.memory_space<vmem>>) offsets(%dma_start3A_358 : memref<36xi32, #tpu.memory_space<vmem>>) semaphore(%arg19 : memref<!tpu.dma_semaphore, #tpu.memory_space<semaphore_mem>>)
      } else {
      }
      %add3A_317 = arith.addi %mul3A_2, %add3A_280 : i32
      %mul3A_318 = arith.constant 432 : i32
      %mul3A_319 = arith.muli %add3A_317, %mul3A_318 : i32
      %dma_start3A_320 = tpu.memref_slice %arg5[%mul3A_319] : memref<1769472xf32, #tpu.memory_space<hbm>> -> memref<432xf32, #tpu.memory_space<hbm>>
      %dma_start3A_321 = tpu.memref_slice %arg5[%mul3A_319] : memref<1769472xf32, #tpu.memory_space<hbm>> -> memref<432xf32, #tpu.memory_space<hbm>>
      tpu.enqueue_dma source(%arg15 : memref<432xf32, #tpu.memory_space<vmem>>) target(%dma_start3A_321 : memref<432xf32, #tpu.memory_space<hbm>>) target_semaphore(%arg23 : memref<!tpu.dma_semaphore, #tpu.memory_space<semaphore_mem>>)
    }
    %scan3A_136 = arith.constant 32 : i32
    %dma_wait3A = arith.constant 0 : i32
    %dma_wait3A_137 = tpu.memref_slice %arg5[%dma_wait3A] : memref<1769472xf32, #tpu.memory_space<hbm>> -> memref<432xf32, #tpu.memory_space<hbm>>
    %dma_wait3A_138 = arith.constant 0 : i32
    %dma_wait3A_139 = tpu.memref_slice %arg5[%dma_wait3A_138] : memref<1769472xf32, #tpu.memory_space<hbm>> -> memref<432xf32, #tpu.memory_space<hbm>>
    tpu.wait_dma2 semaphore(%arg20 : memref<!tpu.dma_semaphore, #tpu.memory_space<semaphore_mem>>) src(%arg12 : memref<432xf32, #tpu.memory_space<vmem>>) dst(%dma_wait3A_139 : memref<432xf32, #tpu.memory_space<hbm>>)
    %dma_wait3A_140 = arith.constant 0 : i32
    %dma_wait3A_141 = tpu.memref_slice %arg5[%dma_wait3A_140] : memref<1769472xf32, #tpu.memory_space<hbm>> -> memref<432xf32, #tpu.memory_space<hbm>>
    %dma_wait3A_142 = arith.constant 0 : i32
    %dma_wait3A_143 = tpu.memref_slice %arg5[%dma_wait3A_142] : memref<1769472xf32, #tpu.memory_space<hbm>> -> memref<432xf32, #tpu.memory_space<hbm>>
    tpu.wait_dma2 semaphore(%arg21 : memref<!tpu.dma_semaphore, #tpu.memory_space<semaphore_mem>>) src(%arg13 : memref<432xf32, #tpu.memory_space<vmem>>) dst(%dma_wait3A_143 : memref<432xf32, #tpu.memory_space<hbm>>)
    %dma_wait3A_144 = arith.constant 0 : i32
    %dma_wait3A_145 = tpu.memref_slice %arg5[%dma_wait3A_144] : memref<1769472xf32, #tpu.memory_space<hbm>> -> memref<432xf32, #tpu.memory_space<hbm>>
    %dma_wait3A_146 = arith.constant 0 : i32
    %dma_wait3A_147 = tpu.memref_slice %arg5[%dma_wait3A_146] : memref<1769472xf32, #tpu.memory_space<hbm>> -> memref<432xf32, #tpu.memory_space<hbm>>
    tpu.wait_dma2 semaphore(%arg22 : memref<!tpu.dma_semaphore, #tpu.memory_space<semaphore_mem>>) src(%arg14 : memref<432xf32, #tpu.memory_space<vmem>>) dst(%dma_wait3A_147 : memref<432xf32, #tpu.memory_space<hbm>>)
    %dma_wait3A_148 = arith.constant 0 : i32
    %dma_wait3A_149 = tpu.memref_slice %arg5[%dma_wait3A_148] : memref<1769472xf32, #tpu.memory_space<hbm>> -> memref<432xf32, #tpu.memory_space<hbm>>
    %dma_wait3A_150 = arith.constant 0 : i32
    %dma_wait3A_151 = tpu.memref_slice %arg5[%dma_wait3A_150] : memref<1769472xf32, #tpu.memory_space<hbm>> -> memref<432xf32, #tpu.memory_space<hbm>>
    tpu.wait_dma2 semaphore(%arg23 : memref<!tpu.dma_semaphore, #tpu.memory_space<semaphore_mem>>) src(%arg15 : memref<432xf32, #tpu.memory_space<vmem>>) dst(%dma_wait3A_151 : memref<432xf32, #tpu.memory_space<hbm>>)
    return
  }
}

module attributes {stable_mosaic.version = 14 : i64} {
  func.func @kern(%arg0: memref<13824x128xf32, #tpu.memory_space<vmem>>, %arg1: memref<1x1xf32, #tpu.memory_space<smem>>) attributes {dimension_semantics = [], scalar_prefetch = 0 : i64, scratch_operands = 0 : i64, tpu.core_type = #tpu.core_type<tc>} {
    %get3A = arith.constant 0 : index
    %get3A_0 = arith.constant 0 : index
    %get3A_1 = vector.load %arg0[%get3A, %get3A_0] : memref<13824x128xf32, #tpu.memory_space<vmem>>, vector<13824x128xf32>
    %iota3A = tpu.iota {dimensions = array<i32: 0>} : vector<13824x128xi32>
    %mul3A = arith.constant 128 : i32
    %mul3A_2 = vector.broadcast %mul3A : i32 to vector<13824x128xi32>
    %mul3A_3 = arith.muli %iota3A, %mul3A_2 : vector<13824x128xi32>
    %iota3A_4 = tpu.iota {dimensions = array<i32: 1>} : vector<13824x128xi32>
    %add3A = arith.addi %mul3A_3, %iota3A_4 : vector<13824x128xi32>
    %rem3A = arith.constant 432 : i32
    %rem3A_5 = vector.broadcast %rem3A : i32 to vector<13824x128xi32>
    %rem3A_6 = arith.remsi %add3A, %rem3A_5 : vector<13824x128xi32>
    %lt3A = arith.constant 20 : i32
    %lt3A_7 = vector.broadcast %lt3A : i32 to vector<13824x128xi32>
    %lt3A_8 = arith.cmpi slt, %rem3A_6, %lt3A_7 : vector<13824x128xi32>
    %neg3A = arith.constant 0.000000e+00 : f32
    %neg3A_9 = vector.broadcast %neg3A : f32 to vector<13824x128xf32>
    %neg3A_10 = arith.subf %neg3A_9, %get3A_1 : vector<13824x128xf32>
    %select_n3A = arith.select %lt3A_8, %neg3A_10, %get3A_1 : vector<13824x128xi1>, vector<13824x128xf32>
    %max3A = arith.constant 0.000000e+00 : f32
    %max3A_11 = vector.broadcast %max3A : f32 to vector<13824x128xf32>
    %max3A_12 = arith.maximumf %select_n3A, %max3A_11 : vector<13824x128xf32>
    %abs3A = math.absf %select_n3A : vector<13824x128xf32>
    %neg3A_13 = arith.constant 0.000000e+00 : f32
    %neg3A_14 = vector.broadcast %neg3A_13 : f32 to vector<13824x128xf32>
    %neg3A_15 = arith.subf %neg3A_14, %abs3A : vector<13824x128xf32>
    %exp3A = math.exp %neg3A_15 : vector<13824x128xf32>
    %add3A_16 = arith.constant 1.000000e+00 : f32
    %add3A_17 = vector.broadcast %add3A_16 : f32 to vector<13824x128xf32>
    %add3A_18 = arith.addf %add3A_17, %exp3A : vector<13824x128xf32>
    %log3A = math.log %add3A_18 : vector<13824x128xf32>
    %add3A_19 = arith.addf %max3A_12, %log3A : vector<13824x128xf32>
    %lt3A_20 = arith.constant 420 : i32
    %lt3A_21 = vector.broadcast %lt3A_20 : i32 to vector<13824x128xi32>
    %lt3A_22 = arith.cmpi slt, %rem3A_6, %lt3A_21 : vector<13824x128xi32>
    %jit3A = arith.constant 0.000000e+00 : f32
    %broadcast_in_dim3A = vector.broadcast %jit3A : f32 to vector<13824x128xf32>
    %select_n3A_23 = arith.select %lt3A_22, %add3A_19, %broadcast_in_dim3A : vector<13824x128xi1>, vector<13824x128xf32>
    %reduce_sum3A = vector.shape_cast %select_n3A_23 : vector<13824x128xf32> to vector<1x13824x128xf32>
    %reduce_sum3A_24 = arith.constant dense<0.000000e+00> : vector<1xf32>
    %reduce_sum3A_25 = vector.multi_reduction <add>, %reduce_sum3A, %reduce_sum3A_24 [1, 2] : vector<1x13824x128xf32> to vector<1xf32>
    %reduce_sum3A_26 = vector.shape_cast %reduce_sum3A_25 : vector<1xf32> to vector<1x1x1xf32>
    %reduce_sum3A_27 = vector.extract %reduce_sum3A_26[0, 0, 0] : f32 from vector<1x1x1xf32>
    %mul3A_28 = arith.constant 1.22070314E-5 : f32
    %mul3A_29 = arith.mulf %reduce_sum3A_27, %mul3A_28 : f32
    %swap3A = arith.constant 0 : index
    %swap3A_30 = arith.constant 0 : index
    %swap3A_31 = memref.load %arg1[%swap3A, %swap3A_30] : memref<1x1xf32, #tpu.memory_space<smem>>
    memref.store %mul3A_29, %arg1[%swap3A, %swap3A_30] : memref<1x1xf32, #tpu.memory_space<smem>>
    return
  }
}

</mosaic_0001>

<sc_bundles>
// kernel: gather_offload_async_start
scs
__scs_entry_jumppad:
0x0: {  	(pc) =	sbr.rel $0x88, $3  }
0x1: {  	(tag) =	ssettag $0x0;
	lr =	simm.s32 $0x1  }
0x2: {  	[smem:$0x3F9D] =	sst lr;
	_ =	strace $0xD0000000  }
0x3: {  	_ = 	snop  }
0x4: {  	_ = 	snop  }
0x5: {  	_ = 	snop  }
0x6: {  	_ = 	snop  }
0x7: {  	_ = 	snop  }
__scs_overlays_trampoline_lowered:
0x8: {  	[smem:$0x3FAC] =	sst s0  }
0x9: {  	[smem:$0x3FAD] =	sst s1  }
0xa: {  	[smem:$0x3FAE] =	sst s2  }
0xb: {  	[smem:$0x3FAF] =	sst s3  }
0xc: {  	[smem:$0x3FB0] =	sst s4  }
0xd: {  	[smem:$0x3FB1] =	sst s5  }
0xe: {  	[smem:$0x3FB2] =	sst s6  }
0xf: {  	[smem:$0x3FB3] =	sst s7  }
0x10: {  	[smem:$0x3FB4] =	sst s8  }
0x11: {  	[smem:$0x3FB5] =	sst s9;
	s0 =	simm.s32 @!p0 $0x0  }
0x12: {  	s1 =	sld [smem:$0x3F9B];
	s0 =	simm.s32 @p0 $0x1  }
0x13: {  	[smem:$0x3FB6] =	sst s0;
	s0 =	simm.s32 @!p1 $0x0  }
0x14: {  	s2 =	sld [smem:$0x3F9A];
	s0 =	simm.s32 @p1 $0x1  }
0x15: {  	[smem:$0x3FB7] =	sst s0;
	s0 =	simm.s32 @!p2 $0x0  }
0x16: {  	s3 =	sld [smem:$0x3FDB];
	s0 =	simm.s32 @p2 $0x1  }
0x17: {  	s4 =	simm.s32 $0x1BF5;
	[smem:$0x3FB9] =	sst s0  }
0x18: {  	s0 =	sld [smem:$0x3F9C];
	_ =	swait.ge [sflag:s4], $0x0  }
0x19: {  	s7 =	sld [smem:$0x3F9D]  }
0x1a: {  	s8 =	sadd.s32 $0xFFFFE003, lr  }
0x1b: {  	s9 =	sadd.s32 $0xFFFFFEF7, lr;
	s5 =	simm.s32 $0xFFFFFFFF;
	p2 =	slt.u32 s8, $0xFFFFF086  }
0x1c: {  	p1 =	slt.u32 s9, $0xF7A;
	s5 =	simm.s32 @!p2 $0x0  }
0x1d: {  	s5 =	simm.s32 @p1 $0x1;
	p0 =	seq.s32 s7, s2  }
0x1e: {  	s7 =	smul.u32 @!p0 $0xF7A, s2;
	p2 =	seq.s32 @!p0 s5, $0x0  }
0x1f: {  	s9 =	smul.u32 $0xF7A, s1;
	s8 =	simm.s32 @!p0 $0x1BF5;
	p2 =	por !p2, p0  }
0x20: {  	[sflag:s8] =	ssyncset.s32 @!p0 $0xFFFFF086;
	s6 =	sadd.s32 @!p0 s3, s7;
	s7 =	simm.s32 @!p0 $0x108  }
0x21: {  	s3 =	sadd.s32 s3, s9;
	s6 =	sadd.s32 @!p0 $0x88, s6;
	s7 =	simm.s32 @p2 $0x1082  }
0x22: {  	[simem:s7], [sflag:s8] =	dma.local @!p0 [hbm:s6], $0xF7A  }
0x23: {  	s9 =	sor.u32 $0xD0000000, s2;
	s6 =	simm.s32 $0x108;
	_ =	swait.ge @!p0 [sflag:s8], $0x0  }
0x24: {  	s3 =	sadd.s32 $0x88, s3;
	s6 =	simm.s32 @!p1 $0x1082;
	[sflag:s4] =	ssyncset.s32 $0xFFFFF086  }
0x25: {  	[simem:s6], [sflag:s4] =	dma.local [hbm:s3], $0xF7A  }
0x26: {  	[smem:$0x3F9D] =	sst s1;
	(tag) =	ssettag s2;
	_ =	strace s9  }
0x27: {  	s1 =	sld [smem:$0x3FAD]  }
0x28: {  	s2 =	sld [smem:$0x3FAE]  }
0x29: {  	s4 =	sld [smem:$0x3FB0]  }
0x2a: {  	p0 =	seq.s32 s5, $0x0;
	s5 =	sld [smem:$0x3FB1]  }
0x2b: {  	s6 =	sld [smem:$0x3FB2]  }
0x2c: {  	s7 =	sld [smem:$0x3FB3]  }
0x2d: {  	s3 =	simm.s32 $0x108;
	s8 =	sld [smem:$0x3FB4]  }
0x2e: {  	s3 =	simm.s32 @!p0 $0x1082;
	s9 =	sld [smem:$0x3FB5]  }
0x2f: {  	lr =	sadd.s32 s0, s3;
	s0 =	sld [smem:$0x3FAC]  }
0x30: {  	s3 =	sld [smem:$0x3FAF]  }
0x31: {  	[smem:$0x3FB8] =	sst s10  }
0x32: {  	s10 =	sld [smem:$0x3FB6];
	_ =	sdelay $0x3  }
0x33: {  	p0 =	seq.s32 s10, $0x1;
	s10 =	sld [smem:$0x3FB8];
	_ =	sdelay $0x3  }
0x34: {  	[smem:$0x3FB8] =	sst s10  }
0x35: {  	s10 =	sld [smem:$0x3FB7];
	_ =	sdelay $0x3  }
0x36: {  	p1 =	seq.s32 s10, $0x1;
	s10 =	sld [smem:$0x3FB8];
	_ =	sdelay $0x3  }
0x37: {  	[smem:$0x3FB8] =	sst s10  }
0x38: {  	s10 =	sld [smem:$0x3FB9]  }
0x39: {  	_ = 	snop;
	(pc) =	sbr.ind lr, $3  }
0x3a: {  	_ = 	snop  }
0x3b: {  	_ = 	snop  }
0x3c: {  	p2 =	seq.s32 s10, $0x1;
	s10 =	sld [smem:$0x3FB8]  }
0x3d: {  	_ =	shalt  }
0x3e: {  	_ =	shalt  }
0x3f: {  	_ =	shalt  }
0x40: {  	_ =	shalt  }
0x41: {  	_ =	shalt  }
0x42: {  	_ =	shalt  }
0x43: {  	_ =	shalt  }
0x44: {  	_ =	shalt  }
0x45: {  	_ =	shalt  }
0x46: {  	_ =	shalt  }
0x47: {  	_ =	shalt  }
0x48: {  	_ =	shalt  }
0x49: {  	_ =	shalt  }
0x4a: {  	_ =	shalt  }
0x4b: {  	_ =	shalt  }
0x4c: {  	_ =	shalt  }
0x4d: {  	_ =	shalt  }
0x4e: {  	_ =	shalt  }
0x4f: {  	_ =	shalt  }
0x50: {  	_ =	shalt  }
0x51: {  	_ =	shalt  }
0x52: {  	_ =	shalt  }
0x53: {  	_ =	shalt  }
0x54: {  	_ =	shalt  }
0x55: {  	_ =	shalt  }
0x56: {  	_ =	shalt  }
0x57: {  	_ =	shalt  }
0x58: {  	_ =	shalt  }
0x59: {  	_ =	shalt  }
0x5a: {  	_ =	shalt  }
0x5b: {  	_ =	shalt  }
0x5c: {  	_ =	shalt  }
0x5d: {  	_ =	shalt  }
0x5e: {  	_ =	shalt  }
0x5f: {  	_ =	shalt  }
0x60: {  	_ =	shalt  }
0x61: {  	_ =	shalt  }
0x62: {  	_ =	shalt  }
0x63: {  	_ =	shalt  }
0x64: {  	_ =	shalt  }
0x65: {  	_ =	shalt  }
0x66: {  	_ =	shalt  }
0x67: {  	_ =	shalt  }
0x68: {  	_ =	shalt  }
0x69: {  	_ =	shalt  }
0x6a: {  	_ =	shalt  }
0x6b: {  	_ =	shalt  }
0x6c: {  	_ =	shalt  }
0x6d: {  	_ =	shalt  }
0x6e: {  	_ =	shalt  }
0x6f: {  	_ =	shalt  }
0x70: {  	_ =	shalt  }
0x71: {  	_ =	shalt  }
0x72: {  	_ =	shalt  }
0x73: {  	_ =	shalt  }
0x74: {  	_ =	shalt  }
0x75: {  	_ =	shalt  }
0x76: {  	_ =	shalt  }
0x77: {  	_ =	shalt  }
0x78: {  	_ =	shalt  }
0x79: {  	_ =	shalt  }
0x7a: {  	_ =	shalt  }
0x7b: {  	_ =	shalt  }
0x7c: {  	_ =	shalt  }
0x7d: {  	_ =	shalt  }
0x7e: {  	_ =	shalt  }
0x7f: {  	_ =	shalt  }
0x80: {  	_ =	shalt  }
0x81: {  	_ =	shalt  }
0x82: {  	_ =	shalt  }
0x83: {  	_ =	shalt  }
0x84: {  	_ =	shalt  }
0x85: {  	_ =	shalt  }
0x86: {  	_ =	shalt  }
0x87: {  	_ =	shalt  }
.Lfunc_end0:
.L_simem_size_0:
called_computation_lowered:
.L_overlay_start_0:
0x88: {  	s2 =	sld [smem:$0x3FD9]  }
0x89: {  	s3 =	sld [smem:$0x3FFE];
	_ =	sdelay $0x1  }
0x8a: {  	s1 =	srdreg.scid  }
0x8b: {  	s0 =	sand.u32 $0x1, s1  }
0x8c: {  	s17 =	sshll.u32 s0, $0xA;
	s2 =	sadd.s32 s3, s2  }
0x8d: {  	s2 =	sadd.s32 s2, s17  }
0x8e: {  	[smem:$0x3FC4] =	sst s2  }
0x8f: {  	_ = 	snop  }
0x90: {  	s2 =	sld [smem:$0x3FC7];
	(tm) =	ssettm $0x1  }
0x91: {  	s18 =	sld [smem:$0x3FFB];
	_ =	sdelay $0x3  }
0x92: {  	_ =	strace s18  }
0x93: {  	s3 =	sld [smem:$0x3FFC];
	_ =	sdelay $0x3  }
0x94: {  	_ =	strace s3  }
0x95: {  	s3 =	sld [smem:$0x3FFD];
	_ =	sdelay $0x3  }
0x96: {  	_ =	strace s3  }
0x97: {  	_ =	strace $0x8FFFFFFF  }
0x98: {  	s19 =	sld [smem:$0x3FDB];
	_ =	sdelay $0x1  }
0x99: {  	s4 =	simm.s32 $_scs_section_size  }
0x9a: {  	s5 =	simm.s32 $_size__tile_overlayer_lowered;
	s6 =	simm.s32 $_tile_overlayer_lowered  }
0x9b: {  	s22 =	simm.s32 $0x1BFF;
	s21 =	sshll.u32 s6, $0x1;
	s3 =	sadd.s32 s4, s19  }
0x9c: {  	s7 =	simm.s32 $0x0;
	s20 =	sshll.u32 s5, $0x1;
	s5 =	sadd.s32 s21, s3  }
0x9d: {  	[timem:s7], [sflag:s22] =	dma.local [hbm:s5], s20  }
0x9e: {  	_ =	swait.ge [sflag:s22], s20  }
0x9f: {  	s4 =	ssub.s32 $0x0, s20;
	[sflag:s22] =	ssyncset.done $0x0  }
0xa0: {  	[sflag:s22] =	ssyncadd.s32 s4;
	_ =	sdelay $0x1  }
0xa1: {  	s23 =	simm.s32 $0x1B8B  }
0xa2: {  	_ =	swait.ge [sflag:s23], $0x1  }
0xa3: {  	[sflag:s23] =	ssyncset.done $0x0  }
0xa4: {  	s25 =	simm.s32 $0x1B8E;
	s24 =	sld [smem:$0x3FFE];
	[sflag:s23] =	ssyncadd.s32 $0xFFFFFFFF  }
0xa5: {  	s26 =	simm.s32 $execute0_lowered;
	[smem:$0x3FD2] =	sst s25  }
0xa6: {  	s5 =	sshll.u32 s26, $0x1;
	_ =	strace $0x80000046;
	[dreg:$0x1] =	wrdreg $0xFFFFFFFF  }
0xa7: {  	s28 =	simm.s32 $_size_execute0_lowered;
	s3 =	sadd.s32 s3, s5;
	[dreg:$0x0] =	wrdreg $0x0  }
0xa8: {  	s5 =	sshll.u32 s28, $0x1;
	[dreg:$0x2] =	wrdreg s3  }
0xa9: {  	[dreg:$0x3] =	wrdreg s5  }
0xaa: {  	[dreg:$0x4] =	wrdreg $0xC0  }
0xab: {  	_ =	task [dreg:s7], $0x5FFFF  }
0xac: {  	[dreg:$0x1] =	wrdreg $0xFFFFFFFF  }
0xad: {  	[dreg:$0x0] =	wrdreg $0x60  }
0xae: {  	[dreg:$0x2] =	wrdreg s2  }
0xaf: {  	[dreg:$0x3] =	wrdreg s24  }
0xb0: {  	[dreg:$0x4] =	wrdreg $0x9  }
0xb1: {  	_ =	task.clear_ibuf [dreg:s7], $0x5FFFF;
	_ =	strace $0x90000046  }
0xb2: {  	s29 =	simm.s32 $0x9;
	_ =	strace $0x80000048  }
0xb3: {  	_ =	swait.ge [sflag:s29], $0x1  }
0xb4: {  	[sflag:s29] =	ssyncadd.s32 $0xFFFFFFFF  }
0xb5: {  	_ =	strace $0x90000048  }
0xb6: {  	_ =	sfence  }
0xb7: {  	s30 =	sld [smem:$0x0];
	_ =	sdelay $0x2  }
0xb8: {  	s31 =	sshll.u32 s1, $0xD;
	s1 =	sshrl.u32 s1, $0x2  }
0xb9: {  	s3 =	sand.u32 $0x4000, s31;
	s1 =	sadd.s32 s1, s30  }
0xba: {  	s0 =	sor.u32 s3, s0;
	s1 =	sshll.u32 s1, $0x11  }
0xbb: {  	s0 =	sor.u32 s1, s0  }
0xbc: {  	s0 =	sadd.s32 $0x8F2B, s0  }
0xbd: {  	[sflag:s0] =	ssyncadd.remote.s32 $0x1  }
0xbe: {  	_ =	sfence.sel $0xFFFF  }
0xbf: {  	[dreg:$0x0] =	wrdreg $0xFFFFFFFF;
	(pc) =	sbr.abs _section_cstart, $3  }
0xc0: {  	[dreg:$0x1] =	wrdreg $0xFFFFFFFF  }
0xc1: {  	_ =	task.clear_ibuf [dreg:s7], $0x2FFFF;
	_ =	strace $0x9FFFFFFF  }
0xc2: {  	(tm) =	ssettm $0x7FFFFFFF  }
0xc3: {  	_ =	shalt  }
tec
execute0_lowered:
.L_overlay_start_1:
0x0: {  	(tag) =	ssettag $0x1  }
0x1: {  	s1 =	srdreg.scid  }
0x2: {  	s2 =	rddreg [dreg:$0x0];
	s0 =	stileid.u32  }
0x3: {  	s11 =	rddreg [dreg:$0x1];
	s5 =	simm.s32 $0x2;
	s1 =	sshll.u32 s1, $0x7  }
0x4: {  	s9 =	simm.s32 $0x3;
	s3 =	sshll.u32 s0, $0x8;
	s4 =	sand.u32 $0x80, s1  }
0x5: {  	s13 =	simm.s32 $0x0;
	s15 =	simm.s32 $0x0;
	s3 =	sor.u32 s3, s4  }
0x6: {  	s14 =	simm.s32 $0x0;
	s1 =	rddreg [dreg:$0x2];
	s4 =	sshrl.u32 s3, $0x3  }
0x7: {  	_ =	strace $0x80000047;
	s6 =	ssub.s32 $0x1000, s3;
	s8 =	sadd.s32 s4, s11  }
0x8: {  	s4 =	simm.s32 $0x1;
	s7 =	sand.u32 $0xF80, s6;
	s10 =	sshrl.u32 s6, $0xC  }
.Ltmp0:
0x9: {  	s6 =	sadd.s32 $0x37600, s11;
	[sflag:s4] =	ssyncpa.u1 $0x0;
	(pc) =	sbr.rel .LBB2_1-.Ltmp0, $4  }
0xa: {  	p0 =	sne.s32 s7, $0x0;
	s7 =	simm.s32 $0x1;
	s8 =	sadd.s32 $0x37400, s8  }
0xb: {  	[sflag:s5] =	ssyncpa.u1 $0x0;
	s7 =	simm.s32 @!p0 $0x0;
	p0 =	por $0x0, $0x0  }
0xc: {  	[sflag:s9] =	ssyncpa.u1 $0x0;
	s7 =	sadd.s32 s7, s10;
	s9 =	sadd.s32 $0x38600, s11  }
0xd: {  	vm0 =	vmmov $0xffff;
	s10 =	sadd.s32 $0x39600, s11;
	s11 =	sadd.s32 $0x3A600, s11;
	s12 =	sadd.s32 $0x1, s7  }
.LBB2_4:
0xe: {  	_ =	sdelay $0x3  }
0xf: {  	[tilespmem:s19], [sflag:$0x1] =	stream.indirect_vreg.gather [hbm4b:s2+s13], $0x1, v0, vm0, $0x4038;
	[tilespmem:$0x2100] =	vst v63  }
0x10: {  	v0 =	vld.msk [tilespmem:s22+$0x0 ss:$0x1], $0xffff;
	_ =	sdelay $0x4  }
0x11: {  	vm1 =	vgt.s32 v0, $0x0  }
0x12: {  	v0 =	vnsel vm1, $0x0, v0  }
0x13: {  	v0 =	vmin.u32 v0, $0xF423F  }
0x14: {  	v1 =	vshll.u32 v0, $0x3  }
0x15: {  	v0 =	vand.u32 $0x7F, v0;
	v1 =	vand.u32 $0x7FFC00, v1  }
0x16: {  	v0 =	vor.u32 v0, v1;
	_ =	sdelay $0x2  }
0x17: {  	(ifvalue) =	ssetifvalue $0x7FFFFFFF;
	s18 =	rddreg [dreg:$0x4];
	v1 =	vor.u32 $0x80, v0  }
0x18: {  	s18 =	sadd.s32 s21, s18;
	(ifvalue) =	ssetifvalue $0x7FFFFFFF  }
0x19: {  	[tilespmem:s18], [sflag:$0x1] =	stream.indirect_vreg.gather [hbm4b:s2+s13], $0x1, v0, vm0, $0x4038;
	[tilespmem:$0x2100] =	vst v63  }
0x1a: {  	v2 =	vor.u32 $0x100, v0;
	(ifvalue) =	ssetifvalue $0x7FFFFFFF  }
0x1b: {  	s26 =	sadd.s32 $0x80, s18;
	(ifvalue) =	ssetifvalue $0x7FFFFFFF  }
0x1c: {  	[tilespmem:s26], [sflag:$0x1] =	stream.indirect_vreg.gather [hbm4b:s2+s13], $0x1, v1, vm0, $0x4038;
	[tilespmem:$0x2100] =	vst v63  }
0x1d: {  	v36 =	vor.u32 $0x180, v0;
	(ifvalue) =	ssetifvalue $0x7FFFFFFF  }
0x1e: {  	s28 =	sadd.s32 $0x100, s18;
	(ifvalue) =	ssetifvalue $0x7FFFFFFF  }
0x1f: {  	[tilespmem:s28], [sflag:$0x1] =	stream.indirect_vreg.gather [hbm4b:s2+s13], $0x1, v2, vm0, $0x4038;
	[tilespmem:$0x2100] =	vst v63  }
0x20: {  	v37 =	vor.u32 $0x200, v0;
	(ifvalue) =	ssetifvalue $0x7FFFFFFF  }
0x21: {  	s29 =	sadd.s32 $0x180, s18;
	(ifvalue) =	ssetifvalue $0x7FFFFFFF  }
0x22: {  	[tilespmem:s29], [sflag:$0x1] =	stream.indirect_vreg.gather [hbm4b:s2+s13], $0x1, v36, vm0, $0x4038;
	[tilespmem:$0x2100] =	vst v63  }
0x23: {  	v38 =	vor.u32 $0x280, v0;
	(ifvalue) =	ssetifvalue $0x7FFFFFFF  }
0x24: {  	s30 =	sadd.s32 $0x200, s18;
	(ifvalue) =	ssetifvalue $0x7FFFFFFF  }
0x25: {  	[tilespmem:s30], [sflag:$0x1] =	stream.indirect_vreg.gather [hbm4b:s2+s13], $0x1, v37, vm0, $0x4038;
	[tilespmem:$0x2100] =	vst v63  }
0x26: {  	v39 =	vor.u32 $0x300, v0;
	(ifvalue) =	ssetifvalue $0x7FFFFFFF  }
0x27: {  	s31 =	sadd.s32 $0x280, s18;
	(ifvalue) =	ssetifvalue $0x7FFFFFFF  }
0x28: {  	[tilespmem:s31], [sflag:$0x1] =	stream.indirect_vreg.gather [hbm4b:s2+s13], $0x1, v38, vm0, $0x4038;
	[tilespmem:$0x2100] =	vst v63  }
0x29: {  	v40 =	vor.u32 $0x380, v0;
	(ifvalue) =	ssetifvalue $0x7FFFFFFF  }
0x2a: {  	s20 =	sadd.s32 $0x300, s18;
	(ifvalue) =	ssetifvalue $0x7FFFFFFF  }
0x2b: {  	[tilespmem:s20], [sflag:$0x1] =	stream.indirect_vreg.gather [hbm4b:s2+s13], $0x1, v39, vm0, $0x4038;
	[tilespmem:$0x2100] =	vst v63  }
0x2c: {  	v41 =	vadd.s32 $0x7A1400, v0;
	(ifvalue) =	ssetifvalue $0x7FFFFFFF  }
0x2d: {  	s21 =	sadd.s32 $0x380, s18;
	(ifvalue) =	ssetifvalue $0x7FFFFFFF  }
0x2e: {  	[tilespmem:s21], [sflag:$0x1] =	stream.indirect_vreg.gather [hbm4b:s2+s13], $0x1, v40, vm0, $0x4038;
	[tilespmem:$0x2100] =	vst v63  }
0x2f: {  	v42 =	vadd.s32 $0x7A1480, v0;
	(ifvalue) =	ssetifvalue $0x7FFFFFFF  }
0x30: {  	s22 =	sadd.s32 $0x400, s18;
	(ifvalue) =	ssetifvalue $0x7FFFFFFF  }
0x31: {  	[tilespmem:s22], [sflag:$0x1] =	stream.indirect_vreg.gather [hbm4b:s2+s13], $0x1, v41, vm0, $0x4038;
	[tilespmem:$0x2100] =	vst v63  }
0x32: {  	v43 =	vadd.s32 $0x7A1500, v0;
	(ifvalue) =	ssetifvalue $0x7FFFFFFF  }
0x33: {  	s23 =	sadd.s32 $0x480, s18;
	(ifvalue) =	ssetifvalue $0x7FFFFFFF  }
0x34: {  	[tilespmem:s23], [sflag:$0x1] =	stream.indirect_vreg.gather [hbm4b:s2+s13], $0x1, v42, vm0, $0x4038;
	[tilespmem:$0x2100] =	vst v63  }
0x35: {  	v44 =	vadd.s32 $0x7A1580, v0;
	(ifvalue) =	ssetifvalue $0x7FFFFFFF  }
0x36: {  	s24 =	sadd.s32 $0x500, s18;
	(ifvalue) =	ssetifvalue $0x7FFFFFFF  }
0x37: {  	[tilespmem:s24], [sflag:$0x1] =	stream.indirect_vreg.gather [hbm4b:s2+s13], $0x1, v43, vm0, $0x4038;
	[tilespmem:$0x2100] =	vst v63  }
0x38: {  	v45 =	vadd.s32 $0x7A1600, v0;
	(ifvalue) =	ssetifvalue $0x7FFFFFFF  }
0x39: {  	s25 =	sadd.s32 $0x580, s18;
	(ifvalue) =	ssetifvalue $0x7FFFFFFF  }
0x3a: {  	[tilespmem:s25], [sflag:$0x1] =	stream.indirect_vreg.gather [hbm4b:s2+s13], $0x1, v44, vm0, $0x4038;
	[tilespmem:$0x2100] =	vst v63  }
0x3b: {  	v46 =	vadd.s32 $0x7A1680, v0;
	(ifvalue) =	ssetifvalue $0x7FFFFFFF  }
0x3c: {  	s26 =	sadd.s32 $0x600, s18;
	(ifvalue) =	ssetifvalue $0x7FFFFFFF  }
0x3d: {  	[tilespmem:s26], [sflag:$0x1] =	stream.indirect_vreg.gather [hbm4b:s2+s13], $0x1, v45, vm0, $0x4038;
	[tilespmem:$0x2100] =	vst v63  }
0x3e: {  	v47 =	vadd.s32 $0x7A1700, v0;
	(ifvalue) =	ssetifvalue $0x7FFFFFFF  }
0x3f: {  	s28 =	sadd.s32 $0x680, s18;
	(ifvalue) =	ssetifvalue $0x7FFFFFFF  }
0x40: {  	[tilespmem:s28], [sflag:$0x1] =	stream.indirect_vreg.gather [hbm4b:s2+s13], $0x1, v46, vm0, $0x4038;
	[tilespmem:$0x2100] =	vst v63  }
0x41: {  	v48 =	vadd.s32 $0x7A1780, v0;
	(ifvalue) =	ssetifvalue $0x7FFFFFFF  }
0x42: {  	s29 =	sadd.s32 $0x700, s18;
	(ifvalue) =	ssetifvalue $0x7FFFFFFF  }
0x43: {  	[tilespmem:s29], [sflag:$0x1] =	stream.indirect_vreg.gather [hbm4b:s2+s13], $0x1, v47, vm0, $0x4038;
	[tilespmem:$0x2100] =	vst v63  }
0x44: {  	v49 =	vadd.s32 $0xF42800, v0;
	(ifvalue) =	ssetifvalue $0x7FFFFFFF  }
0x45: {  	s30 =	sadd.s32 $0x780, s18;
	(ifvalue) =	ssetifvalue $0x7FFFFFFF  }
0x46: {  	[tilespmem:s30], [sflag:$0x1] =	stream.indirect_vreg.gather [hbm4b:s2+s13], $0x1, v48, vm0, $0x4038;
	[tilespmem:$0x2100] =	vst v63  }
0x47: {  	v50 =	vadd.s32 $0xF42880, v0;
	(ifvalue) =	ssetifvalue $0x7FFFFFFF  }
0x48: {  	s31 =	sadd.s32 $0x800, s18;
	(ifvalue) =	ssetifvalue $0x7FFFFFFF  }
0x49: {  	[tilespmem:s31], [sflag:$0x1] =	stream.indirect_vreg.gather [hbm4b:s2+s13], $0x1, v49, vm0, $0x4038;
	[tilespmem:$0x2100] =	vst v63  }
0x4a: {  	v51 =	vadd.s32 $0xF42900, v0;
	(ifvalue) =	ssetifvalue $0x7FFFFFFF  }
0x4b: {  	s20 =	sadd.s32 $0x880, s18;
	(ifvalue) =	ssetifvalue $0x7FFFFFFF  }
0x4c: {  	[tilespmem:s20], [sflag:$0x1] =	stream.indirect_vreg.gather [hbm4b:s2+s13], $0x1, v50, vm0, $0x4038;
	[tilespmem:$0x2100] =	vst v63  }
0x4d: {  	v52 =	vadd.s32 $0xF42980, v0;
	(ifvalue) =	ssetifvalue $0x7FFFFFFF  }
0x4e: {  	s21 =	sadd.s32 $0x900, s18;
	(ifvalue) =	ssetifvalue $0x7FFFFFFF  }
0x4f: {  	[tilespmem:s21], [sflag:$0x1] =	stream.indirect_vreg.gather [hbm4b:s2+s13], $0x1, v51, vm0, $0x4038;
	[tilespmem:$0x2100] =	vst v63  }
0x50: {  	v53 =	vadd.s32 $0xF42A00, v0;
	(ifvalue) =	ssetifvalue $0x7FFFFFFF  }
0x51: {  	s22 =	sadd.s32 $0x980, s18;
	(ifvalue) =	ssetifvalue $0x7FFFFFFF  }
0x52: {  	[tilespmem:s22], [sflag:$0x1] =	stream.indirect_vreg.gather [hbm4b:s2+s13], $0x1, v52, vm0, $0x4038;
	[tilespmem:$0x2100] =	vst v63  }
0x53: {  	v54 =	vadd.s32 $0xF42A80, v0;
	(ifvalue) =	ssetifvalue $0x7FFFFFFF  }
0x54: {  	s23 =	sadd.s32 $0xA00, s18;
	(ifvalue) =	ssetifvalue $0x7FFFFFFF  }
0x55: {  	[tilespmem:s23], [sflag:$0x1] =	stream.indirect_vreg.gather [hbm4b:s2+s13], $0x1, v53, vm0, $0x4038;
	[tilespmem:$0x2100] =	vst v63  }
0x56: {  	v55 =	vadd.s32 $0xF42B00, v0;
	(ifvalue) =	ssetifvalue $0x7FFFFFFF  }
0x57: {  	s24 =	sadd.s32 $0xA80, s18;
	(ifvalue) =	ssetifvalue $0x7FFFFFFF  }
0x58: {  	[tilespmem:s24], [sflag:$0x1] =	stream.indirect_vreg.gather [hbm4b:s2+s13], $0x1, v54, vm0, $0x4038;
	[tilespmem:$0x2100] =	vst v63  }
0x59: {  	v56 =	vadd.s32 $0xF42B80, v0;
	(ifvalue) =	ssetifvalue $0x7FFFFFFF  }
0x5a: {  	s25 =	sadd.s32 $0xB00, s18;
	(ifvalue) =	ssetifvalue $0x7FFFFFFF  }
0x5b: {  	[tilespmem:s25], [sflag:$0x1] =	stream.indirect_vreg.gather [hbm4b:s2+s13], $0x1, v55, vm0, $0x4038;
	[tilespmem:$0x2100] =	vst v63  }
0x5c: {  	v57 =	vadd.s32 $0x16E3C00, v0;
	(ifvalue) =	ssetifvalue $0x7FFFFFFF  }
0x5d: {  	s26 =	sadd.s32 $0xB80, s18;
	(ifvalue) =	ssetifvalue $0x7FFFFFFF  }
0x5e: {  	[tilespmem:s26], [sflag:$0x1] =	stream.indirect_vreg.gather [hbm4b:s2+s13], $0x1, v56, vm0, $0x4038;
	[tilespmem:$0x2100] =	vst v63  }
0x5f: {  	v58 =	vadd.s32 $0x16E3C80, v0;
	(ifvalue) =	ssetifvalue $0x7FFFFFFF  }
0x60: {  	s28 =	sadd.s32 $0xC00, s18;
	(ifvalue) =	ssetifvalue $0x7FFFFFFF  }
0x61: {  	[tilespmem:s28], [sflag:$0x1] =	stream.indirect_vreg.gather [hbm4b:s2+s13], $0x1, v57, vm0, $0x4038;
	[tilespmem:$0x2100] =	vst v63  }
0x62: {  	v59 =	vadd.s32 $0x16E3D00, v0;
	(ifvalue) =	ssetifvalue $0x7FFFFFFF  }
0x63: {  	s29 =	sadd.s32 $0xC80, s18;
	(ifvalue) =	ssetifvalue $0x7FFFFFFF  }
0x64: {  	[tilespmem:s29], [sflag:$0x1] =	stream.indirect_vreg.gather [hbm4b:s2+s13], $0x1, v58, vm0, $0x4038;
	[tilespmem:$0x2100] =	vst v63  }
0x65: {  	v60 =	vadd.s32 $0x16E3D80, v0;
	(ifvalue) =	ssetifvalue $0x7FFFFFFF  }
0x66: {  	s30 =	sadd.s32 $0xD00, s18;
	(ifvalue) =	ssetifvalue $0x7FFFFFFF  }
0x67: {  	[tilespmem:s30], [sflag:$0x1] =	stream.indirect_vreg.gather [hbm4b:s2+s13], $0x1, v59, vm0, $0x4038;
	[tilespmem:$0x2100] =	vst v63  }
0x68: {  	v61 =	vadd.s32 $0x16E3E00, v0;
	(ifvalue) =	ssetifvalue $0x7FFFFFFF  }
0x69: {  	s31 =	sadd.s32 $0xD80, s18;
	(ifvalue) =	ssetifvalue $0x7FFFFFFF  }
0x6a: {  	[tilespmem:s31], [sflag:$0x1] =	stream.indirect_vreg.gather [hbm4b:s2+s13], $0x1, v60, vm0, $0x4038;
	[tilespmem:$0x2100] =	vst v63  }
0x6b: {  	v62 =	vadd.s32 $0x16E3E80, v0;
	(ifvalue) =	ssetifvalue $0x7FFFFFFF  }
0x6c: {  	s20 =	sadd.s32 $0xE00, s18;
	(ifvalue) =	ssetifvalue $0x7FFFFFFF  }
0x6d: {  	[tilespmem:s20], [sflag:$0x1] =	stream.indirect_vreg.gather [hbm4b:s2+s13], $0x1, v61, vm0, $0x4038;
	[tilespmem:$0x2100] =	vst v63  }
0x6e: {  	v63 =	vadd.s32 $0x16E3F00, v0;
	(ifvalue) =	ssetifvalue $0x7FFFFFFF  }
0x6f: {  	s21 =	sadd.s32 $0xE80, s18;
	(ifvalue) =	ssetifvalue $0x7FFFFFFF  }
0x70: {  	[tilespmem:s21], [sflag:$0x1] =	stream.indirect_vreg.gather [hbm4b:s2+s13], $0x1, v62, vm0, $0x4038;
	[tilespmem:$0x2100] =	vst v63  }
0x71: {  	v0 =	vadd.s32 $0x16E3F80, v0;
	(ifvalue) =	ssetifvalue $0x7FFFFFFF  }
0x72: {  	s22 =	sadd.s32 $0xF00, s18;
	(ifvalue) =	ssetifvalue $0x7FFFFFFF  }
0x73: {  	[tilespmem:s22], [sflag:$0x1] =	stream.indirect_vreg.gather [hbm4b:s2+s13], $0x1, v63, vm0, $0x4038;
	[tilespmem:$0x2100] =	vst v63  }
0x74: {  	(ifvalue) =	ssetifvalue $0x7FFFFFFF  }
0x75: {  	s18 =	sadd.s32 $0xF80, s18;
	s23 =	sshll.u32 s15, $0x3;
	(ifvalue) =	ssetifvalue $0x7FFFFFFF  }
0x76: {  	[tilespmem:s18], [sflag:$0x1] =	stream.indirect_vreg.gather [hbm4b:s2+s13], $0x1, v0, vm0, $0x4038;
	[tilespmem:$0x2100] =	vst v63  }
0x77: {  	s24 =	sand.u32 $0x78, s15;
	s18 =	sand.u32 $0x7FFFFC00, s23  }
0x78: {  	_ =	swait.ge [sflag:s4], $0x1000;
	s15 =	sor.u32 s24, s18  }
0x79: {  	[sflag:s4] =	ssyncset.done $0x0;
	s15 =	sshrl.u32 s15, $0x3  }
0x7a: {  	[sflag:s4] =	ssyncadd.s32 $0xFFFFF000;
	s25 =	sadd.s32 s6, s15  }
0x7b: {  	[hbm:s25] =	stream.linear.scatter [tilespmem:s17], [sflag:$0x3], $0x400, $0x38;
	[tilespmem:$0x2100] =	vst v63  }
0x7c: {  	s26 =	sadd.s32 $0x500, s16;
	s28 =	sadd.s32 s15, s9  }
0x7d: {  	[hbm:s28] =	stream.linear.scatter [tilespmem:s26], [sflag:$0x3], $0x400, $0x38;
	[tilespmem:$0x2100] =	vst v63  }
0x7e: {  	s29 =	sadd.s32 $0x900, s16;
	s30 =	sadd.s32 s15, s10  }
0x7f: {  	[hbm:s30] =	stream.linear.scatter [tilespmem:s29], [sflag:$0x3], $0x400, $0x38;
	[tilespmem:$0x2100] =	vst v63  }
0x80: {  	s31 =	sadd.s32 $0xD00, s16;
	s15 =	sadd.s32 s15, s11  }
0x81: {  	[hbm:s15] =	stream.linear.scatter [tilespmem:s31], [sflag:$0x3], $0x400, $0x38;
	[tilespmem:$0x2100] =	vst v63  }
.LBB2_5:
0x82: {  	p2 =	sne.s32 s14, s12  }
.Ltmp1:
0x83: {  	p1 =	slt.u32 s14, $0x2;
	(pc) =	sbr.rel @!p2 .LBB2_6-.Ltmp1, $4  }
0x84: {  	s15 =	simm.s32 @!p1 $0x3  }
0x85: {  	_ =	swait.ge @!p1 [sflag:s15], $0x1000  }
0x86: {  	s16 =	sadd.s32 $0x1, s14;
	p0 =	por !p0, !p0;
	[sflag:s15] =	ssyncset.done @!p1 $0x0  }
0x87: {  	s14 =	smov.u32 s16;
	[sflag:s15] =	ssyncadd.s32 @!p1 $0xFFFFF000;
	s15 =	smov.u32 s3  }
.LBB2_1:
0x88: {  	p1 =	sge.u32 s14, s7  }
0x89: {  	s16 =	sxor.u32 @!p1 $0xFFFFFFFF, s14  }
0x8a: {  	s16 =	sshll.u32 @!p1 s16, $0x7  }
0x8b: {  	s31 =	sadd.s32 $0xFFFFFFFF, s14;
	s17 =	simm.s32 @!p1 $0x0;
	s16 =	sand.u32 @!p1 $0x80, s16  }
0x8c: {  	[tilespmem:s16], [sflag:$0x2] =	stream.linear.gather @!p1 [hbm4b:s8+s17], $0x80, $0x38;
	[tilespmem:$0x2100] =	vst v63  }
0x8d: {  	p1 =	sge.u32 s31, s7  }
.Ltmp2:
0x8e: {  	_ = 	snop;
	(pc) =	sbr.rel @p1 .LBB2_5-.Ltmp2, $1  }
0x8f: {  	_ =	sdelay $0x3  }
0x90: {  	s16 =	simm.s32 $0x1  }
0x91: {  	s16 =	simm.s32 @!p0 $0x0  }
0x92: {  	s17 =	sshll.u32 s16, $0xC;
	s16 =	sshll.u32 s16, $0x7  }
0x93: {  	s17 =	sor.u32 $0x100, s17;
	[dreg:$0x3] =	wrdreg s16  }
0x94: {  	[dreg:$0x4] =	wrdreg s17  }
0x95: {  	_ =	swait.ge [sflag:s5], $0x80  }
0x96: {  	s26 =	rddreg [dreg:$0x3];
	[sflag:s5] =	ssyncset.done $0x0  }
0x97: {  	[sflag:s5] =	ssyncadd.s32 $0xFFFFFF80;
	s16 =	sadd.s32 $0x0, s26  }
0x98: {  	v0 =	vld.msk [tilespmem:s16+$0x0 ss:$0x1], $0xffff;
	_ =	sdelay $0x4  }
0x99: {  	vm1 =	vgt.s32 v0, $0x0  }
0x9a: {  	v0 =	vnsel vm1, $0x0, v0  }
0x9b: {  	v0 =	vmin.u32 v0, $0xF423F  }
0x9c: {  	v1 =	vshll.u32 v0, $0x3  }
0x9d: {  	v0 =	vand.u32 $0x7F, v0;
	v1 =	vand.u32 $0x7FFC00, v1  }
0x9e: {  	v0 =	vor.u32 v0, v1;
	_ =	sdelay $0x2  }
0x9f: {  	(ifvalue) =	ssetifvalue $0x7FFFFFFF;
	s28 =	rddreg [dreg:$0x4];
	v1 =	vor.u32 $0x80, v0  }
0xa0: {  	s19 =	sadd.s32 $0x0, s28;
	(ifvalue) =	ssetifvalue $0x7FFFFFFF  }
0xa1: {  	[tilespmem:s19], [sflag:$0x1] =	stream.indirect_vreg.gather [hbm4b:s2+s13], $0x1, v0, vm0, $0x4038;
	[tilespmem:$0x2100] =	vst v63  }
0xa2: {  	v2 =	vor.u32 $0x100, v0;
	(ifvalue) =	ssetifvalue $0x7FFFFFFF  }
0xa3: {  	s16 =	sadd.s32 $0x80, s19;
	(ifvalue) =	ssetifvalue $0x7FFFFFFF  }
0xa4: {  	[tilespmem:s16], [sflag:$0x1] =	stream.indirect_vreg.gather [hbm4b:s2+s13], $0x1, v1, vm0, $0x4038;
	[tilespmem:$0x2100] =	vst v63  }
0xa5: {  	v1 =	vor.u32 $0x180, v0;
	(ifvalue) =	ssetifvalue $0x7FFFFFFF  }
0xa6: {  	s29 =	sadd.s32 $0x100, s19;
	(ifvalue) =	ssetifvalue $0x7FFFFFFF  }
0xa7: {  	[tilespmem:s29], [sflag:$0x1] =	stream.indirect_vreg.gather [hbm4b:s2+s13], $0x1, v2, vm0, $0x4038;
	[tilespmem:$0x2100] =	vst v63  }
0xa8: {  	v2 =	vor.u32 $0x200, v0;
	(ifvalue) =	ssetifvalue $0x7FFFFFFF  }
0xa9: {  	s30 =	sadd.s32 $0x180, s19;
	(ifvalue) =	ssetifvalue $0x7FFFFFFF  }
0xaa: {  	[tilespmem:s30], [sflag:$0x1] =	stream.indirect_vreg.gather [hbm4b:s2+s13], $0x1, v1, vm0, $0x4038;
	[tilespmem:$0x2100] =	vst v63  }
0xab: {  	(ifvalue) =	ssetifvalue $0x7FFFFFFF;
	v1 =	vor.u32 $0x280, v0  }
0xac: {  	s31 =	sadd.s32 $0x200, s19;
	(ifvalue) =	ssetifvalue $0x7FFFFFFF  }
0xad: {  	[tilespmem:s31], [sflag:$0x1] =	stream.indirect_vreg.gather [hbm4b:s2+s13], $0x1, v2, vm0, $0x4038;
	[tilespmem:$0x2100] =	vst v63  }
0xae: {  	(ifvalue) =	ssetifvalue $0x7FFFFFFF;
	v2 =	vor.u32 $0x300, v0  }
0xaf: {  	s17 =	sadd.s32 $0x280, s19;
	(ifvalue) =	ssetifvalue $0x7FFFFFFF  }
0xb0: {  	[tilespmem:s17], [sflag:$0x1] =	stream.indirect_vreg.gather [hbm4b:s2+s13], $0x1, v1, vm0, $0x4038;
	[tilespmem:$0x2100] =	vst v63  }
0xb1: {  	(ifvalue) =	ssetifvalue $0x7FFFFFFF;
	v1 =	vor.u32 $0x380, v0  }
0xb2: {  	s18 =	sadd.s32 $0x300, s19;
	(ifvalue) =	ssetifvalue $0x7FFFFFFF  }
0xb3: {  	[tilespmem:s18], [sflag:$0x1] =	stream.indirect_vreg.gather [hbm4b:s2+s13], $0x1, v2, vm0, $0x4038;
	[tilespmem:$0x2100] =	vst v63  }
0xb4: {  	(ifvalue) =	ssetifvalue $0x7FFFFFFF;
	v2 =	vadd.s32 $0x7A1400, v0  }
0xb5: {  	s20 =	sadd.s32 $0x380, s19;
	(ifvalue) =	ssetifvalue $0x7FFFFFFF  }
0xb6: {  	[tilespmem:s20], [sflag:$0x1] =	stream.indirect_vreg.gather [hbm4b:s2+s13], $0x1, v1, vm0, $0x4038;
	[tilespmem:$0x2100] =	vst v63  }
0xb7: {  	(ifvalue) =	ssetifvalue $0x7FFFFFFF;
	v1 =	vadd.s32 $0x7A1480, v0  }
0xb8: {  	s21 =	sadd.s32 $0x400, s19;
	(ifvalue) =	ssetifvalue $0x7FFFFFFF  }
0xb9: {  	[tilespmem:s21], [sflag:$0x1] =	stream.indirect_vreg.gather [hbm4b:s2+s13], $0x1, v2, vm0, $0x4038;
	[tilespmem:$0x2100] =	vst v63  }
0xba: {  	(ifvalue) =	ssetifvalue $0x7FFFFFFF;
	v2 =	vadd.s32 $0x7A1500, v0  }
0xbb: {  	s22 =	sadd.s32 $0x480, s19;
	(ifvalue) =	ssetifvalue $0x7FFFFFFF  }
0xbc: {  	[tilespmem:s22], [sflag:$0x1] =	stream.indirect_vreg.gather [hbm4b:s2+s13], $0x1, v1, vm0, $0x4038;
	[tilespmem:$0x2100] =	vst v63  }
0xbd: {  	(ifvalue) =	ssetifvalue $0x7FFFFFFF;
	v1 =	vadd.s32 $0x7A1580, v0  }
0xbe: {  	s23 =	sadd.s32 $0x500, s19;
	(ifvalue) =	ssetifvalue $0x7FFFFFFF  }
0xbf: {  	[tilespmem:s23], [sflag:$0x1] =	stream.indirect_vreg.gather [hbm4b:s2+s13], $0x1, v2, vm0, $0x4038;
	[tilespmem:$0x2100] =	vst v63  }
0xc0: {  	(ifvalue) =	ssetifvalue $0x7FFFFFFF;
	v2 =	vadd.s32 $0x7A1600, v0  }
0xc1: {  	s24 =	sadd.s32 $0x580, s19;
	(ifvalue) =	ssetifvalue $0x7FFFFFFF  }
0xc2: {  	[tilespmem:s24], [sflag:$0x1] =	stream.indirect_vreg.gather [hbm4b:s2+s13], $0x1, v1, vm0, $0x4038;
	[tilespmem:$0x2100] =	vst v63  }
0xc3: {  	(ifvalue) =	ssetifvalue $0x7FFFFFFF;
	v1 =	vadd.s32 $0x7A1680, v0  }
0xc4: {  	s25 =	sadd.s32 $0x600, s19;
	(ifvalue) =	ssetifvalue $0x7FFFFFFF  }
0xc5: {  	[tilespmem:s25], [sflag:$0x1] =	stream.indirect_vreg.gather [hbm4b:s2+s13], $0x1, v2, vm0, $0x4038;
	[tilespmem:$0x2100] =	vst v63  }
0xc6: {  	(ifvalue) =	ssetifvalue $0x7FFFFFFF;
	v2 =	vadd.s32 $0x7A1700, v0  }
0xc7: {  	s26 =	sadd.s32 $0x680, s19;
	(ifvalue) =	ssetifvalue $0x7FFFFFFF  }
0xc8: {  	[tilespmem:s26], [sflag:$0x1] =	stream.indirect_vreg.gather [hbm4b:s2+s13], $0x1, v1, vm0, $0x4038;
	[tilespmem:$0x2100] =	vst v63  }
0xc9: {  	(ifvalue) =	ssetifvalue $0x7FFFFFFF;
	v1 =	vadd.s32 $0x7A1780, v0  }
0xca: {  	s28 =	sadd.s32 $0x700, s19;
	(ifvalue) =	ssetifvalue $0x7FFFFFFF  }
0xcb: {  	[tilespmem:s28], [sflag:$0x1] =	stream.indirect_vreg.gather [hbm4b:s2+s13], $0x1, v2, vm0, $0x4038;
	[tilespmem:$0x2100] =	vst v63  }
0xcc: {  	(ifvalue) =	ssetifvalue $0x7FFFFFFF;
	v2 =	vadd.s32 $0xF42800, v0  }
0xcd: {  	s29 =	sadd.s32 $0x780, s19;
	(ifvalue) =	ssetifvalue $0x7FFFFFFF  }
0xce: {  	[tilespmem:s29], [sflag:$0x1] =	stream.indirect_vreg.gather [hbm4b:s2+s13], $0x1, v1, vm0, $0x4038;
	[tilespmem:$0x2100] =	vst v63  }
0xcf: {  	(ifvalue) =	ssetifvalue $0x7FFFFFFF;
	v1 =	vadd.s32 $0xF42880, v0  }
0xd0: {  	s30 =	sadd.s32 $0x800, s19;
	(ifvalue) =	ssetifvalue $0x7FFFFFFF  }
0xd1: {  	[tilespmem:s30], [sflag:$0x1] =	stream.indirect_vreg.gather [hbm4b:s2+s13], $0x1, v2, vm0, $0x4038;
	[tilespmem:$0x2100] =	vst v63  }
0xd2: {  	(ifvalue) =	ssetifvalue $0x7FFFFFFF;
	v2 =	vadd.s32 $0xF42900, v0  }
0xd3: {  	s31 =	sadd.s32 $0x880, s19;
	(ifvalue) =	ssetifvalue $0x7FFFFFFF  }
0xd4: {  	[tilespmem:s31], [sflag:$0x1] =	stream.indirect_vreg.gather [hbm4b:s2+s13], $0x1, v1, vm0, $0x4038;
	[tilespmem:$0x2100] =	vst v63  }
0xd5: {  	(ifvalue) =	ssetifvalue $0x7FFFFFFF;
	v1 =	vadd.s32 $0xF42980, v0  }
0xd6: {  	s17 =	sadd.s32 $0x900, s19;
	(ifvalue) =	ssetifvalue $0x7FFFFFFF  }
0xd7: {  	[tilespmem:s17], [sflag:$0x1] =	stream.indirect_vreg.gather [hbm4b:s2+s13], $0x1, v2, vm0, $0x4038;
	[tilespmem:$0x2100] =	vst v63  }
0xd8: {  	(ifvalue) =	ssetifvalue $0x7FFFFFFF;
	v2 =	vadd.s32 $0xF42A00, v0  }
0xd9: {  	s18 =	sadd.s32 $0x980, s19;
	(ifvalue) =	ssetifvalue $0x7FFFFFFF  }
0xda: {  	[tilespmem:s18], [sflag:$0x1] =	stream.indirect_vreg.gather [hbm4b:s2+s13], $0x1, v1, vm0, $0x4038;
	[tilespmem:$0x2100] =	vst v63  }
0xdb: {  	(ifvalue) =	ssetifvalue $0x7FFFFFFF;
	v1 =	vadd.s32 $0xF42A80, v0  }
0xdc: {  	s20 =	sadd.s32 $0xA00, s19;
	(ifvalue) =	ssetifvalue $0x7FFFFFFF  }
0xdd: {  	[tilespmem:s20], [sflag:$0x1] =	stream.indirect_vreg.gather [hbm4b:s2+s13], $0x1, v2, vm0, $0x4038;
	[tilespmem:$0x2100] =	vst v63  }
0xde: {  	(ifvalue) =	ssetifvalue $0x7FFFFFFF;
	v2 =	vadd.s32 $0xF42B00, v0  }
0xdf: {  	s21 =	sadd.s32 $0xA80, s19;
	(ifvalue) =	ssetifvalue $0x7FFFFFFF  }
0xe0: {  	[tilespmem:s21], [sflag:$0x1] =	stream.indirect_vreg.gather [hbm4b:s2+s13], $0x1, v1, vm0, $0x4038;
	[tilespmem:$0x2100] =	vst v63  }
0xe1: {  	(ifvalue) =	ssetifvalue $0x7FFFFFFF;
	v1 =	vadd.s32 $0xF42B80, v0  }
0xe2: {  	s22 =	sadd.s32 $0xB00, s19;
	(ifvalue) =	ssetifvalue $0x7FFFFFFF  }
0xe3: {  	[tilespmem:s22], [sflag:$0x1] =	stream.indirect_vreg.gather [hbm4b:s2+s13], $0x1, v2, vm0, $0x4038;
	[tilespmem:$0x2100] =	vst v63  }
0xe4: {  	(ifvalue) =	ssetifvalue $0x7FFFFFFF;
	v2 =	vadd.s32 $0x16E3C00, v0  }
0xe5: {  	s23 =	sadd.s32 $0xB80, s19;
	(ifvalue) =	ssetifvalue $0x7FFFFFFF  }
0xe6: {  	[tilespmem:s23], [sflag:$0x1] =	stream.indirect_vreg.gather [hbm4b:s2+s13], $0x1, v1, vm0, $0x4038;
	[tilespmem:$0x2100] =	vst v63  }
0xe7: {  	(ifvalue) =	ssetifvalue $0x7FFFFFFF;
	v1 =	vadd.s32 $0x16E3C80, v0  }
0xe8: {  	s24 =	sadd.s32 $0xC00, s19;
	(ifvalue) =	ssetifvalue $0x7FFFFFFF  }
0xe9: {  	[tilespmem:s24], [sflag:$0x1] =	stream.indirect_vreg.gather [hbm4b:s2+s13], $0x1, v2, vm0, $0x4038;
	[tilespmem:$0x2100] =	vst v63  }
0xea: {  	(ifvalue) =	ssetifvalue $0x7FFFFFFF;
	v2 =	vadd.s32 $0x16E3D00, v0  }
0xeb: {  	s25 =	sadd.s32 $0xC80, s19;
	(ifvalue) =	ssetifvalue $0x7FFFFFFF  }
0xec: {  	[tilespmem:s25], [sflag:$0x1] =	stream.indirect_vreg.gather [hbm4b:s2+s13], $0x1, v1, vm0, $0x4038;
	[tilespmem:$0x2100] =	vst v63  }
0xed: {  	(ifvalue) =	ssetifvalue $0x7FFFFFFF;
	v1 =	vadd.s32 $0x16E3D80, v0  }
0xee: {  	s26 =	sadd.s32 $0xD00, s19;
	(ifvalue) =	ssetifvalue $0x7FFFFFFF  }
0xef: {  	[tilespmem:s26], [sflag:$0x1] =	stream.indirect_vreg.gather [hbm4b:s2+s13], $0x1, v2, vm0, $0x4038;
	[tilespmem:$0x2100] =	vst v63  }
0xf0: {  	(ifvalue) =	ssetifvalue $0x7FFFFFFF;
	v2 =	vadd.s32 $0x16E3E00, v0  }
0xf1: {  	s28 =	sadd.s32 $0xD80, s19;
	(ifvalue) =	ssetifvalue $0x7FFFFFFF  }
0xf2: {  	[tilespmem:s28], [sflag:$0x1] =	stream.indirect_vreg.gather [hbm4b:s2+s13], $0x1, v1, vm0, $0x4038;
	[tilespmem:$0x2100] =	vst v63  }
0xf3: {  	(ifvalue) =	ssetifvalue $0x7FFFFFFF;
	v1 =	vadd.s32 $0x16E3E80, v0  }
0xf4: {  	s29 =	sadd.s32 $0xE00, s19;
	(ifvalue) =	ssetifvalue $0x7FFFFFFF  }
0xf5: {  	[tilespmem:s29], [sflag:$0x1] =	stream.indirect_vreg.gather [hbm4b:s2+s13], $0x1, v2, vm0, $0x4038;
	[tilespmem:$0x2100] =	vst v63  }
0xf6: {  	s31 =	sshll.u32 s14, $0xC;
	(ifvalue) =	ssetifvalue $0x7FFFFFFF;
	v2 =	vadd.s32 $0x16E3F00, v0  }
0xf7: {  	s30 =	sadd.s32 $0xE80, s19;
	s16 =	sand.u32 $0x1000, s31;
	(ifvalue) =	ssetifvalue $0x7FFFFFFF  }
0xf8: {  	[tilespmem:s30], [sflag:$0x1] =	stream.indirect_vreg.gather [hbm4b:s2+s13], $0x1, v1, vm0, $0x4038;
	[tilespmem:$0x2100] =	vst v63  }
0xf9: {  	s17 =	sor.u32 $0x100, s16;
	v0 =	vadd.s32 $0x16E3F80, v0;
	(ifvalue) =	ssetifvalue $0x7FFFFFFF  }
0xfa: {  	s18 =	sadd.s32 $0xF00, s19;
	s20 =	rddreg [dreg:$0x3];
	(ifvalue) =	ssetifvalue $0x7FFFFFFF  }
0xfb: {  	[tilespmem:s18], [sflag:$0x1] =	stream.indirect_vreg.gather [hbm4b:s2+s13], $0x1, v2, vm0, $0x4038;
	[tilespmem:$0x2100] =	vst v63  }
0xfc: {  	s19 =	sadd.s32 $0xF80, s19;
	s21 =	simm.s32 $0x10;
	(ifvalue) =	ssetifvalue $0x7FFFFFFF  }
0xfd: {  	s22 =	sadd.s32 $0x10, s20;
	s18 =	simm.s32 $0x80;
	(ifvalue) =	ssetifvalue $0x7FFFFFFF  }
.LBB2_3:
0xfe: {  	[tilespmem:s19], [sflag:$0x1] =	stream.indirect_vreg.gather [hbm4b:s2+s13], $0x1, v0, vm0, $0x4038;
	[tilespmem:$0x2100] =	vst v63  }
0xff: {  	v0 =	vld.msk [tilespmem:s22+$0x0 ss:$0x1], $0xffff;
	_ =	sdelay $0x4  }
0x100: {  	vm1 =	vgt.s32 v0, $0x0  }
0x101: {  	v0 =	vnsel vm1, $0x0, v0  }
0x102: {  	v0 =	vmin.u32 v0, $0xF423F  }
0x103: {  	v1 =	vshll.u32 v0, $0x3  }
0x104: {  	v0 =	vand.u32 $0x7F, v0;
	v1 =	vand.u32 $0x7FFC00, v1  }
0x105: {  	v0 =	vor.u32 v0, v1;
	_ =	sdelay $0x2  }
0x106: {  	(ifvalue) =	ssetifvalue $0x7FFFFFFF;
	s20 =	rddreg [dreg:$0x4];
	v1 =	vor.u32 $0x80, v0  }
0x107: {  	s20 =	sadd.s32 s21, s20;
	(ifvalue) =	ssetifvalue $0x7FFFFFFF  }
0x108: {  	[tilespmem:s20], [sflag:$0x1] =	stream.indirect_vreg.gather [hbm4b:s2+s13], $0x1, v0, vm0, $0x4038;
	[tilespmem:$0x2100] =	vst v63  }
0x109: {  	v2 =	vor.u32 $0x100, v0;
	(ifvalue) =	ssetifvalue $0x7FFFFFFF  }
0x10a: {  	s21 =	sadd.s32 $0x80, s20;
	(ifvalue) =	ssetifvalue $0x7FFFFFFF  }
0x10b: {  	[tilespmem:s21], [sflag:$0x1] =	stream.indirect_vreg.gather [hbm4b:s2+s13], $0x1, v1, vm0, $0x4038;
	[tilespmem:$0x2100] =	vst v63  }
0x10c: {  	v1 =	vor.u32 $0x180, v0;
	(ifvalue) =	ssetifvalue $0x7FFFFFFF  }
0x10d: {  	s29 =	sadd.s32 $0x100, s20;
	(ifvalue) =	ssetifvalue $0x7FFFFFFF  }
0x10e: {  	[tilespmem:s29], [sflag:$0x1] =	stream.indirect_vreg.gather [hbm4b:s2+s13], $0x1, v2, vm0, $0x4038;
	[tilespmem:$0x2100] =	vst v63  }
0x10f: {  	v2 =	vor.u32 $0x200, v0;
	(ifvalue) =	ssetifvalue $0x7FFFFFFF  }
0x110: {  	s30 =	sadd.s32 $0x180, s20;
	(ifvalue) =	ssetifvalue $0x7FFFFFFF  }
0x111: {  	[tilespmem:s30], [sflag:$0x1] =	stream.indirect_vreg.gather [hbm4b:s2+s13], $0x1, v1, vm0, $0x4038;
	[tilespmem:$0x2100] =	vst v63  }
0x112: {  	(ifvalue) =	ssetifvalue $0x7FFFFFFF;
	v1 =	vor.u32 $0x280, v0  }
0x113: {  	s31 =	sadd.s32 $0x200, s20;
	(ifvalue) =	ssetifvalue $0x7FFFFFFF  }
0x114: {  	[tilespmem:s31], [sflag:$0x1] =	stream.indirect_vreg.gather [hbm4b:s2+s13], $0x1, v2, vm0, $0x4038;
	[tilespmem:$0x2100] =	vst v63  }
0x115: {  	(ifvalue) =	ssetifvalue $0x7FFFFFFF;
	v2 =	vor.u32 $0x300, v0  }
0x116: {  	s22 =	sadd.s32 $0x280, s20;
	(ifvalue) =	ssetifvalue $0x7FFFFFFF  }
0x117: {  	[tilespmem:s22], [sflag:$0x1] =	stream.indirect_vreg.gather [hbm4b:s2+s13], $0x1, v1, vm0, $0x4038;
	[tilespmem:$0x2100] =	vst v63  }
0x118: {  	(ifvalue) =	ssetifvalue $0x7FFFFFFF;
	v1 =	vor.u32 $0x380, v0  }
0x119: {  	s23 =	sadd.s32 $0x300, s20;
	(ifvalue) =	ssetifvalue $0x7FFFFFFF  }
0x11a: {  	[tilespmem:s23], [sflag:$0x1] =	stream.indirect_vreg.gather [hbm4b:s2+s13], $0x1, v2, vm0, $0x4038;
	[tilespmem:$0x2100] =	vst v63  }
0x11b: {  	(ifvalue) =	ssetifvalue $0x7FFFFFFF;
	v2 =	vadd.s32 $0x7A1400, v0  }
0x11c: {  	s24 =	sadd.s32 $0x380, s20;
	(ifvalue) =	ssetifvalue $0x7FFFFFFF  }
0x11d: {  	[tilespmem:s24], [sflag:$0x1] =	stream.indirect_vreg.gather [hbm4b:s2+s13], $0x1, v1, vm0, $0x4038;
	[tilespmem:$0x2100] =	vst v63  }
0x11e: {  	(ifvalue) =	ssetifvalue $0x7FFFFFFF;
	v1 =	vadd.s32 $0x7A1480, v0  }
0x11f: {  	s25 =	sadd.s32 $0x400, s20;
	(ifvalue) =	ssetifvalue $0x7FFFFFFF  }
0x120: {  	[tilespmem:s25], [sflag:$0x1] =	stream.indirect_vreg.gather [hbm4b:s2+s13], $0x1, v2, vm0, $0x4038;
	[tilespmem:$0x2100] =	vst v63  }
0x121: {  	(ifvalue) =	ssetifvalue $0x7FFFFFFF;
	v2 =	vadd.s32 $0x7A1500, v0  }
0x122: {  	s26 =	sadd.s32 $0x480, s20;
	(ifvalue) =	ssetifvalue $0x7FFFFFFF  }
0x123: {  	[tilespmem:s26], [sflag:$0x1] =	stream.indirect_vreg.gather [hbm4b:s2+s13], $0x1, v1, vm0, $0x4038;
	[tilespmem:$0x2100] =	vst v63  }
0x124: {  	(ifvalue) =	ssetifvalue $0x7FFFFFFF;
	v1 =	vadd.s32 $0x7A1580, v0  }
0x125: {  	s28 =	sadd.s32 $0x500, s20;
	(ifvalue) =	ssetifvalue $0x7FFFFFFF  }
0x126: {  	[tilespmem:s28], [sflag:$0x1] =	stream.indirect_vreg.gather [hbm4b:s2+s13], $0x1, v2, vm0, $0x4038;
	[tilespmem:$0x2100] =	vst v63  }
0x127: {  	(ifvalue) =	ssetifvalue $0x7FFFFFFF;
	v2 =	vadd.s32 $0x7A1600, v0  }
0x128: {  	s29 =	sadd.s32 $0x580, s20;
	(ifvalue) =	ssetifvalue $0x7FFFFFFF  }
0x129: {  	[tilespmem:s29], [sflag:$0x1] =	stream.indirect_vreg.gather [hbm4b:s2+s13], $0x1, v1, vm0, $0x4038;
	[tilespmem:$0x2100] =	vst v63  }
0x12a: {  	(ifvalue) =	ssetifvalue $0x7FFFFFFF;
	v1 =	vadd.s32 $0x7A1680, v0  }
0x12b: {  	s30 =	sadd.s32 $0x600, s20;
	(ifvalue) =	ssetifvalue $0x7FFFFFFF  }
0x12c: {  	[tilespmem:s30], [sflag:$0x1] =	stream.indirect_vreg.gather [hbm4b:s2+s13], $0x1, v2, vm0, $0x4038;
	[tilespmem:$0x2100] =	vst v63  }
0x12d: {  	(ifvalue) =	ssetifvalue $0x7FFFFFFF;
	v2 =	vadd.s32 $0x7A1700, v0  }
0x12e: {  	s31 =	sadd.s32 $0x680, s20;
	(ifvalue) =	ssetifvalue $0x7FFFFFFF  }
0x12f: {  	[tilespmem:s31], [sflag:$0x1] =	stream.indirect_vreg.gather [hbm4b:s2+s13], $0x1, v1, vm0, $0x4038;
	[tilespmem:$0x2100] =	vst v63  }
0x130: {  	(ifvalue) =	ssetifvalue $0x7FFFFFFF;
	v1 =	vadd.s32 $0x7A1780, v0  }
0x131: {  	s22 =	sadd.s32 $0x700, s20;
	(ifvalue) =	ssetifvalue $0x7FFFFFFF  }
0x132: {  	[tilespmem:s22], [sflag:$0x1] =	stream.indirect_vreg.gather [hbm4b:s2+s13], $0x1, v2, vm0, $0x4038;
	[tilespmem:$0x2100] =	vst v63  }
0x133: {  	(ifvalue) =	ssetifvalue $0x7FFFFFFF;
	v2 =	vadd.s32 $0xF42800, v0  }
0x134: {  	s23 =	sadd.s32 $0x780, s20;
	(ifvalue) =	ssetifvalue $0x7FFFFFFF  }
0x135: {  	[tilespmem:s23], [sflag:$0x1] =	stream.indirect_vreg.gather [hbm4b:s2+s13], $0x1, v1, vm0, $0x4038;
	[tilespmem:$0x2100] =	vst v63  }
0x136: {  	(ifvalue) =	ssetifvalue $0x7FFFFFFF;
	v1 =	vadd.s32 $0xF42880, v0  }
0x137: {  	s24 =	sadd.s32 $0x800, s20;
	(ifvalue) =	ssetifvalue $0x7FFFFFFF  }
0x138: {  	[tilespmem:s24], [sflag:$0x1] =	stream.indirect_vreg.gather [hbm4b:s2+s13], $0x1, v2, vm0, $0x4038;
	[tilespmem:$0x2100] =	vst v63  }
0x139: {  	(ifvalue) =	ssetifvalue $0x7FFFFFFF;
	v2 =	vadd.s32 $0xF42900, v0  }
0x13a: {  	s25 =	sadd.s32 $0x880, s20;
	(ifvalue) =	ssetifvalue $0x7FFFFFFF  }
0x13b: {  	[tilespmem:s25], [sflag:$0x1] =	stream.indirect_vreg.gather [hbm4b:s2+s13], $0x1, v1, vm0, $0x4038;
	[tilespmem:$0x2100] =	vst v63  }
0x13c: {  	(ifvalue) =	ssetifvalue $0x7FFFFFFF;
	v1 =	vadd.s32 $0xF42980, v0  }
0x13d: {  	s26 =	sadd.s32 $0x900, s20;
	(ifvalue) =	ssetifvalue $0x7FFFFFFF  }
0x13e: {  	[tilespmem:s26], [sflag:$0x1] =	stream.indirect_vreg.gather [hbm4b:s2+s13], $0x1, v2, vm0, $0x4038;
	[tilespmem:$0x2100] =	vst v63  }
0x13f: {  	(ifvalue) =	ssetifvalue $0x7FFFFFFF;
	v2 =	vadd.s32 $0xF42A00, v0  }
0x140: {  	s28 =	sadd.s32 $0x980, s20;
	(ifvalue) =	ssetifvalue $0x7FFFFFFF  }
0x141: {  	[tilespmem:s28], [sflag:$0x1] =	stream.indirect_vreg.gather [hbm4b:s2+s13], $0x1, v1, vm0, $0x4038;
	[tilespmem:$0x2100] =	vst v63  }
0x142: {  	(ifvalue) =	ssetifvalue $0x7FFFFFFF;
	v1 =	vadd.s32 $0xF42A80, v0  }
0x143: {  	s29 =	sadd.s32 $0xA00, s20;
	(ifvalue) =	ssetifvalue $0x7FFFFFFF  }
0x144: {  	[tilespmem:s29], [sflag:$0x1] =	stream.indirect_vreg.gather [hbm4b:s2+s13], $0x1, v2, vm0, $0x4038;
	[tilespmem:$0x2100] =	vst v63  }
0x145: {  	(ifvalue) =	ssetifvalue $0x7FFFFFFF;
	v2 =	vadd.s32 $0xF42B00, v0  }
0x146: {  	s30 =	sadd.s32 $0xA80, s20;
	(ifvalue) =	ssetifvalue $0x7FFFFFFF  }
0x147: {  	[tilespmem:s30], [sflag:$0x1] =	stream.indirect_vreg.gather [hbm4b:s2+s13], $0x1, v1, vm0, $0x4038;
	[tilespmem:$0x2100] =	vst v63  }
0x148: {  	(ifvalue) =	ssetifvalue $0x7FFFFFFF;
	v1 =	vadd.s32 $0xF42B80, v0  }
0x149: {  	s31 =	sadd.s32 $0xB00, s20;
	(ifvalue) =	ssetifvalue $0x7FFFFFFF  }
0x14a: {  	[tilespmem:s31], [sflag:$0x1] =	stream.indirect_vreg.gather [hbm4b:s2+s13], $0x1, v2, vm0, $0x4038;
	[tilespmem:$0x2100] =	vst v63  }
0x14b: {  	(ifvalue) =	ssetifvalue $0x7FFFFFFF;
	v2 =	vadd.s32 $0x16E3C00, v0  }
0x14c: {  	s22 =	sadd.s32 $0xB80, s20;
	(ifvalue) =	ssetifvalue $0x7FFFFFFF  }
0x14d: {  	[tilespmem:s22], [sflag:$0x1] =	stream.indirect_vreg.gather [hbm4b:s2+s13], $0x1, v1, vm0, $0x4038;
	[tilespmem:$0x2100] =	vst v63  }
0x14e: {  	(ifvalue) =	ssetifvalue $0x7FFFFFFF;
	v1 =	vadd.s32 $0x16E3C80, v0  }
0x14f: {  	s23 =	sadd.s32 $0xC00, s20;
	(ifvalue) =	ssetifvalue $0x7FFFFFFF  }
0x150: {  	[tilespmem:s23], [sflag:$0x1] =	stream.indirect_vreg.gather [hbm4b:s2+s13], $0x1, v2, vm0, $0x4038;
	[tilespmem:$0x2100] =	vst v63  }
0x151: {  	(ifvalue) =	ssetifvalue $0x7FFFFFFF;
	v2 =	vadd.s32 $0x16E3D00, v0  }
0x152: {  	s24 =	sadd.s32 $0xC80, s20;
	(ifvalue) =	ssetifvalue $0x7FFFFFFF  }
0x153: {  	[tilespmem:s24], [sflag:$0x1] =	stream.indirect_vreg.gather [hbm4b:s2+s13], $0x1, v1, vm0, $0x4038;
	[tilespmem:$0x2100] =	vst v63  }
0x154: {  	(ifvalue) =	ssetifvalue $0x7FFFFFFF;
	v1 =	vadd.s32 $0x16E3D80, v0  }
0x155: {  	s25 =	sadd.s32 $0xD00, s20;
	(ifvalue) =	ssetifvalue $0x7FFFFFFF  }
0x156: {  	[tilespmem:s25], [sflag:$0x1] =	stream.indirect_vreg.gather [hbm4b:s2+s13], $0x1, v2, vm0, $0x4038;
	[tilespmem:$0x2100] =	vst v63  }
0x157: {  	(ifvalue) =	ssetifvalue $0x7FFFFFFF;
	v2 =	vadd.s32 $0x16E3E00, v0  }
0x158: {  	s26 =	sadd.s32 $0xD80, s20;
	(ifvalue) =	ssetifvalue $0x7FFFFFFF  }
0x159: {  	[tilespmem:s26], [sflag:$0x1] =	stream.indirect_vreg.gather [hbm4b:s2+s13], $0x1, v1, vm0, $0x4038;
	[tilespmem:$0x2100] =	vst v63  }
0x15a: {  	(ifvalue) =	ssetifvalue $0x7FFFFFFF;
	v1 =	vadd.s32 $0x16E3E80, v0  }
0x15b: {  	s28 =	sadd.s32 $0xE00, s20;
	(ifvalue) =	ssetifvalue $0x7FFFFFFF  }
0x15c: {  	[tilespmem:s28], [sflag:$0x1] =	stream.indirect_vreg.gather [hbm4b:s2+s13], $0x1, v2, vm0, $0x4038;
	[tilespmem:$0x2100] =	vst v63  }
0x15d: {  	(ifvalue) =	ssetifvalue $0x7FFFFFFF;
	v2 =	vadd.s32 $0x16E3F00, v0  }
0x15e: {  	p1 =	sne.s32 s18, $0x1C0;
	s29 =	sadd.s32 $0xE80, s20;
	(ifvalue) =	ssetifvalue $0x7FFFFFFF  }
0x15f: {  	[tilespmem:s29], [sflag:$0x1] =	stream.indirect_vreg.gather [hbm4b:s2+s13], $0x1, v1, vm0, $0x4038;
	[tilespmem:$0x2100] =	vst v63  }
.Ltmp3:
0x160: {  	s19 =	smov.u32 s18;
	(ifvalue) =	ssetifvalue $0x7FFFFFFF;
	(pc) =	sbr.rel @p1 .LBB2_3-.Ltmp3, $4  }
0x161: {  	s31 =	sadd.s32 $0xF00, s20;
	s30 =	rddreg [dreg:$0x3];
	(ifvalue) =	ssetifvalue $0x7FFFFFFF  }
0x162: {  	[tilespmem:s31], [sflag:$0x1] =	stream.indirect_vreg.gather [hbm4b:s2+s13], $0x1, v2, vm0, $0x4038;
	[tilespmem:$0x2100] =	vst v63  }
0x163: {  	s18 =	sadd.s32 $0x40, s18;
	s21 =	sshra.s32 s19, $0x2;
	(ifvalue) =	ssetifvalue $0x7FFFFFFF  }
0x164: {  	s19 =	sadd.s32 $0xF80, s20;
	v0 =	vadd.s32 $0x16E3F80, v0;
	s22 =	sadd.s32 s21, s30;
	(ifvalue) =	ssetifvalue $0x7FFFFFFF  }
.Ltmp4:
0x165: {  	_ = 	snop;
	(pc) =	sbr.rel .LBB2_4-.Ltmp4, $1  }
0x166: {  	_ =	sdelay $0x3  }
.LBB2_6:
0x167: {  	_ =	sfence.sel $0x180000  }
0x168: {  	s2 =	simm.s32 $0x2;
	[bflag:$0x0] =	sbarrier.arrive $0xFFFF  }
0x169: {  	s30 =	simm.s32 $0x3;
	[sflag:s2] =	ssyncpa.u1 $0x1  }
0x16a: {  	s31 =	simm.s32 $0x1;
	[sflag:s30] =	ssyncpa.u1 $0x1  }
0x16b: {  	[sflag:s31] =	ssyncpa.u1 $0x1  }
0x16c: {  	p0 =	sne.s32 s0, $0x0;
	_ =	strace $0x90000047  }
0x16d: {  	s0 =	sadd.s32 @!p0 $0x100000, s1;
	[bflag:$0x2] =	sbarrier.arrive $0xFFFF  }
0x16e: {  	[sflag:s0] =	ssyncadd.tile.s32 @!p0 $0x1;
	_ =	shalt  }
.Lfunc_end2:
_tile_overlayer_lowered:
.L_overlay_start_2:
0x16f: {  	(tag) =	ssettag $0x2  }
0x170: {  	s0 =	rddreg [dreg:$0x0];
	s2 =	stileid.u32  }
0x171: {  	s1 =	rddreg [dreg:$0x1];
	p0 =	sne.s32 s2, $0x0  }
0x172: {  	s3 =	rddreg [dreg:$0x2];
	[bflag:$0x3] =	sbarrier.arrive $0xFFFF;
	s2 =	simm.s32 @!p0 $0x1C01  }
0x173: {  	[timem:s3], [sflag:s2] =	dma.local @!p0 [hbm:s0], s1  }
0x174: {  	s0 =	simm.s32 @!p0 $0x1  }
0x175: {  	_ =	swait.ge @!p0 [sflag:s0], s1  }
0x176: {  	s1 =	ssub.s32 @!p0 $0x0, s1;
	[sflag:s0] =	ssyncset.done @!p0 $0x0  }
0x177: {  	[sflag:s0] =	ssyncadd.s32 @!p0 s1  }
0x178: {  	[bflag:$0x3] =	sbarrier.arrive $0xFFFF  }
0x179: {  	_ =	shalt  }

// kernel: kernel.4.cloned.1.call-start
scs
__scs_entry_jumppad:
0x0: {  	(pc) =	sbr.rel $0x88, $3  }
0x1: {  	(tag) =	ssettag $0x0;
	lr =	simm.s32 $0x1  }
0x2: {  	[smem:$0x3F9D] =	sst lr;
	_ =	strace $0xD0000000  }
0x3: {  	_ = 	snop  }
0x4: {  	_ = 	snop  }
0x5: {  	_ = 	snop  }
0x6: {  	_ = 	snop  }
0x7: {  	_ = 	snop  }
__scs_overlays_trampoline_lowered:
0x8: {  	[smem:$0x3FAC] =	sst s0  }
0x9: {  	[smem:$0x3FAD] =	sst s1  }
0xa: {  	[smem:$0x3FAE] =	sst s2  }
0xb: {  	[smem:$0x3FAF] =	sst s3  }
0xc: {  	[smem:$0x3FB0] =	sst s4  }
0xd: {  	[smem:$0x3FB1] =	sst s5  }
0xe: {  	[smem:$0x3FB2] =	sst s6  }
0xf: {  	[smem:$0x3FB3] =	sst s7  }
0x10: {  	[smem:$0x3FB4] =	sst s8  }
0x11: {  	[smem:$0x3FB5] =	sst s9;
	s0 =	simm.s32 @!p0 $0x0  }
0x12: {  	s1 =	sld [smem:$0x3F9B];
	s0 =	simm.s32 @p0 $0x1  }
0x13: {  	[smem:$0x3FB6] =	sst s0;
	s0 =	simm.s32 @!p1 $0x0  }
0x14: {  	s2 =	sld [smem:$0x3F9A];
	s0 =	simm.s32 @p1 $0x1  }
0x15: {  	[smem:$0x3FB7] =	sst s0;
	s0 =	simm.s32 @!p2 $0x0  }
0x16: {  	s3 =	sld [smem:$0x3FDB];
	s0 =	simm.s32 @p2 $0x1  }
0x17: {  	s4 =	simm.s32 $0x1BF5;
	[smem:$0x3FB9] =	sst s0  }
0x18: {  	s0 =	sld [smem:$0x3F9C];
	_ =	swait.ge [sflag:s4], $0x0  }
0x19: {  	s7 =	sld [smem:$0x3F9D]  }
0x1a: {  	s8 =	sadd.s32 $0xFFFFE003, lr  }
0x1b: {  	s9 =	sadd.s32 $0xFFFFFEF7, lr;
	s5 =	simm.s32 $0xFFFFFFFF;
	p2 =	slt.u32 s8, $0xFFFFF086  }
0x1c: {  	p1 =	slt.u32 s9, $0xF7A;
	s5 =	simm.s32 @!p2 $0x0  }
0x1d: {  	s5 =	simm.s32 @p1 $0x1;
	p0 =	seq.s32 s7, s2  }
0x1e: {  	s7 =	smul.u32 @!p0 $0xF7A, s2;
	p2 =	seq.s32 @!p0 s5, $0x0  }
0x1f: {  	s9 =	smul.u32 $0xF7A, s1;
	s8 =	simm.s32 @!p0 $0x1BF5;
	p2 =	por !p2, p0  }
0x20: {  	[sflag:s8] =	ssyncset.s32 @!p0 $0xFFFFF086;
	s6 =	sadd.s32 @!p0 s3, s7;
	s7 =	simm.s32 @!p0 $0x108  }
0x21: {  	s3 =	sadd.s32 s3, s9;
	s6 =	sadd.s32 @!p0 $0x88, s6;
	s7 =	simm.s32 @p2 $0x1082  }
0x22: {  	[simem:s7], [sflag:s8] =	dma.local @!p0 [hbm:s6], $0xF7A  }
0x23: {  	s9 =	sor.u32 $0xD0000000, s2;
	s6 =	simm.s32 $0x108;
	_ =	swait.ge @!p0 [sflag:s8], $0x0  }
0x24: {  	s3 =	sadd.s32 $0x88, s3;
	s6 =	simm.s32 @!p1 $0x1082;
	[sflag:s4] =	ssyncset.s32 $0xFFFFF086  }
0x25: {  	[simem:s6], [sflag:s4] =	dma.local [hbm:s3], $0xF7A  }
0x26: {  	[smem:$0x3F9D] =	sst s1;
	(tag) =	ssettag s2;
	_ =	strace s9  }
0x27: {  	s1 =	sld [smem:$0x3FAD]  }
0x28: {  	s2 =	sld [smem:$0x3FAE]  }
0x29: {  	s4 =	sld [smem:$0x3FB0]  }
0x2a: {  	p0 =	seq.s32 s5, $0x0;
	s5 =	sld [smem:$0x3FB1]  }
0x2b: {  	s6 =	sld [smem:$0x3FB2]  }
0x2c: {  	s7 =	sld [smem:$0x3FB3]  }
0x2d: {  	s3 =	simm.s32 $0x108;
	s8 =	sld [smem:$0x3FB4]  }
0x2e: {  	s3 =	simm.s32 @!p0 $0x1082;
	s9 =	sld [smem:$0x3FB5]  }
0x2f: {  	lr =	sadd.s32 s0, s3;
	s0 =	sld [smem:$0x3FAC]  }
0x30: {  	s3 =	sld [smem:$0x3FAF]  }
0x31: {  	[smem:$0x3FB8] =	sst s10  }
0x32: {  	s10 =	sld [smem:$0x3FB6];
	_ =	sdelay $0x3  }
0x33: {  	p0 =	seq.s32 s10, $0x1;
	s10 =	sld [smem:$0x3FB8];
	_ =	sdelay $0x3  }
0x34: {  	[smem:$0x3FB8] =	sst s10  }
0x35: {  	s10 =	sld [smem:$0x3FB7];
	_ =	sdelay $0x3  }
0x36: {  	p1 =	seq.s32 s10, $0x1;
	s10 =	sld [smem:$0x3FB8];
	_ =	sdelay $0x3  }
0x37: {  	[smem:$0x3FB8] =	sst s10  }
0x38: {  	s10 =	sld [smem:$0x3FB9]  }
0x39: {  	_ = 	snop;
	(pc) =	sbr.ind lr, $3  }
0x3a: {  	_ = 	snop  }
0x3b: {  	_ = 	snop  }
0x3c: {  	p2 =	seq.s32 s10, $0x1;
	s10 =	sld [smem:$0x3FB8]  }
0x3d: {  	_ =	shalt  }
0x3e: {  	_ =	shalt  }
0x3f: {  	_ =	shalt  }
0x40: {  	_ =	shalt  }
0x41: {  	_ =	shalt  }
0x42: {  	_ =	shalt  }
0x43: {  	_ =	shalt  }
0x44: {  	_ =	shalt  }
0x45: {  	_ =	shalt  }
0x46: {  	_ =	shalt  }
0x47: {  	_ =	shalt  }
0x48: {  	_ =	shalt  }
0x49: {  	_ =	shalt  }
0x4a: {  	_ =	shalt  }
0x4b: {  	_ =	shalt  }
0x4c: {  	_ =	shalt  }
0x4d: {  	_ =	shalt  }
0x4e: {  	_ =	shalt  }
0x4f: {  	_ =	shalt  }
0x50: {  	_ =	shalt  }
0x51: {  	_ =	shalt  }
0x52: {  	_ =	shalt  }
0x53: {  	_ =	shalt  }
0x54: {  	_ =	shalt  }
0x55: {  	_ =	shalt  }
0x56: {  	_ =	shalt  }
0x57: {  	_ =	shalt  }
0x58: {  	_ =	shalt  }
0x59: {  	_ =	shalt  }
0x5a: {  	_ =	shalt  }
0x5b: {  	_ =	shalt  }
0x5c: {  	_ =	shalt  }
0x5d: {  	_ =	shalt  }
0x5e: {  	_ =	shalt  }
0x5f: {  	_ =	shalt  }
0x60: {  	_ =	shalt  }
0x61: {  	_ =	shalt  }
0x62: {  	_ =	shalt  }
0x63: {  	_ =	shalt  }
0x64: {  	_ =	shalt  }
0x65: {  	_ =	shalt  }
0x66: {  	_ =	shalt  }
0x67: {  	_ =	shalt  }
0x68: {  	_ =	shalt  }
0x69: {  	_ =	shalt  }
0x6a: {  	_ =	shalt  }
0x6b: {  	_ =	shalt  }
0x6c: {  	_ =	shalt  }
0x6d: {  	_ =	shalt  }
0x6e: {  	_ =	shalt  }
0x6f: {  	_ =	shalt  }
0x70: {  	_ =	shalt  }
0x71: {  	_ =	shalt  }
0x72: {  	_ =	shalt  }
0x73: {  	_ =	shalt  }
0x74: {  	_ =	shalt  }
0x75: {  	_ =	shalt  }
0x76: {  	_ =	shalt  }
0x77: {  	_ =	shalt  }
0x78: {  	_ =	shalt  }
0x79: {  	_ =	shalt  }
0x7a: {  	_ =	shalt  }
0x7b: {  	_ =	shalt  }
0x7c: {  	_ =	shalt  }
0x7d: {  	_ =	shalt  }
0x7e: {  	_ =	shalt  }
0x7f: {  	_ =	shalt  }
0x80: {  	_ =	shalt  }
0x81: {  	_ =	shalt  }
0x82: {  	_ =	shalt  }
0x83: {  	_ =	shalt  }
0x84: {  	_ =	shalt  }
0x85: {  	_ =	shalt  }
0x86: {  	_ =	shalt  }
0x87: {  	_ =	shalt  }
.Lfunc_end0:
.L_simem_size_0:
called_computation.1_lowered:
.L_overlay_start_0:
0x88: {  	s2 =	sld [smem:$0x3FD9]  }
0x89: {  	s3 =	sld [smem:$0x3FFE];
	_ =	sdelay $0x1  }
0x8a: {  	s1 =	srdreg.scid  }
0x8b: {  	s0 =	sand.u32 $0x1, s1  }
0x8c: {  	s16 =	sshll.u32 s0, $0xA;
	s2 =	sadd.s32 s3, s2  }
0x8d: {  	s2 =	sadd.s32 s2, s16  }
0x8e: {  	[smem:$0x3FC4] =	sst s2  }
0x8f: {  	_ = 	snop  }
0x90: {  	(tm) =	ssettm $0x1  }
0x91: {  	s17 =	sld [smem:$0x3FFB];
	_ =	sdelay $0x3  }
0x92: {  	_ =	strace s17  }
0x93: {  	s2 =	sld [smem:$0x3FFC];
	_ =	sdelay $0x3  }
0x94: {  	_ =	strace s2  }
0x95: {  	s2 =	sld [smem:$0x3FFD];
	_ =	sdelay $0x3  }
0x96: {  	_ =	strace s2  }
0x97: {  	_ =	strace $0x8FFFFFFF  }
0x98: {  	s18 =	sld [smem:$0x3FDB];
	_ =	sdelay $0x1  }
0x99: {  	s19 =	simm.s32 $_scs_section_size  }
0x9a: {  	s4 =	simm.s32 $_size__tile_overlayer_lowered;
	s5 =	simm.s32 $_tile_overlayer_lowered  }
0x9b: {  	s22 =	simm.s32 $0x1BFF;
	s21 =	sshll.u32 s5, $0x1;
	s2 =	sadd.s32 s19, s18  }
0x9c: {  	s6 =	simm.s32 $0x0;
	s20 =	sshll.u32 s4, $0x1;
	s4 =	sadd.s32 s21, s2  }
0x9d: {  	[timem:s6], [sflag:s22] =	dma.local [hbm:s4], s20  }
0x9e: {  	_ =	swait.ge [sflag:s22], s20  }
0x9f: {  	s3 =	ssub.s32 $0x0, s20;
	[sflag:s22] =	ssyncset.done $0x0  }
0xa0: {  	[sflag:s22] =	ssyncadd.s32 s3;
	_ =	sdelay $0x1  }
0xa1: {  	s23 =	simm.s32 $0x1B8B  }
0xa2: {  	_ =	swait.ge [sflag:s23], $0x1  }
0xa3: {  	[sflag:s23] =	ssyncset.done $0x0  }
0xa4: {  	s25 =	simm.s32 $0x1B8E;
	s24 =	sld [smem:$0x3FFE];
	[sflag:s23] =	ssyncadd.s32 $0xFFFFFFFF  }
0xa5: {  	s26 =	simm.s32 $execute0_lowered;
	[smem:$0x3FD2] =	sst s25  }
0xa6: {  	s4 =	sshll.u32 s26, $0x1;
	_ =	strace $0x80000049;
	[dreg:$0x1] =	wrdreg $0xFFFFFFFF  }
0xa7: {  	s28 =	simm.s32 $_size_execute0_lowered;
	s2 =	sadd.s32 s2, s4;
	[dreg:$0x0] =	wrdreg $0x0  }
0xa8: {  	s4 =	sshll.u32 s28, $0x1;
	[dreg:$0x2] =	wrdreg s2  }
0xa9: {  	[dreg:$0x3] =	wrdreg s4  }
0xaa: {  	[dreg:$0x4] =	wrdreg $0xC0  }
0xab: {  	_ =	task [dreg:s6], $0x5FFFF  }
0xac: {  	[dreg:$0x1] =	wrdreg $0xFFFFFFFF  }
0xad: {  	[dreg:$0x0] =	wrdreg $0x60  }
0xae: {  	[dreg:$0x2] =	wrdreg s24  }
0xaf: {  	[dreg:$0x3] =	wrdreg $0x9  }
0xb0: {  	_ =	task.clear_ibuf [dreg:s6], $0x4FFFF;
	_ =	strace $0x90000049  }
0xb1: {  	s29 =	simm.s32 $0x9;
	_ =	strace $0x8000004B  }
0xb2: {  	_ =	swait.ge [sflag:s29], $0x1  }
0xb3: {  	[sflag:s29] =	ssyncadd.s32 $0xFFFFFFFF  }
0xb4: {  	_ =	strace $0x9000004B  }
0xb5: {  	_ =	sfence  }
0xb6: {  	s30 =	sld [smem:$0x0];
	_ =	sdelay $0x2  }
0xb7: {  	s31 =	sshll.u32 s1, $0xD;
	s1 =	sshrl.u32 s1, $0x2  }
0xb8: {  	s3 =	sand.u32 $0x4000, s31;
	s1 =	sadd.s32 s1, s30  }
0xb9: {  	s0 =	sor.u32 s3, s0;
	s1 =	sshll.u32 s1, $0x11  }
0xba: {  	s0 =	sor.u32 s1, s0  }
0xbb: {  	s0 =	sadd.s32 $0x8F2B, s0  }
0xbc: {  	[sflag:s0] =	ssyncadd.remote.s32 $0x1  }
0xbd: {  	_ =	sfence.sel $0xFFFF  }
0xbe: {  	[dreg:$0x0] =	wrdreg $0xFFFFFFFF;
	(pc) =	sbr.abs _section_cstart, $3  }
0xbf: {  	[dreg:$0x1] =	wrdreg $0xFFFFFFFF  }
0xc0: {  	_ =	task.clear_ibuf [dreg:s6], $0x2FFFF;
	_ =	strace $0x9FFFFFFF  }
0xc1: {  	(tm) =	ssettm $0x7FFFFFFF  }
tec
execute0_lowered:
.L_overlay_start_1:
0x0: {  	(tag) =	ssettag $0x1  }
0x1: {  	s0 =	srdreg.scid  }
0x2: {  	s2 =	stileid.u32;
	s1 =	rddreg [dreg:$0x0]  }
0x3: {  	s9 =	simm.s32 $0x9;
	s10 =	simm.s32 $0x1000;
	s11 =	simm.s32 $0x80  }
0x4: {  	s17 =	simm.s32 $0x24;
	s24 =	simm.s32 $0x1;
	s25 =	simm.s32 $0x1C000  }
0x5: {  	s26 =	simm.s32 $0x2;
	s28 =	simm.s32 $0x1C1B0;
	s29 =	simm.s32 $0x3  }
0x6: {  	s30 =	simm.s32 $0x1C360;
	s31 =	simm.s32 $0x4;
	s12 =	simm.s32 $0x6  }
0x7: {  	s13 =	simm.s32 $0x7;
	s14 =	simm.s32 $0x8;
	s15 =	simm.s32 $0x0  }
0x8: {  	s0 =	sand.u32 $0x1, s0;
	s3 =	sshll.u32 s2, $0x1;
	s2 =	simm.s32 $0x0  }
0x9: {  	s5 =	sor.u32 s0, s3;
	[smem:$0x7FF] =	sst s2;
	s0 =	ssub.s32 $0x2, s0  }
0xa: {  	vm0 =	vmmov $0x1;
	vm1 =	vmmov $0x3;
	vm2 =	vmmov $0x7;
	s3 =	sshll.u32 s5, $0x9;
	s4 =	smul.u32 $0x1B00, s5;
	_ =	strace $0x8000004A  }
0xb: {  	vm3 =	vmmov $0xf;
	vm4 =	vmmov $0x1f;
	vm5 =	vmmov $0x3f;
	s8 =	sshrl.u32 s0, $0x1;
	s5 =	sshll.u32 s5, $0x7;
	s6 =	sadd.s32 s3, s1  }
0xc: {  	vm6 =	vmmov $0x7f;
	vm7 =	vmmov $0xff;
	vm8 =	vmmov $0x1ff;
	s3 =	sadd.s32 $0xF79800, s1;
	s0 =	ssub.s32 s0, s8;
	s7 =	sadd.s32 s4, s1  }
0xd: {  	vm9 =	vmmov $0x3ff;
	vm10 =	vmmov $0x7ff;
	vm11 =	vmmov $0xfff;
	s4 =	sadd.s32 $0x3B400, s1;
	s6 =	sadd.s32 $0x37400, s6;
	s8 =	smax.u32 s0, $0x1  }
0xe: {  	vm12 =	vmmov $0x1fff;
	vm13 =	vmmov $0x3fff;
	vm14 =	vmmov $0x7fff;
	s1 =	simm.s32 $0x1C510;
	s0 =	simm.s32 $0x5;
	s7 =	sadd.s32 $0x1400, s7  }
.LBB2_1:
0xf: {  	[tilespmem:s2], [sflag:$0x9] =	stream.linear.gather [hbm4b:s6+s2], $0x1000, $0x38;
	[tilespmem:$0x1C6C0] =	vst v63  }
0x10: {  	_ =	swait.ge [sflag:s9], $0x1000  }
0x11: {  	[sflag:s9] =	ssyncset.done $0x0  }
0x12: {  	[sflag:s9] =	ssyncadd.s32 $0xFFFFF000  }
0x13: {  	[tilespmem:s10], [sflag:$0x9] =	stream.linear.gather [hbm4b:s7+s2], $0xD800, $0x38;
	[tilespmem:$0x1C6C0] =	vst v63  }
0x14: {  	_ =	swait.ge [sflag:s9], $0xD800  }
0x15: {  	[sflag:s9] =	ssyncset.done $0x0  }
0x16: {  	s16 =	simm.s32 $0xE800;
	[sflag:s9] =	ssyncadd.s32 $0xFFFF2800  }
0x17: {  	[tilespmem:s16], [sflag:$0x1] =	stream.indirect.gather [hbm4b:s3+s11], $0x20, s10, s11, $0xb8;
	[tilespmem:$0x1C6C0] =	vst v63  }
0x18: {  	s19 =	simm.s32 $0x1080;
	s18 =	simm.s32 $0xF800  }
0x19: {  	[tilespmem:s18], [sflag:$0x1] =	stream.indirect.gather [hbm4b:s3+s11], $0x20, s19, s11, $0xb8;
	[tilespmem:$0x1C6C0] =	vst v63  }
0x1a: {  	s20 =	simm.s32 $0x1100;
	s21 =	simm.s32 $0x10800  }
0x1b: {  	[tilespmem:s21], [sflag:$0x1] =	stream.indirect.gather [hbm4b:s3+s11], $0x20, s20, s11, $0xb8;
	[tilespmem:$0x1C6C0] =	vst v63  }
0x1c: {  	s22 =	simm.s32 $0x1180;
	s23 =	simm.s32 $0x11800  }
0x1d: {  	[tilespmem:s23], [sflag:$0x1] =	stream.indirect.gather [hbm4b:s3+s17], $0x20, s22, s17, $0xb8;
	[tilespmem:$0x1C6C0] =	vst v63  }
0x1e: {  	s18 =	simm.s32 $0x11B0;
	s19 =	simm.s32 $0x11E00  }
0x1f: {  	[tilespmem:s19], [sflag:$0x2] =	stream.indirect.gather [hbm4b:s3+s11], $0x20, s18, s11, $0xb8;
	[tilespmem:$0x1C6C0] =	vst v63  }
0x20: {  	s20 =	simm.s32 $0x1230;
	s21 =	simm.s32 $0x12E00  }
0x21: {  	[tilespmem:s21], [sflag:$0x2] =	stream.indirect.gather [hbm4b:s3+s11], $0x20, s20, s11, $0xb8;
	[tilespmem:$0x1C6C0] =	vst v63  }
0x22: {  	s22 =	simm.s32 $0x12B0;
	s23 =	simm.s32 $0x13E00  }
0x23: {  	[tilespmem:s23], [sflag:$0x2] =	stream.indirect.gather [hbm4b:s3+s11], $0x20, s22, s11, $0xb8;
	[tilespmem:$0x1C6C0] =	vst v63  }
0x24: {  	s18 =	simm.s32 $0x1330;
	s19 =	simm.s32 $0x14E00  }
0x25: {  	[tilespmem:s19], [sflag:$0x2] =	stream.indirect.gather [hbm4b:s3+s17], $0x20, s18, s17, $0xb8;
	[tilespmem:$0x1C6C0] =	vst v63  }
0x26: {  	s20 =	simm.s32 $0x1360;
	s21 =	simm.s32 $0x15400  }
0x27: {  	[tilespmem:s21], [sflag:$0x3] =	stream.indirect.gather [hbm4b:s3+s11], $0x20, s20, s11, $0xb8;
	[tilespmem:$0x1C6C0] =	vst v63  }
0x28: {  	s22 =	simm.s32 $0x13E0;
	s23 =	simm.s32 $0x16400  }
0x29: {  	[tilespmem:s23], [sflag:$0x3] =	stream.indirect.gather [hbm4b:s3+s11], $0x20, s22, s11, $0xb8;
	[tilespmem:$0x1C6C0] =	vst v63  }
0x2a: {  	s18 =	simm.s32 $0x1460;
	s19 =	simm.s32 $0x17400  }
0x2b: {  	[tilespmem:s19], [sflag:$0x3] =	stream.indirect.gather [hbm4b:s3+s11], $0x20, s18, s11, $0xb8;
	[tilespmem:$0x1C6C0] =	vst v63  }
0x2c: {  	s20 =	simm.s32 $0x14E0;
	s21 =	simm.s32 $0x18400  }
0x2d: {  	[tilespmem:s21], [sflag:$0x3] =	stream.indirect.gather [hbm4b:s3+s17], $0x20, s20, s17, $0xb8;
	[tilespmem:$0x1C6C0] =	vst v63  }
0x2e: {  	s22 =	simm.s32 $0x1510;
	s23 =	simm.s32 $0x18A00  }
0x2f: {  	[tilespmem:s23], [sflag:$0x4] =	stream.indirect.gather [hbm4b:s3+s11], $0x20, s22, s11, $0xb8;
	[tilespmem:$0x1C6C0] =	vst v63  }
0x30: {  	s18 =	simm.s32 $0x1590;
	s19 =	simm.s32 $0x19A00  }
0x31: {  	[tilespmem:s19], [sflag:$0x4] =	stream.indirect.gather [hbm4b:s3+s11], $0x20, s18, s11, $0xb8;
	[tilespmem:$0x1C6C0] =	vst v63  }
0x32: {  	s20 =	simm.s32 $0x1610;
	s21 =	simm.s32 $0x1AA00  }
0x33: {  	[tilespmem:s21], [sflag:$0x4] =	stream.indirect.gather [hbm4b:s3+s11], $0x20, s20, s11, $0xb8;
	[tilespmem:$0x1C6C0] =	vst v63  }
0x34: {  	s16 =	simm.s32 $0x0;
	s22 =	simm.s32 $0x1690;
	s23 =	simm.s32 $0x1BA00  }
0x35: {  	[tilespmem:s23], [sflag:$0x4] =	stream.indirect.gather [hbm4b:s3+s17], $0x20, s22, s17, $0xb8;
	[tilespmem:$0x1C6C0] =	vst v63  }
.LBB2_2:
0x36: {  	_ =	swait.ge [sflag:s24], $0x3480  }
0x37: {  	p1 =	seq.s32 s16, $0x0;
	[sflag:s24] =	ssyncset.done $0x0  }
0x38: {  	s18 =	simm.s32 @!p1 $0x5;
	[sflag:s24] =	ssyncadd.s32 $0xFFFFCB80  }
0x39: {  	_ =	swait.ge @!p1 [sflag:s18], $0x1B0  }
0x3a: {  	s19 =	sshll.u32 s16, $0x7;
	[sflag:s18] =	ssyncset.done @!p1 $0x0  }
0x3b: {  	s23 =	sand.u32 $0x3FFFFF80, s19;
	[sflag:s18] =	ssyncadd.s32 @!p1 $0xFFFFFE50  }
0x3c: {  	v0 =	vld [tilespmem:s23+$0x0]  }
0x3d: {  	s20 =	simm.s32 $0xE900;
	s19 =	sshll.u32 s16, $0x2;
	s18 =	simm.s32 $0x0;
	v1 =	vld [tilespmem:s23+$0x10]  }
.LBB2_3:
0x3e: {  	v2 =	vld [tilespmem:s20+$0xFFFFFF00]  }
0x3f: {  	v3 =	vld [tilespmem:s20+$0xFFFFFF10]  }
0x40: {  	v4 =	vld [tilespmem:s20+$0xFFFFFF20]  }
0x41: {  	v5 =	vld [tilespmem:s20+$0xFFFFFF30]  }
0x42: {  	v6 =	vld [tilespmem:s20+$0xFFFFFF40]  }
0x43: {  	v7 =	vld [tilespmem:s20+$0xFFFFFF50]  }
0x44: {  	v8 =	vld [tilespmem:s20+$0xFFFFFF60]  }
0x45: {  	v9 =	vld [tilespmem:s20+$0xFFFFFF70]  }
0x46: {  	v10 =	vld [tilespmem:s20+$0xFFFFFF80]  }
0x47: {  	v11 =	vld [tilespmem:s20+$0xFFFFFF90]  }
0x48: {  	v12 =	vld [tilespmem:s20+$0xFFFFFFA0]  }
0x49: {  	v13 =	vld [tilespmem:s20+$0xFFFFFFB0]  }
0x4a: {  	v14 =	vld [tilespmem:s20+$0xFFFFFFC0]  }
0x4b: {  	v15 =	vld [tilespmem:s20+$0xFFFFFFD0]  }
0x4c: {  	v16 =	vld [tilespmem:s20+$0xFFFFFFE0]  }
0x4d: {  	v17 =	vld [tilespmem:s20+$0xFFFFFFF0]  }
0x4e: {  	v18 =	vld [tilespmem:s20+$0x0]  }
0x4f: {  	v19 =	vld [tilespmem:s20+$0x10];
	v2 =	vmul.f32 v2, v0;
	v3 =	vmul.f32 v3, v1  }
0x50: {  	v20 =	vld [tilespmem:s20+$0x20];
	v4 =	vmul.f32 v4, v0;
	v5 =	vmul.f32 v5, v1  }
0x51: {  	v21 =	vld [tilespmem:s20+$0x30];
	v47 =	vmul.f32 v7, v1;
	v2 =	vadd.f32 v3, v2;
	v3 =	vmul.f32 v6, v0  }
0x52: {  	v22 =	vld [tilespmem:s20+$0x40];
	v4 =	vadd.f32 v5, v4  }
0x53: {  	v48 =	vld [tilespmem:s20+$0x50];
	v50 =	vmul.f32 v9, v1;
	(xrf2) =	vadd.scan.msk.f32 $0xffff, v2;
	v2 =	vadd.f32 v47, v3;
	v3 =	vmul.f32 v8, v0  }
0x54: {  	v49 =	vld [tilespmem:s20+$0x60];
	v52 =	vmul.f32 v10, v0;
	v53 =	vmul.f32 v11, v1;
	(xrf2) =	vadd.scan.msk.f32 $0xffff, v4  }
0x55: {  	v51 =	vld [tilespmem:s20+$0x70];
	v55 =	vmul.f32 v13, v1;
	(xrf2) =	vadd.scan.msk.f32 $0xffff, v2;
	v2 =	vadd.f32 v50, v3;
	v3 =	vmul.f32 v12, v0  }
0x56: {  	v54 =	vld [tilespmem:s20+$0x80];
	v57 =	vmul.f32 v14, v0;
	v58 =	vmul.f32 v15, v1;
	v4 =	vadd.f32 v53, v52  }
0x57: {  	v56 =	vld [tilespmem:s20+$0x90];
	v60 =	vmul.f32 v17, v1;
	(xrf2) =	vadd.scan.msk.f32 $0xffff, v2;
	v2 =	vadd.f32 v55, v3;
	v3 =	vmul.f32 v16, v0  }
0x58: {  	v59 =	vld [tilespmem:s20+$0xA0];
	v63 =	vmul.f32 v18, v0;
	v23 =	vmul.f32 v19, v1;
	v62 =	vadd.f32 v58, v57;
	(xrf2) =	vadd.scan.msk.f32 $0xffff, v4  }
0x59: {  	v61 =	vld [tilespmem:s20+$0xB0];
	v25 =	vmul.f32 v21, v1;
	(xrf2) =	vadd.scan.msk.f32 $0xffff, v2;
	v2 =	vadd.f32 v60, v3;
	v3 =	vmul.f32 v20, v0  }
0x5a: {  	v24 =	vld [tilespmem:s20+$0xC0];
	v28 =	vmul.f32 v22, v0;
	v7 =	vmul.f32 v48, v1;
	(xrf2) =	vadd.scan.msk.f32 $0xffff, v62  }
0x5b: {  	v26 =	vld [tilespmem:s20+$0xD0];
	v27 =	vadd.f32 v23, v63;
	(xrf2) =	vadd.scan.msk.f32 $0xffff, v2;
	v2 =	vadd.f32 v25, v3;
	v3 =	vmul.f32 v49, v0  }
0x5c: {  	v34 =	vld [tilespmem:s20+$0xF0];
	v29 =	vmul.f32 v51, v1  }
0x5d: {  	v30 =	vld [tilespmem:s20+$0xE0];
	v32 =	vmul.f32 v54, v0;
	v33 =	vmul.f32 v56, v1;
	v31 =	vadd.f32 v7, v28;
	(xrf2) =	vadd.scan.msk.f32 $0xffff, v27  }
0x5e: {  	v35 =	vmul.f32 v59, v0;
	v36 =	vmul.f32 v61, v1;
	(xrf2) =	vadd.scan.msk.f32 $0xffff, v2;
	v2 =	vadd.f32 v29, v3  }
0x5f: {  	v39 =	vmul.f32 v24, v0;
	v37 =	vadd.f32 v33, v32;
	v3, _, _ =	vpop (xrf2);
	(xrf2) =	vadd.scan.msk.f32 $0xffff, v31  }
0x60: {  	v40 =	vmul.f32 v26, v1;
	v38, _, _ =	vpop (xrf2);
	(xrf2) =	vadd.scan.msk.f32 $0xffff, v2;
	v2 =	vbroadcast v3, $0xF;
	v3 =	vadd.f32 v36, v35  }
0x61: {  	v45 =	vmul.f32 v34, v1;
	v41, _, _ =	vpop (xrf2);
	(xrf2) =	vadd.scan.msk.f32 $0xffff, v37  }
0x62: {  	v43 =	vadd.f32 v40, v39;
	v42 =	vbroadcast v38, $0xF;
	v44, _, _ =	vpop (xrf2);
	(xrf2) =	vadd.scan.msk.f32 $0xffff, v3;
	v3 =	vmul.f32 v30, v0  }
0x63: {  	v5 =	vbroadcast v41, $0xF  }
0x64: {  	v2 =	vsel vm0, v2, v42;
	v46 =	vbroadcast v44, $0xF;
	v47, _, _ =	vpop (xrf2);
	(xrf2) =	vadd.scan.msk.f32 $0xffff, v43;
	v3 =	vadd.f32 v45, v3  }
0x65: {  	v48, _, _ =	vpop (xrf2);
	v2 =	vsel vm1, v2, v5;
	v49 =	vbroadcast v47, $0xF  }
0x66: {  	v50, _, _ =	vpop (xrf2);
	v2 =	vsel vm2, v2, v46;
	v51 =	vbroadcast v48, $0xF  }
0x67: {  	v2 =	vsel vm3, v2, v49;
	v52 =	vbroadcast v50, $0xF;
	v53, _, _ =	vpop (xrf2)  }
0x68: {  	(xrf2) =	vadd.scan.msk.f32 $0xffff, v3;
	v2 =	vsel vm4, v2, v51;
	v54 =	vbroadcast v53, $0xF;
	v3, _, _ =	vpop (xrf2)  }
0x69: {  	v2 =	vsel vm5, v2, v52;
	v55, _, _ =	vpop (xrf2);
	v3 =	vbroadcast v3, $0xF  }
0x6a: {  	v2 =	vsel vm6, v2, v54;
	v56, _, _ =	vpop (xrf2);
	v57 =	vbroadcast v55, $0xF  }
0x6b: {  	v58, _, _ =	vpop (xrf2);
	v2 =	vsel vm7, v2, v3;
	v3 =	vbroadcast v56, $0xF  }
0x6c: {  	v59, _, _ =	vpop (xrf2);
	v2 =	vsel vm8, v2, v57;
	v60 =	vbroadcast v58, $0xF  }
0x6d: {  	v61, _, _ =	vpop (xrf2);
	v2 =	vsel vm9, v2, v3;
	v3 =	vbroadcast v59, $0xF  }
0x6e: {  	v62, _, _ =	vpop (xrf2);
	v2 =	vsel vm10, v2, v60  }
0x6f: {  	v2 =	vsel vm11, v2, v3;
	v3 =	vbroadcast v62, $0xF  }
0x70: {  	p0 =	sne.s32 s18, $0x680;
	v63 =	vbroadcast v61, $0xF  }
.Ltmp0:
0x71: {  	_ = 	snop;
	(pc) =	sbr.rel @p0 .LBB2_3-.Ltmp0, $4  }
0x72: {  	v2 =	vsel vm12, v2, v63  }
0x73: {  	v2 =	vsel vm13, v2, v3;
	v3, _, _ =	vpop (xrf2)  }
0x74: {  	s21 =	sshra.s32 s18, $0x2;
	v2 =	vsel vm14, v2, v3  }
0x75: {  	s20 =	sadd.s32 $0x200, s20;
	s18 =	sadd.s32 $0x40, s18;
	[tilespmem:s21+$0x1C000] =	vst v2  }
0x76: {  	p0 =	seq.s32 s16, $0x1F  }
0x77: {  	s18 =	smul.u32 @!p0 $0x1B00, s16;
	_ =	sdelay $0x1  }
0x78: {  	s18 =	sshra.s32 @!p0 s18, $0x2  }
0x79: {  	s21 =	simm.s32 @!p0 $0x80;
	s22 =	simm.s32 @!p0 $0xE800;
	s20 =	sadd.s32 @!p0 $0x16C0, s18  }
0x7a: {  	[tilespmem:s22], [sflag:$0x1] =	stream.indirect.gather @!p0 [hbm4b:s3+s21], $0x20, s20, s21, $0xb8;
	[tilespmem:$0x1C6C0] =	vst v63  }
0x7b: {  	s20 =	sadd.s32 @!p0 $0x1740, s18;
	s22 =	simm.s32 @!p0 $0xF800  }
0x7c: {  	[tilespmem:s22], [sflag:$0x1] =	stream.indirect.gather @!p0 [hbm4b:s3+s21], $0x20, s20, s21, $0xb8;
	[tilespmem:$0x1C6C0] =	vst v63  }
0x7d: {  	s20 =	sadd.s32 @!p0 $0x17C0, s18;
	s22 =	simm.s32 @!p0 $0x10800  }
0x7e: {  	[tilespmem:s22], [sflag:$0x1] =	stream.indirect.gather @!p0 [hbm4b:s3+s21], $0x20, s20, s21, $0xb8;
	[tilespmem:$0x1C6C0] =	vst v63  }
0x7f: {  	s23 =	simm.s32 @!p0 $0x11800;
	s21 =	sadd.s32 s5, s19  }
0x80: {  	s20 =	sadd.s32 @!p0 $0x1840, s18;
	s22 =	simm.s32 @!p0 $0x24;
	s21 =	smul.u32 $0x36, s21  }
0x81: {  	[tilespmem:s23], [sflag:$0x1] =	stream.indirect.gather @!p0 [hbm4b:s3+s22], $0x20, s20, s22, $0xb8;
	[tilespmem:$0x1C6C0] =	vst v63  }
0x82: {  	s22 =	sadd.s32 s4, s21  }
0x83: {  	[hbm4b:s22+s2] =	stream.linear.scatter [tilespmem:s25], [sflag:$0x5], $0x1B0, $0x38;
	[tilespmem:$0x1C6C0] =	vst v63  }
0x84: {  	_ =	swait.ge [sflag:s26], $0x3480  }
0x85: {  	[sflag:s26] =	ssyncset.done $0x0  }
0x86: {  	s21 =	simm.s32 @!p1 $0x6;
	[sflag:s26] =	ssyncadd.s32 $0xFFFFCB80  }
0x87: {  	s20 =	sor.u32 $0x1, s19;
	_ =	swait.ge @!p1 [sflag:s21], $0x1B0  }
0x88: {  	s23 =	sshll.u32 s20, $0x5;
	[sflag:s21] =	ssyncset.done @!p1 $0x0  }
0x89: {  	s23 =	sand.u32 $0x3FFFFFE0, s23;
	[sflag:s21] =	ssyncadd.s32 @!p1 $0xFFFFFE50  }
0x8a: {  	v0 =	vld [tilespmem:s23+$0x0]  }
0x8b: {  	s22 =	simm.s32 $0x11F00;
	s21 =	simm.s32 $0x0;
	v1 =	vld [tilespmem:s23+$0x10]  }
.LBB2_5:
0x8c: {  	v2 =	vld [tilespmem:s22+$0xFFFFFF00]  }
0x8d: {  	v3 =	vld [tilespmem:s22+$0xFFFFFF10]  }
0x8e: {  	v4 =	vld [tilespmem:s22+$0xFFFFFF20]  }
0x8f: {  	v5 =	vld [tilespmem:s22+$0xFFFFFF30]  }
0x90: {  	v6 =	vld [tilespmem:s22+$0xFFFFFF40]  }
0x91: {  	v7 =	vld [tilespmem:s22+$0xFFFFFF50]  }
0x92: {  	v8 =	vld [tilespmem:s22+$0xFFFFFF60]  }
0x93: {  	v9 =	vld [tilespmem:s22+$0xFFFFFF70]  }
0x94: {  	v10 =	vld [tilespmem:s22+$0xFFFFFF80]  }
0x95: {  	v11 =	vld [tilespmem:s22+$0xFFFFFF90]  }
0x96: {  	v12 =	vld [tilespmem:s22+$0xFFFFFFA0]  }
0x97: {  	v13 =	vld [tilespmem:s22+$0xFFFFFFB0]  }
0x98: {  	v14 =	vld [tilespmem:s22+$0xFFFFFFC0]  }
0x99: {  	v15 =	vld [tilespmem:s22+$0xFFFFFFD0]  }
0x9a: {  	v16 =	vld [tilespmem:s22+$0xFFFFFFE0]  }
0x9b: {  	v17 =	vld [tilespmem:s22+$0xFFFFFFF0]  }
0x9c: {  	v18 =	vld [tilespmem:s22+$0x0]  }
0x9d: {  	v19 =	vld [tilespmem:s22+$0x10];
	v2 =	vmul.f32 v2, v0;
	v3 =	vmul.f32 v3, v1  }
0x9e: {  	v20 =	vld [tilespmem:s22+$0x20];
	v4 =	vmul.f32 v4, v0;
	v5 =	vmul.f32 v5, v1  }
0x9f: {  	v21 =	vld [tilespmem:s22+$0x30];
	v47 =	vmul.f32 v7, v1;
	v2 =	vadd.f32 v3, v2;
	v3 =	vmul.f32 v6, v0  }
0xa0: {  	v22 =	vld [tilespmem:s22+$0x40];
	v4 =	vadd.f32 v5, v4  }
0xa1: {  	v48 =	vld [tilespmem:s22+$0x50];
	v50 =	vmul.f32 v9, v1;
	(xrf2) =	vadd.scan.msk.f32 $0xffff, v2;
	v2 =	vadd.f32 v47, v3;
	v3 =	vmul.f32 v8, v0  }
0xa2: {  	v49 =	vld [tilespmem:s22+$0x60];
	v52 =	vmul.f32 v10, v0;
	v53 =	vmul.f32 v11, v1;
	(xrf2) =	vadd.scan.msk.f32 $0xffff, v4  }
0xa3: {  	v51 =	vld [tilespmem:s22+$0x70];
	v55 =	vmul.f32 v13, v1;
	(xrf2) =	vadd.scan.msk.f32 $0xffff, v2;
	v2 =	vadd.f32 v50, v3;
	v3 =	vmul.f32 v12, v0  }
0xa4: {  	v54 =	vld [tilespmem:s22+$0x80];
	v57 =	vmul.f32 v14, v0;
	v58 =	vmul.f32 v15, v1;
	v4 =	vadd.f32 v53, v52  }
0xa5: {  	v56 =	vld [tilespmem:s22+$0x90];
	v60 =	vmul.f32 v17, v1;
	(xrf2) =	vadd.scan.msk.f32 $0xffff, v2;
	v2 =	vadd.f32 v55, v3;
	v3 =	vmul.f32 v16, v0  }
0xa6: {  	v59 =	vld [tilespmem:s22+$0xA0];
	v63 =	vmul.f32 v18, v0;
	v23 =	vmul.f32 v19, v1;
	v62 =	vadd.f32 v58, v57;
	(xrf2) =	vadd.scan.msk.f32 $0xffff, v4  }
0xa7: {  	v61 =	vld [tilespmem:s22+$0xB0];
	v25 =	vmul.f32 v21, v1;
	(xrf2) =	vadd.scan.msk.f32 $0xffff, v2;
	v2 =	vadd.f32 v60, v3;
	v3 =	vmul.f32 v20, v0  }
0xa8: {  	v24 =	vld [tilespmem:s22+$0xC0];
	v28 =	vmul.f32 v22, v0;
	v7 =	vmul.f32 v48, v1;
	(xrf2) =	vadd.scan.msk.f32 $0xffff, v62  }
0xa9: {  	v26 =	vld [tilespmem:s22+$0xD0];
	v27 =	vadd.f32 v23, v63;
	(xrf2) =	vadd.scan.msk.f32 $0xffff, v2;
	v2 =	vadd.f32 v25, v3;
	v3 =	vmul.f32 v49, v0  }
0xaa: {  	v34 =	vld [tilespmem:s22+$0xF0];
	v29 =	vmul.f32 v51, v1  }
0xab: {  	v30 =	vld [tilespmem:s22+$0xE0];
	v32 =	vmul.f32 v54, v0;
	v33 =	vmul.f32 v56, v1;
	v31 =	vadd.f32 v7, v28;
	(xrf2) =	vadd.scan.msk.f32 $0xffff, v27  }
0xac: {  	v35 =	vmul.f32 v59, v0;
	v36 =	vmul.f32 v61, v1;
	(xrf2) =	vadd.scan.msk.f32 $0xffff, v2;
	v2 =	vadd.f32 v29, v3  }
0xad: {  	v39 =	vmul.f32 v24, v0;
	v37 =	vadd.f32 v33, v32;
	v3, _, _ =	vpop (xrf2);
	(xrf2) =	vadd.scan.msk.f32 $0xffff, v31  }
0xae: {  	v40 =	vmul.f32 v26, v1;
	v38, _, _ =	vpop (xrf2);
	(xrf2) =	vadd.scan.msk.f32 $0xffff, v2;
	v2 =	vbroadcast v3, $0xF;
	v3 =	vadd.f32 v36, v35  }
0xaf: {  	v45 =	vmul.f32 v34, v1;
	v41, _, _ =	vpop (xrf2);
	(xrf2) =	vadd.scan.msk.f32 $0xffff, v37  }
0xb0: {  	v43 =	vadd.f32 v40, v39;
	v42 =	vbroadcast v38, $0xF;
	v44, _, _ =	vpop (xrf2);
	(xrf2) =	vadd.scan.msk.f32 $0xffff, v3;
	v3 =	vmul.f32 v30, v0  }
0xb1: {  	v5 =	vbroadcast v41, $0xF  }
0xb2: {  	v2 =	vsel vm0, v2, v42;
	v46 =	vbroadcast v44, $0xF;
	v47, _, _ =	vpop (xrf2);
	(xrf2) =	vadd.scan.msk.f32 $0xffff, v43;
	v3 =	vadd.f32 v45, v3  }
0xb3: {  	v48, _, _ =	vpop (xrf2);
	v2 =	vsel vm1, v2, v5;
	v49 =	vbroadcast v47, $0xF  }
0xb4: {  	v50, _, _ =	vpop (xrf2);
	v2 =	vsel vm2, v2, v46;
	v51 =	vbroadcast v48, $0xF  }
0xb5: {  	v2 =	vsel vm3, v2, v49;
	v52 =	vbroadcast v50, $0xF;
	v53, _, _ =	vpop (xrf2)  }
0xb6: {  	(xrf2) =	vadd.scan.msk.f32 $0xffff, v3;
	v2 =	vsel vm4, v2, v51;
	v54 =	vbroadcast v53, $0xF;
	v3, _, _ =	vpop (xrf2)  }
0xb7: {  	v2 =	vsel vm5, v2, v52;
	v55, _, _ =	vpop (xrf2);
	v3 =	vbroadcast v3, $0xF  }
0xb8: {  	v2 =	vsel vm6, v2, v54;
	v56, _, _ =	vpop (xrf2);
	v57 =	vbroadcast v55, $0xF  }
0xb9: {  	v58, _, _ =	vpop (xrf2);
	v2 =	vsel vm7, v2, v3;
	v3 =	vbroadcast v56, $0xF  }
0xba: {  	v59, _, _ =	vpop (xrf2);
	v2 =	vsel vm8, v2, v57;
	v60 =	vbroadcast v58, $0xF  }
0xbb: {  	v61, _, _ =	vpop (xrf2);
	v2 =	vsel vm9, v2, v3;
	v3 =	vbroadcast v59, $0xF  }
0xbc: {  	v62, _, _ =	vpop (xrf2);
	v2 =	vsel vm10, v2, v60  }
0xbd: {  	v2 =	vsel vm11, v2, v3;
	v3 =	vbroadcast v62, $0xF  }
0xbe: {  	p2 =	sne.s32 s21, $0x680;
	v63 =	vbroadcast v61, $0xF  }
.Ltmp1:
0xbf: {  	_ = 	snop;
	(pc) =	sbr.rel @p2 .LBB2_5-.Ltmp1, $4  }
0xc0: {  	v2 =	vsel vm12, v2, v63  }
0xc1: {  	v2 =	vsel vm13, v2, v3;
	v3, _, _ =	vpop (xrf2)  }
0xc2: {  	s23 =	sshra.s32 s21, $0x2;
	v2 =	vsel vm14, v2, v3  }
0xc3: {  	s22 =	sadd.s32 $0x200, s22;
	s21 =	sadd.s32 $0x40, s21;
	[tilespmem:s23+$0x1C1B0] =	vst v2  }
0xc4: {  	s21 =	sadd.s32 @!p0 $0x1870, s18;
	s22 =	simm.s32 @!p0 $0x80;
	s23 =	simm.s32 @!p0 $0x11E00  }
0xc5: {  	[tilespmem:s23], [sflag:$0x2] =	stream.indirect.gather @!p0 [hbm4b:s3+s22], $0x20, s21, s22, $0xb8;
	[tilespmem:$0x1C6C0] =	vst v63  }
0xc6: {  	s20 =	sadd.s32 s5, s20;
	s21 =	sadd.s32 @!p0 $0x18F0, s18;
	s23 =	simm.s32 @!p0 $0x12E00  }
0xc7: {  	[tilespmem:s23], [sflag:$0x2] =	stream.indirect.gather @!p0 [hbm4b:s3+s22], $0x20, s21, s22, $0xb8;
	[tilespmem:$0x1C6C0] =	vst v63  }
0xc8: {  	s20 =	smul.u32 $0x36, s20;
	s21 =	sadd.s32 @!p0 $0x1970, s18;
	s23 =	simm.s32 @!p0 $0x13E00  }
0xc9: {  	[tilespmem:s23], [sflag:$0x2] =	stream.indirect.gather @!p0 [hbm4b:s3+s22], $0x20, s21, s22, $0xb8;
	[tilespmem:$0x1C6C0] =	vst v63  }
0xca: {  	s21 =	sadd.s32 @!p0 $0x19F0, s18;
	s22 =	simm.s32 @!p0 $0x24;
	s23 =	simm.s32 @!p0 $0x14E00  }
0xcb: {  	[tilespmem:s23], [sflag:$0x2] =	stream.indirect.gather @!p0 [hbm4b:s3+s22], $0x20, s21, s22, $0xb8;
	[tilespmem:$0x1C6C0] =	vst v63  }
0xcc: {  	s20 =	sadd.s32 s4, s20  }
0xcd: {  	[hbm4b:s20+s2] =	stream.linear.scatter [tilespmem:s28], [sflag:$0x6], $0x1B0, $0x38;
	[tilespmem:$0x1C6C0] =	vst v63  }
0xce: {  	_ =	swait.ge [sflag:s29], $0x3480  }
0xcf: {  	[sflag:s29] =	ssyncset.done $0x0  }
0xd0: {  	s21 =	simm.s32 @!p1 $0x7;
	[sflag:s29] =	ssyncadd.s32 $0xFFFFCB80  }
0xd1: {  	s20 =	sor.u32 $0x2, s19;
	_ =	swait.ge @!p1 [sflag:s21], $0x1B0  }
0xd2: {  	s23 =	sshll.u32 s20, $0x5;
	[sflag:s21] =	ssyncset.done @!p1 $0x0  }
0xd3: {  	s23 =	sand.u32 $0x3FFFFFE0, s23;
	[sflag:s21] =	ssyncadd.s32 @!p1 $0xFFFFFE50  }
0xd4: {  	v0 =	vld [tilespmem:s23+$0x0]  }
0xd5: {  	s22 =	simm.s32 $0x15500;
	s21 =	simm.s32 $0x0;
	v1 =	vld [tilespmem:s23+$0x10]  }
.LBB2_7:
0xd6: {  	v2 =	vld [tilespmem:s22+$0xFFFFFF00]  }
0xd7: {  	v3 =	vld [tilespmem:s22+$0xFFFFFF10]  }
0xd8: {  	v4 =	vld [tilespmem:s22+$0xFFFFFF20]  }
0xd9: {  	v5 =	vld [tilespmem:s22+$0xFFFFFF30]  }
0xda: {  	v6 =	vld [tilespmem:s22+$0xFFFFFF40]  }
0xdb: {  	v7 =	vld [tilespmem:s22+$0xFFFFFF50]  }
0xdc: {  	v8 =	vld [tilespmem:s22+$0xFFFFFF60]  }
0xdd: {  	v9 =	vld [tilespmem:s22+$0xFFFFFF70]  }
0xde: {  	v10 =	vld [tilespmem:s22+$0xFFFFFF80]  }
0xdf: {  	v11 =	vld [tilespmem:s22+$0xFFFFFF90]  }
0xe0: {  	v12 =	vld [tilespmem:s22+$0xFFFFFFA0]  }
0xe1: {  	v13 =	vld [tilespmem:s22+$0xFFFFFFB0]  }
0xe2: {  	v14 =	vld [tilespmem:s22+$0xFFFFFFC0]  }
0xe3: {  	v15 =	vld [tilespmem:s22+$0xFFFFFFD0]  }
0xe4: {  	v16 =	vld [tilespmem:s22+$0xFFFFFFE0]  }
0xe5: {  	v17 =	vld [tilespmem:s22+$0xFFFFFFF0]  }
0xe6: {  	v18 =	vld [tilespmem:s22+$0x0]  }
0xe7: {  	v19 =	vld [tilespmem:s22+$0x10];
	v2 =	vmul.f32 v2, v0;
	v3 =	vmul.f32 v3, v1  }
0xe8: {  	v20 =	vld [tilespmem:s22+$0x20];
	v4 =	vmul.f32 v4, v0;
	v5 =	vmul.f32 v5, v1  }
0xe9: {  	v21 =	vld [tilespmem:s22+$0x30];
	v47 =	vmul.f32 v7, v1;
	v2 =	vadd.f32 v3, v2;
	v3 =	vmul.f32 v6, v0  }
0xea: {  	v22 =	vld [tilespmem:s22+$0x40];
	v4 =	vadd.f32 v5, v4  }
0xeb: {  	v48 =	vld [tilespmem:s22+$0x50];
	v50 =	vmul.f32 v9, v1;
	(xrf2) =	vadd.scan.msk.f32 $0xffff, v2;
	v2 =	vadd.f32 v47, v3;
	v3 =	vmul.f32 v8, v0  }
0xec: {  	v49 =	vld [tilespmem:s22+$0x60];
	v52 =	vmul.f32 v10, v0;
	v53 =	vmul.f32 v11, v1;
	(xrf2) =	vadd.scan.msk.f32 $0xffff, v4  }
0xed: {  	v51 =	vld [tilespmem:s22+$0x70];
	v55 =	vmul.f32 v13, v1;
	(xrf2) =	vadd.scan.msk.f32 $0xffff, v2;
	v2 =	vadd.f32 v50, v3;
	v3 =	vmul.f32 v12, v0  }
0xee: {  	v54 =	vld [tilespmem:s22+$0x80];
	v57 =	vmul.f32 v14, v0;
	v58 =	vmul.f32 v15, v1;
	v4 =	vadd.f32 v53, v52  }
0xef: {  	v56 =	vld [tilespmem:s22+$0x90];
	v60 =	vmul.f32 v17, v1;
	(xrf2) =	vadd.scan.msk.f32 $0xffff, v2;
	v2 =	vadd.f32 v55, v3;
	v3 =	vmul.f32 v16, v0  }
0xf0: {  	v59 =	vld [tilespmem:s22+$0xA0];
	v63 =	vmul.f32 v18, v0;
	v23 =	vmul.f32 v19, v1;
	v62 =	vadd.f32 v58, v57;
	(xrf2) =	vadd.scan.msk.f32 $0xffff, v4  }
0xf1: {  	v61 =	vld [tilespmem:s22+$0xB0];
	v25 =	vmul.f32 v21, v1;
	(xrf2) =	vadd.scan.msk.f32 $0xffff, v2;
	v2 =	vadd.f32 v60, v3;
	v3 =	vmul.f32 v20, v0  }
0xf2: {  	v24 =	vld [tilespmem:s22+$0xC0];
	v28 =	vmul.f32 v22, v0;
	v7 =	vmul.f32 v48, v1;
	(xrf2) =	vadd.scan.msk.f32 $0xffff, v62  }
0xf3: {  	v26 =	vld [tilespmem:s22+$0xD0];
	v27 =	vadd.f32 v23, v63;
	(xrf2) =	vadd.scan.msk.f32 $0xffff, v2;
	v2 =	vadd.f32 v25, v3;
	v3 =	vmul.f32 v49, v0  }
0xf4: {  	v34 =	vld [tilespmem:s22+$0xF0];
	v29 =	vmul.f32 v51, v1  }
0xf5: {  	v30 =	vld [tilespmem:s22+$0xE0];
	v32 =	vmul.f32 v54, v0;
	v33 =	vmul.f32 v56, v1;
	v31 =	vadd.f32 v7, v28;
	(xrf2) =	vadd.scan.msk.f32 $0xffff, v27  }
0xf6: {  	v35 =	vmul.f32 v59, v0;
	v36 =	vmul.f32 v61, v1;
	(xrf2) =	vadd.scan.msk.f32 $0xffff, v2;
	v2 =	vadd.f32 v29, v3  }
0xf7: {  	v39 =	vmul.f32 v24, v0;
	v37 =	vadd.f32 v33, v32;
	v3, _, _ =	vpop (xrf2);
	(xrf2) =	vadd.scan.msk.f32 $0xffff, v31  }
0xf8: {  	v40 =	vmul.f32 v26, v1;
	v38, _, _ =	vpop (xrf2);
	(xrf2) =	vadd.scan.msk.f32 $0xffff, v2;
	v2 =	vbroadcast v3, $0xF;
	v3 =	vadd.f32 v36, v35  }
0xf9: {  	v45 =	vmul.f32 v34, v1;
	v41, _, _ =	vpop (xrf2);
	(xrf2) =	vadd.scan.msk.f32 $0xffff, v37  }
0xfa: {  	v43 =	vadd.f32 v40, v39;
	v42 =	vbroadcast v38, $0xF;
	v44, _, _ =	vpop (xrf2);
	(xrf2) =	vadd.scan.msk.f32 $0xffff, v3;
	v3 =	vmul.f32 v30, v0  }
0xfb: {  	v5 =	vbroadcast v41, $0xF  }
0xfc: {  	v2 =	vsel vm0, v2, v42;
	v46 =	vbroadcast v44, $0xF;
	v47, _, _ =	vpop (xrf2);
	(xrf2) =	vadd.scan.msk.f32 $0xffff, v43;
	v3 =	vadd.f32 v45, v3  }
0xfd: {  	v48, _, _ =	vpop (xrf2);
	v2 =	vsel vm1, v2, v5;
	v49 =	vbroadcast v47, $0xF  }
0xfe: {  	v50, _, _ =	vpop (xrf2);
	v2 =	vsel vm2, v2, v46;
	v51 =	vbroadcast v48, $0xF  }
0xff: {  	v2 =	vsel vm3, v2, v49;
	v52 =	vbroadcast v50, $0xF;
	v53, _, _ =	vpop (xrf2)  }
0x100: {  	(xrf2) =	vadd.scan.msk.f32 $0xffff, v3;
	v2 =	vsel vm4, v2, v51;
	v54 =	vbroadcast v53, $0xF;
	v3, _, _ =	vpop (xrf2)  }
0x101: {  	v2 =	vsel vm5, v2, v52;
	v55, _, _ =	vpop (xrf2);
	v3 =	vbroadcast v3, $0xF  }
0x102: {  	v2 =	vsel vm6, v2, v54;
	v56, _, _ =	vpop (xrf2);
	v57 =	vbroadcast v55, $0xF  }
0x103: {  	v58, _, _ =	vpop (xrf2);
	v2 =	vsel vm7, v2, v3;
	v3 =	vbroadcast v56, $0xF  }
0x104: {  	v59, _, _ =	vpop (xrf2);
	v2 =	vsel vm8, v2, v57;
	v60 =	vbroadcast v58, $0xF  }
0x105: {  	v61, _, _ =	vpop (xrf2);
	v2 =	vsel vm9, v2, v3;
	v3 =	vbroadcast v59, $0xF  }
0x106: {  	v62, _, _ =	vpop (xrf2);
	v2 =	vsel vm10, v2, v60  }
0x107: {  	v2 =	vsel vm11, v2, v3;
	v3 =	vbroadcast v62, $0xF  }
0x108: {  	p2 =	sne.s32 s21, $0x680;
	v63 =	vbroadcast v61, $0xF  }
.Ltmp2:
0x109: {  	_ = 	snop;
	(pc) =	sbr.rel @p2 .LBB2_7-.Ltmp2, $4  }
0x10a: {  	v2 =	vsel vm12, v2, v63  }
0x10b: {  	v2 =	vsel vm13, v2, v3;
	v3, _, _ =	vpop (xrf2)  }
0x10c: {  	s23 =	sshra.s32 s21, $0x2;
	v2 =	vsel vm14, v2, v3  }
0x10d: {  	s22 =	sadd.s32 $0x200, s22;
	s21 =	sadd.s32 $0x40, s21;
	[tilespmem:s23+$0x1C360] =	vst v2  }
0x10e: {  	s21 =	sadd.s32 @!p0 $0x1A20, s18;
	s22 =	simm.s32 @!p0 $0x80;
	s23 =	simm.s32 @!p0 $0x15400  }
0x10f: {  	[tilespmem:s23], [sflag:$0x3] =	stream.indirect.gather @!p0 [hbm4b:s3+s22], $0x20, s21, s22, $0xb8;
	[tilespmem:$0x1C6C0] =	vst v63  }
0x110: {  	s20 =	sadd.s32 s5, s20;
	s21 =	sadd.s32 @!p0 $0x1AA0, s18;
	s23 =	simm.s32 @!p0 $0x16400  }
0x111: {  	[tilespmem:s23], [sflag:$0x3] =	stream.indirect.gather @!p0 [hbm4b:s3+s22], $0x20, s21, s22, $0xb8;
	[tilespmem:$0x1C6C0] =	vst v63  }
0x112: {  	s20 =	smul.u32 $0x36, s20;
	s21 =	sadd.s32 @!p0 $0x1B20, s18;
	s23 =	simm.s32 @!p0 $0x17400  }
0x113: {  	[tilespmem:s23], [sflag:$0x3] =	stream.indirect.gather @!p0 [hbm4b:s3+s22], $0x20, s21, s22, $0xb8;
	[tilespmem:$0x1C6C0] =	vst v63  }
0x114: {  	s21 =	sadd.s32 @!p0 $0x1BA0, s18;
	s22 =	simm.s32 @!p0 $0x24;
	s23 =	simm.s32 @!p0 $0x18400  }
0x115: {  	[tilespmem:s23], [sflag:$0x3] =	stream.indirect.gather @!p0 [hbm4b:s3+s22], $0x20, s21, s22, $0xb8;
	[tilespmem:$0x1C6C0] =	vst v63  }
0x116: {  	s20 =	sadd.s32 s4, s20  }
0x117: {  	[hbm4b:s20+s2] =	stream.linear.scatter [tilespmem:s30], [sflag:$0x7], $0x1B0, $0x38;
	[tilespmem:$0x1C6C0] =	vst v63  }
0x118: {  	_ =	swait.ge [sflag:s31], $0x3480  }
0x119: {  	[sflag:s31] =	ssyncset.done $0x0  }
0x11a: {  	s20 =	simm.s32 @!p1 $0x8;
	[sflag:s31] =	ssyncadd.s32 $0xFFFFCB80  }
0x11b: {  	s19 =	sor.u32 $0x3, s19;
	_ =	swait.ge @!p1 [sflag:s20], $0x1B0  }
0x11c: {  	s22 =	sshll.u32 s19, $0x5;
	[sflag:s20] =	ssyncset.done @!p1 $0x0  }
0x11d: {  	s23 =	sand.u32 $0x3FFFFFE0, s22;
	[sflag:s20] =	ssyncadd.s32 @!p1 $0xFFFFFE50  }
0x11e: {  	v0 =	vld [tilespmem:s23+$0x0]  }
0x11f: {  	s21 =	simm.s32 $0x18B00;
	s20 =	simm.s32 $0x0;
	v1 =	vld [tilespmem:s23+$0x10]  }
.LBB2_9:
0x120: {  	v2 =	vld [tilespmem:s21+$0xFFFFFF00]  }
0x121: {  	v3 =	vld [tilespmem:s21+$0xFFFFFF10]  }
0x122: {  	v4 =	vld [tilespmem:s21+$0xFFFFFF20]  }
0x123: {  	v5 =	vld [tilespmem:s21+$0xFFFFFF30]  }
0x124: {  	v6 =	vld [tilespmem:s21+$0xFFFFFF40]  }
0x125: {  	v7 =	vld [tilespmem:s21+$0xFFFFFF50]  }
0x126: {  	v8 =	vld [tilespmem:s21+$0xFFFFFF60]  }
0x127: {  	v9 =	vld [tilespmem:s21+$0xFFFFFF70]  }
0x128: {  	v10 =	vld [tilespmem:s21+$0xFFFFFF80]  }
0x129: {  	v11 =	vld [tilespmem:s21+$0xFFFFFF90]  }
0x12a: {  	v12 =	vld [tilespmem:s21+$0xFFFFFFA0]  }
0x12b: {  	v13 =	vld [tilespmem:s21+$0xFFFFFFB0]  }
0x12c: {  	v14 =	vld [tilespmem:s21+$0xFFFFFFC0]  }
0x12d: {  	v15 =	vld [tilespmem:s21+$0xFFFFFFD0]  }
0x12e: {  	v16 =	vld [tilespmem:s21+$0xFFFFFFE0]  }
0x12f: {  	v17 =	vld [tilespmem:s21+$0xFFFFFFF0]  }
0x130: {  	v18 =	vld [tilespmem:s21+$0x0]  }
0x131: {  	v19 =	vld [tilespmem:s21+$0x10];
	v2 =	vmul.f32 v2, v0;
	v3 =	vmul.f32 v3, v1  }
0x132: {  	v20 =	vld [tilespmem:s21+$0x20];
	v4 =	vmul.f32 v4, v0;
	v5 =	vmul.f32 v5, v1  }
0x133: {  	v21 =	vld [tilespmem:s21+$0x30];
	v47 =	vmul.f32 v7, v1;
	v2 =	vadd.f32 v3, v2;
	v3 =	vmul.f32 v6, v0  }
0x134: {  	v22 =	vld [tilespmem:s21+$0x40];
	v4 =	vadd.f32 v5, v4  }
0x135: {  	v48 =	vld [tilespmem:s21+$0x50];
	v50 =	vmul.f32 v9, v1;
	(xrf2) =	vadd.scan.msk.f32 $0xffff, v2;
	v2 =	vadd.f32 v47, v3;
	v3 =	vmul.f32 v8, v0  }
0x136: {  	v49 =	vld [tilespmem:s21+$0x60];
	v52 =	vmul.f32 v10, v0;
	v53 =	vmul.f32 v11, v1;
	(xrf2) =	vadd.scan.msk.f32 $0xffff, v4  }
0x137: {  	v51 =	vld [tilespmem:s21+$0x70];
	v55 =	vmul.f32 v13, v1;
	(xrf2) =	vadd.scan.msk.f32 $0xffff, v2;
	v2 =	vadd.f32 v50, v3;
	v3 =	vmul.f32 v12, v0  }
0x138: {  	v54 =	vld [tilespmem:s21+$0x80];
	v57 =	vmul.f32 v14, v0;
	v58 =	vmul.f32 v15, v1;
	v4 =	vadd.f32 v53, v52  }
0x139: {  	v56 =	vld [tilespmem:s21+$0x90];
	v60 =	vmul.f32 v17, v1;
	(xrf2) =	vadd.scan.msk.f32 $0xffff, v2;
	v2 =	vadd.f32 v55, v3;
	v3 =	vmul.f32 v16, v0  }
0x13a: {  	v59 =	vld [tilespmem:s21+$0xA0];
	v63 =	vmul.f32 v18, v0;
	v23 =	vmul.f32 v19, v1;
	v62 =	vadd.f32 v58, v57;
	(xrf2) =	vadd.scan.msk.f32 $0xffff, v4  }
0x13b: {  	v61 =	vld [tilespmem:s21+$0xB0];
	v25 =	vmul.f32 v21, v1;
	(xrf2) =	vadd.scan.msk.f32 $0xffff, v2;
	v2 =	vadd.f32 v60, v3;
	v3 =	vmul.f32 v20, v0  }
0x13c: {  	v24 =	vld [tilespmem:s21+$0xC0];
	v28 =	vmul.f32 v22, v0;
	v7 =	vmul.f32 v48, v1;
	(xrf2) =	vadd.scan.msk.f32 $0xffff, v62  }
0x13d: {  	v26 =	vld [tilespmem:s21+$0xD0];
	v27 =	vadd.f32 v23, v63;
	(xrf2) =	vadd.scan.msk.f32 $0xffff, v2;
	v2 =	vadd.f32 v25, v3;
	v3 =	vmul.f32 v49, v0  }
0x13e: {  	v34 =	vld [tilespmem:s21+$0xF0];
	v29 =	vmul.f32 v51, v1  }
0x13f: {  	v30 =	vld [tilespmem:s21+$0xE0];
	v32 =	vmul.f32 v54, v0;
	v33 =	vmul.f32 v56, v1;
	v31 =	vadd.f32 v7, v28;
	(xrf2) =	vadd.scan.msk.f32 $0xffff, v27  }
0x140: {  	v35 =	vmul.f32 v59, v0;
	v36 =	vmul.f32 v61, v1;
	(xrf2) =	vadd.scan.msk.f32 $0xffff, v2;
	v2 =	vadd.f32 v29, v3  }
0x141: {  	v39 =	vmul.f32 v24, v0;
	v37 =	vadd.f32 v33, v32;
	v3, _, _ =	vpop (xrf2);
	(xrf2) =	vadd.scan.msk.f32 $0xffff, v31  }
0x142: {  	v40 =	vmul.f32 v26, v1;
	v38, _, _ =	vpop (xrf2);
	(xrf2) =	vadd.scan.msk.f32 $0xffff, v2;
	v2 =	vbroadcast v3, $0xF;
	v3 =	vadd.f32 v36, v35  }
0x143: {  	v45 =	vmul.f32 v34, v1;
	v41, _, _ =	vpop (xrf2);
	(xrf2) =	vadd.scan.msk.f32 $0xffff, v37  }
0x144: {  	v43 =	vadd.f32 v40, v39;
	v42 =	vbroadcast v38, $0xF;
	v44, _, _ =	vpop (xrf2);
	(xrf2) =	vadd.scan.msk.f32 $0xffff, v3;
	v3 =	vmul.f32 v30, v0  }
0x145: {  	v5 =	vbroadcast v41, $0xF  }
0x146: {  	v2 =	vsel vm0, v2, v42;
	v46 =	vbroadcast v44, $0xF;
	v47, _, _ =	vpop (xrf2);
	(xrf2) =	vadd.scan.msk.f32 $0xffff, v43;
	v3 =	vadd.f32 v45, v3  }
0x147: {  	v48, _, _ =	vpop (xrf2);
	v2 =	vsel vm1, v2, v5;
	v49 =	vbroadcast v47, $0xF  }
0x148: {  	v50, _, _ =	vpop (xrf2);
	v2 =	vsel vm2, v2, v46;
	v51 =	vbroadcast v48, $0xF  }
0x149: {  	v2 =	vsel vm3, v2, v49;
	v52 =	vbroadcast v50, $0xF;
	v53, _, _ =	vpop (xrf2)  }
0x14a: {  	(xrf2) =	vadd.scan.msk.f32 $0xffff, v3;
	v2 =	vsel vm4, v2, v51;
	v54 =	vbroadcast v53, $0xF;
	v3, _, _ =	vpop (xrf2)  }
0x14b: {  	v2 =	vsel vm5, v2, v52;
	v55, _, _ =	vpop (xrf2);
	v3 =	vbroadcast v3, $0xF  }
0x14c: {  	v2 =	vsel vm6, v2, v54;
	v56, _, _ =	vpop (xrf2);
	v57 =	vbroadcast v55, $0xF  }
0x14d: {  	v58, _, _ =	vpop (xrf2);
	v2 =	vsel vm7, v2, v3;
	v3 =	vbroadcast v56, $0xF  }
0x14e: {  	v59, _, _ =	vpop (xrf2);
	v2 =	vsel vm8, v2, v57;
	v60 =	vbroadcast v58, $0xF  }
0x14f: {  	v61, _, _ =	vpop (xrf2);
	v2 =	vsel vm9, v2, v3;
	v3 =	vbroadcast v59, $0xF  }
0x150: {  	v62, _, _ =	vpop (xrf2);
	v2 =	vsel vm10, v2, v60  }
0x151: {  	v2 =	vsel vm11, v2, v3;
	v3 =	vbroadcast v62, $0xF  }
0x152: {  	p1 =	sne.s32 s20, $0x680;
	v63 =	vbroadcast v61, $0xF  }
.Ltmp3:
0x153: {  	_ = 	snop;
	(pc) =	sbr.rel @p1 .LBB2_9-.Ltmp3, $4  }
0x154: {  	v2 =	vsel vm12, v2, v63  }
0x155: {  	v2 =	vsel vm13, v2, v3;
	v3, _, _ =	vpop (xrf2)  }
0x156: {  	s22 =	sshra.s32 s20, $0x2;
	v2 =	vsel vm14, v2, v3  }
0x157: {  	s21 =	sadd.s32 $0x200, s21;
	s20 =	sadd.s32 $0x40, s20;
	[tilespmem:s22+$0x1C510] =	vst v2  }
0x158: {  	s20 =	sadd.s32 @!p0 $0x1BD0, s18;
	s21 =	simm.s32 @!p0 $0x80;
	s22 =	simm.s32 @!p0 $0x18A00  }
0x159: {  	[tilespmem:s22], [sflag:$0x4] =	stream.indirect.gather @!p0 [hbm4b:s3+s21], $0x20, s20, s21, $0xb8;
	[tilespmem:$0x1C6C0] =	vst v63  }
0x15a: {  	s20 =	sadd.s32 @!p0 $0x1C50, s18;
	s22 =	simm.s32 @!p0 $0x19A00  }
0x15b: {  	[tilespmem:s22], [sflag:$0x4] =	stream.indirect.gather @!p0 [hbm4b:s3+s21], $0x20, s20, s21, $0xb8;
	[tilespmem:$0x1C6C0] =	vst v63  }
0x15c: {  	s16 =	sadd.s32 $0x1, s16;
	s20 =	sadd.s32 @!p0 $0x1CD0, s18;
	s22 =	simm.s32 @!p0 $0x1AA00  }
0x15d: {  	[tilespmem:s22], [sflag:$0x4] =	stream.indirect.gather @!p0 [hbm4b:s3+s21], $0x20, s20, s21, $0xb8;
	[tilespmem:$0x1C6C0] =	vst v63  }
0x15e: {  	s18 =	sadd.s32 @!p0 $0x1D50, s18;
	s20 =	simm.s32 @!p0 $0x24;
	s21 =	simm.s32 @!p0 $0x1BA00  }
0x15f: {  	[tilespmem:s21], [sflag:$0x4] =	stream.indirect.gather @!p0 [hbm4b:s3+s20], $0x20, s18, s20, $0xb8;
	[tilespmem:$0x1C6C0] =	vst v63  }
0x160: {  	p0 =	sne.s32 s16, $0x20  }
.Ltmp4:
0x161: {  	s19 =	sadd.s32 s5, s19;
	(pc) =	sbr.rel @p0 .LBB2_2-.Ltmp4, $3  }
0x162: {  	s19 =	smul.u32 $0x36, s19;
	_ =	sdelay $0x1  }
0x163: {  	s23 =	sadd.s32 s4, s19  }
0x164: {  	[hbm4b:s23+s2] =	stream.linear.scatter [tilespmem:s1], [sflag:$0x8], $0x1B0, $0x38;
	[tilespmem:$0x1C6C0] =	vst v63  }
0x165: {  	_ =	swait.ge [sflag:s0], $0x1B0  }
0x166: {  	[sflag:s0] =	ssyncset.done $0x0  }
0x167: {  	[sflag:s0] =	ssyncadd.s32 $0xFFFFFE50  }
0x168: {  	_ =	swait.ge [sflag:s12], $0x1B0  }
0x169: {  	[sflag:s12] =	ssyncset.done $0x0  }
0x16a: {  	s15 =	sadd.s32 $0x1, s15;
	[sflag:s12] =	ssyncadd.s32 $0xFFFFFE50  }
0x16b: {  	p0 =	sne.s32 s15, s8;
	_ =	swait.ge [sflag:s13], $0x1B0  }
.Ltmp5:
0x16c: {  	[sflag:s13] =	ssyncset.done $0x0;
	(pc) =	sbr.rel @p0 .LBB2_1-.Ltmp5, $4  }
0x16d: {  	[sflag:s13] =	ssyncadd.s32 $0xFFFFFE50  }
0x16e: {  	_ =	swait.ge [sflag:s14], $0x1B0  }
0x16f: {  	[sflag:s14] =	ssyncset.done $0x0  }
0x170: {  	[sflag:s14] =	ssyncadd.s32 $0xFFFFFE50  }
0x171: {  	_ =	sfence.sel $0x180000  }
0x172: {  	[bflag:$0x0] =	sbarrier.arrive $0xFFFF  }
0x173: {  	_ =	strace $0x9000004A  }
0x174: {  	s0 =	stileid.u32;
	[bflag:$0x2] =	sbarrier.arrive $0xFFFF  }
0x175: {  	p0 =	sne.s32 s0, $0x0;
	s0 =	rddreg [dreg:$0x1]  }
0x176: {  	s0 =	sadd.s32 @!p0 $0x100000, s0  }
0x177: {  	[sflag:s0] =	ssyncadd.tile.s32 @!p0 $0x1;
	_ =	shalt  }
.Lfunc_end2:
_tile_overlayer_lowered:
.L_overlay_start_2:
0x178: {  	(tag) =	ssettag $0x2  }
0x179: {  	s0 =	rddreg [dreg:$0x0];
	s2 =	stileid.u32  }
0x17a: {  	s1 =	rddreg [dreg:$0x1];
	p0 =	sne.s32 s2, $0x0  }
0x17b: {  	s3 =	rddreg [dreg:$0x2];
	[bflag:$0x3] =	sbarrier.arrive $0xFFFF;
	s2 =	simm.s32 @!p0 $0x1C09  }
0x17c: {  	[timem:s3], [sflag:s2] =	dma.local @!p0 [hbm:s0], s1  }
0x17d: {  	s0 =	simm.s32 @!p0 $0x9  }
0x17e: {  	_ =	swait.ge @!p0 [sflag:s0], s1  }
0x17f: {  	s1 =	ssub.s32 @!p0 $0x0, s1;
	[sflag:s0] =	ssyncset.done @!p0 $0x0  }
0x180: {  	[sflag:s0] =	ssyncadd.s32 @!p0 s1  }
0x181: {  	[bflag:$0x3] =	sbarrier.arrive $0xFFFF  }
0x182: {  	_ =	shalt  }

</sc_bundles>
